<compile_context>
chip_gen: v7x
topology: tpu7x:2x2x1
jax: 0.10.2.dev20260603
libtpu: 0.0.44.dev20260713+nightly
codegen_flags: <defaults>
</compile_context>

<pallas_src>
import functools

import jax
import jax.numpy as jnp
from jax import lax
from jax.experimental import pallas as pl
from jax.experimental.pallas import tpu as pltpu
from jax.experimental.pallas import tpu_sc as plsc

_DIM = 32
_CODES = 512
_BM = 4096


def _argmin_body(n_tokens, x_ref, emb_ref, idx_ref, loss_ref, tab_ref):
    i = pl.program_id(0)
    x = x_ref[...]
    e = emb_ref[...]
    rowsq = jnp.sum(x * x, axis=1, keepdims=True)
    esq = jnp.sum(e * e, axis=0, keepdims=True)
    dot = jnp.dot(x, e, preferred_element_type=jnp.float32)
    dist = (rowsq - 2.0 * dot) + esq
    minval = jnp.min(dist, axis=1, keepdims=True)
    cols = lax.broadcasted_iota(jnp.int32, (1, _CODES), 1).astype(jnp.float32)
    idxf = jnp.min(jnp.where(dist == minval, cols, float(_CODES)), axis=1)
    idx_ref[...] = idxf.astype(jnp.int32).reshape(_BM // 256, 256)
    part = jnp.dot(jnp.ones((1, _BM), jnp.float32), minval,
                   preferred_element_type=jnp.float32)

    @pl.when(i == 0)
    def _init():
        loss_ref[...] = jnp.zeros((1, 1), jnp.float32)
        tab_ref[...] = e.T

    loss_ref[...] += part

    @pl.when(i == pl.num_programs(0) - 1)
    def _scale():
        loss_ref[...] *= 1.25 / (n_tokens * _DIM)


def _tc_argmin(flat_x, embeddings, chunk, n_chunks):
    n_total = flat_x.shape[0]
    nc = n_total // n_chunks
    grid = nc // _BM
    base = chunk * grid
    return pl.pallas_call(
        functools.partial(_argmin_body, n_total),
        grid=(grid,),
        in_specs=[
            pl.BlockSpec((_BM, _DIM), lambda i: (base + i, 0)),
            pl.BlockSpec((_DIM, _CODES), lambda i: (0, 0)),
        ],
        out_specs=[
            pl.BlockSpec((_BM // 256, 256), lambda i: (i, 0)),
            pl.BlockSpec((1, 1), lambda i: (0, 0)),
            pl.BlockSpec((_CODES, _DIM), lambda i: (0, 0)),
        ],
        out_shape=[
            jax.ShapeDtypeStruct((nc // 256, 256), jnp.int32),
            jax.ShapeDtypeStruct((1, 1), jnp.float32),
            jax.ShapeDtypeStruct((_CODES, _DIM), jnp.float32),
        ],
    )(flat_x, embeddings)


_SC_CORES = 2
_SC_SUBCORES = 16


def _make_sc_gather(n_tokens):
    nw = _SC_CORES * _SC_SUBCORES
    rows_per_w = n_tokens // nw
    fire = 256
    group = 4
    gtok = group * fire
    n_groups = rows_per_w // gtok
    n_idx_rows = rows_per_w // fire
    d0 = n_tokens // gtok
    mesh = plsc.VectorSubcoreMesh(
        core_axis_name="c", subcore_axis_name="s",
        num_cores=_SC_CORES, num_subcores=_SC_SUBCORES)

    @functools.partial(
        pl.kernel,
        mesh=mesh,
        out_type=jax.ShapeDtypeStruct((d0, gtok, _DIM), jnp.float32),
        scratch_types=[
            pltpu.VMEM((n_idx_rows, fire), jnp.int32),
            pltpu.VMEM((2, gtok, _DIM), jnp.float32),
            pltpu.SemaphoreType.DMA,
            pltpu.SemaphoreType.DMA,
            pltpu.SemaphoreType.DMA,
            pltpu.SemaphoreType.DMA,
        ],
        compiler_params=pltpu.CompilerParams(use_tc_tiling_on_sc=False),
    )
    def gather_kernel(table_hbm, idx_hbm, out_hbm, idx_v, rows_v,
                      gsem0, gsem1, ssem0, ssem1):
        wid = lax.axis_index("s") * _SC_CORES + lax.axis_index("c")
        gsems = (gsem0, gsem1)
        ssems = (ssem0, ssem1)
        pltpu.sync_copy(idx_hbm.at[pl.ds(wid * n_idx_rows, n_idx_rows)], idx_v)

        def fire_gathers(g, b):
            return [pltpu.async_copy(
                table_hbm.at[idx_v.at[g * group + t]],
                rows_v.at[b, pl.ds(t * fire, fire)],
                gsems[b]) for t in range(group)]

        gh = {0: fire_gathers(0, 0)}
        sh = {}
        for g in range(n_groups):
            b = g & 1
            nb = b ^ 1
            if g + 1 < n_groups:
                if g - 1 in sh:
                    sh.pop(g - 1).wait()
                gh[g + 1] = fire_gathers(g + 1, nb)
            for c in gh.pop(g):
                c.wait()
            sh[g] = pltpu.async_copy(
                rows_v.at[b], out_hbm.at[wid * n_groups + g], ssems[b])
        for g in sorted(sh):
            sh.pop(g).wait()

    return gather_kernel


def kernel(inputs, embeddings):
    in_shape = inputs.shape
    flat_x = inputs.reshape(-1, _DIM)
    n = flat_x.shape[0]
    n_chunks = 2
    gather = _make_sc_gather(n // n_chunks)
    parts, losses, table = [], [], None
    for c in range(n_chunks):
        idx_c, loss_c, tab_c = _tc_argmin(flat_x, embeddings, c, n_chunks)
        losses.append(loss_c)
        if table is None:
            table = tab_c
        parts.append(gather(table, idx_c))
    quant = jnp.concatenate(parts, axis=0)
    loss = sum(l[0, 0] for l in losses)
    return quant.reshape(in_shape), loss

# --- scband reference (transcript-rebuilt; emitter-appended) ---
"""Pipeline reference for scband-vector-quantizer-66348654788807 (READ-ONLY COPY).

The authoritative reference and input builder live on the scoring server;
editing this copy changes nothing except your own understanding.
"""

import jax, jax.numpy as jnp
import numpy as np

NUM_EMBEDDINGS = 512
EMBEDDING_DIM = 32
COMMITMENT_COST = 0.25


def setup_inputs(seed: int = 0) -> dict:
    key = jax.random.key(seed)
    k1, k2 = jax.random.split(key)
    inputs = jax.random.normal(k1, (256, 1024, EMBEDDING_DIM), dtype=jnp.float32)
    # tf.random_uniform_initializer default range is [-0.05, 0.05]
    embeddings = jax.random.uniform(k2, (EMBEDDING_DIM, NUM_EMBEDDINGS), dtype=jnp.float32, minval=-0.05, maxval=0.05)
    return {"inputs": inputs, "embeddings": embeddings}


def reference(inputs, embeddings):
    input_shape = inputs.shape
    flat_inputs = inputs.reshape(-1, EMBEDDING_DIM)
    distances = (
        jnp.sum(flat_inputs ** 2, axis=1, keepdims=True)
        - 2.0 * flat_inputs @ embeddings
        + jnp.sum(embeddings ** 2, axis=0, keepdims=True)
    )
    encoding_indices = jnp.argmin(distances, axis=1)
    encodings = jax.nn.one_hot(encoding_indices, NUM_EMBEDDINGS, dtype=flat_inputs.dtype)
    quantized = encodings @ embeddings.T
    quantized = quantized.reshape(input_shape)
    e_latent_loss = jnp.mean((jax.lax.stop_gradient(quantized) - inputs) ** 2)
    q_latent_loss = jnp.mean((quantized - jax.lax.stop_gradient(inputs)) ** 2)
    loss = q_latent_loss + COMMITMENT_COST * e_latent_loss
    quantized = inputs + jax.lax.stop_gradient(quantized - inputs)
    return (quantized, loss)

if __name__ == "__main__":
    import jax
    _d = setup_inputs()
    print(jax.jit(kernel)(*tuple(_d.values())))

</pallas_src>

<mosaic_0001>
#map = affine_map<(d0, d1) -> (0, 0)>
#map1 = affine_map<(d0, d1) -> (0, 0, 0)>
module attributes {stable_mosaic.version = 14 : i64} {
  func.func @gather_kernel(%arg0: i32, %arg1: i32, %arg2: memref<512x32xf32, #tpu.memory_space<hbm>>, %arg3: memref<512x256xi32, #tpu.memory_space<hbm>>, %arg4: memref<128x1024x32xf32, #tpu.memory_space<hbm>>, %arg5: memref<16x256xi32, #tpu.memory_space<vmem>>, %arg6: memref<2x1024x32xf32, #tpu.memory_space<vmem>>, %arg7: memref<!tpu.dma_semaphore, #tpu.memory_space<semaphore_mem>>, %arg8: memref<!tpu.dma_semaphore, #tpu.memory_space<semaphore_mem>>, %arg9: memref<!tpu.dma_semaphore, #tpu.memory_space<semaphore_mem>>, %arg10: memref<!tpu.dma_semaphore, #tpu.memory_space<semaphore_mem>>) attributes {dimension_semantics = [#tpu.dimension_semantics<core_parallel>, #tpu.dimension_semantics<subcore_parallel>], iteration_bounds = array<i64: 2, 16>, scalar_prefetch = 0 : i64, scratch_operands = 6 : i64, tpu.core_type = #tpu.core_type<sc_vector_subcore>, window_params = [{transform_indices = #map}, {transform_indices = #map}, {transform_indices = #map1}]} {
    %mul3A = arith.constant 2 : i32
    %mul3A_0 = arith.muli %arg1, %mul3A : i32
    %add3A = arith.addi %mul3A_0, %arg0 : i32
    %mul3A_1 = arith.constant 16 : i32
    %mul3A_2 = arith.muli %add3A, %mul3A_1 : i32
    "tpu.region"() ({
      %run_scoped3A = tpu.sem_alloc : memref<!tpu.dma_semaphore, #tpu.memory_space<semaphore_mem>>
      %dma_start3A_537 = arith.constant 0 : i32
      %dma_start3A_538 = tpu.memref_slice %arg3[%mul3A_2, %dma_start3A_537] : memref<512x256xi32, #tpu.memory_space<hbm>> -> memref<16x256xi32, #tpu.memory_space<hbm>>
      %dma_start3A_539 = arith.constant 0 : i32
      %dma_start3A_540 = tpu.memref_slice %arg3[%mul3A_2, %dma_start3A_539] : memref<512x256xi32, #tpu.memory_space<hbm>> -> memref<16x256xi32, #tpu.memory_space<hbm>>
      tpu.enqueue_dma source(%dma_start3A_540 : memref<16x256xi32, #tpu.memory_space<hbm>>) target(%arg5 : memref<16x256xi32, #tpu.memory_space<vmem>>) target_semaphore(%run_scoped3A : memref<!tpu.dma_semaphore, #tpu.memory_space<semaphore_mem>>)
      %dma_wait3A_541 = arith.constant 0 : i32
      %dma_wait3A_542 = tpu.memref_slice %arg3[%mul3A_2, %dma_wait3A_541] : memref<512x256xi32, #tpu.memory_space<hbm>> -> memref<16x256xi32, #tpu.memory_space<hbm>>
      %dma_wait3A_543 = arith.constant 0 : i32
      %dma_wait3A_544 = tpu.memref_slice %arg3[%mul3A_2, %dma_wait3A_543] : memref<512x256xi32, #tpu.memory_space<hbm>> -> memref<16x256xi32, #tpu.memory_space<hbm>>
      tpu.wait_dma2 semaphore(%run_scoped3A : memref<!tpu.dma_semaphore, #tpu.memory_space<semaphore_mem>>) src(%dma_wait3A_544 : memref<16x256xi32, #tpu.memory_space<hbm>>) dst(%arg5 : memref<16x256xi32, #tpu.memory_space<vmem>>)
      tpu.yield
    }) : () -> ()
    %dma_start3A = arith.constant 0 : i32
    %dma_start3A_3 = arith.constant 0 : i32
    %dma_start3A_4 = arith.constant 0 : i32
    %dma_start3A_5 = arith.constant 0 : i32
    %dma_start3A_6 = tpu.memref_slice %arg6[%dma_start3A_3, %dma_start3A_4, %dma_start3A_5] : memref<2x1024x32xf32, #tpu.memory_space<vmem>> -> memref<1x256x32xf32, #tpu.memory_space<vmem>>
    %dma_start3A_7 = tpu.memref_squeeze %dma_start3A_6 : memref<1x256x32xf32, #tpu.memory_space<vmem>> -> memref<256x32xf32, #tpu.memory_space<vmem>>
    %dma_start3A_8 = arith.constant 0 : i32
    %dma_start3A_9 = tpu.memref_slice %arg5[%dma_start3A, %dma_start3A_8] : memref<16x256xi32, #tpu.memory_space<vmem>> -> memref<1x256xi32, #tpu.memory_space<vmem>>
    %dma_start3A_10 = tpu.memref_squeeze %dma_start3A_9 : memref<1x256xi32, #tpu.memory_space<vmem>> -> memref<256xi32, #tpu.memory_space<vmem>>
    %dma_start3A_11 = arith.constant 0 : i32
    %dma_start3A_12 = arith.constant 0 : i32
    %dma_start3A_13 = tpu.memref_slice %arg2[%dma_start3A_11, %dma_start3A_12] : memref<512x32xf32, #tpu.memory_space<hbm>> -> memref<512x32xf32, #tpu.memory_space<hbm>>
    tpu.enqueue_indirect_dma source(%dma_start3A_13 : memref<512x32xf32, #tpu.memory_space<hbm>>) target(%dma_start3A_7 : memref<256x32xf32, #tpu.memory_space<vmem>>) offsets(%dma_start3A_10 : memref<256xi32, #tpu.memory_space<vmem>>) semaphore(%arg7 : memref<!tpu.dma_semaphore, #tpu.memory_space<semaphore_mem>>)
    %dma_start3A_14 = arith.constant 1 : i32
    %dma_start3A_15 = arith.constant 0 : i32
    %dma_start3A_16 = arith.constant 256 : i32
    %dma_start3A_17 = arith.constant 0 : i32
    %dma_start3A_18 = tpu.memref_slice %arg6[%dma_start3A_15, %dma_start3A_16, %dma_start3A_17] : memref<2x1024x32xf32, #tpu.memory_space<vmem>> -> memref<1x256x32xf32, #tpu.memory_space<vmem>>
    %dma_start3A_19 = tpu.memref_squeeze %dma_start3A_18 : memref<1x256x32xf32, #tpu.memory_space<vmem>> -> memref<256x32xf32, #tpu.memory_space<vmem>>
    %dma_start3A_20 = arith.constant 0 : i32
    %dma_start3A_21 = tpu.memref_slice %arg5[%dma_start3A_14, %dma_start3A_20] : memref<16x256xi32, #tpu.memory_space<vmem>> -> memref<1x256xi32, #tpu.memory_space<vmem>>
    %dma_start3A_22 = tpu.memref_squeeze %dma_start3A_21 : memref<1x256xi32, #tpu.memory_space<vmem>> -> memref<256xi32, #tpu.memory_space<vmem>>
    %dma_start3A_23 = arith.constant 0 : i32
    %dma_start3A_24 = arith.constant 0 : i32
    %dma_start3A_25 = tpu.memref_slice %arg2[%dma_start3A_23, %dma_start3A_24] : memref<512x32xf32, #tpu.memory_space<hbm>> -> memref<512x32xf32, #tpu.memory_space<hbm>>
    tpu.enqueue_indirect_dma source(%dma_start3A_25 : memref<512x32xf32, #tpu.memory_space<hbm>>) target(%dma_start3A_19 : memref<256x32xf32, #tpu.memory_space<vmem>>) offsets(%dma_start3A_22 : memref<256xi32, #tpu.memory_space<vmem>>) semaphore(%arg7 : memref<!tpu.dma_semaphore, #tpu.memory_space<semaphore_mem>>)
    %dma_start3A_26 = arith.constant 2 : i32
    %dma_start3A_27 = arith.constant 0 : i32
    %dma_start3A_28 = arith.constant 512 : i32
    %dma_start3A_29 = arith.constant 0 : i32
    %dma_start3A_30 = tpu.memref_slice %arg6[%dma_start3A_27, %dma_start3A_28, %dma_start3A_29] : memref<2x1024x32xf32, #tpu.memory_space<vmem>> -> memref<1x256x32xf32, #tpu.memory_space<vmem>>
    %dma_start3A_31 = tpu.memref_squeeze %dma_start3A_30 : memref<1x256x32xf32, #tpu.memory_space<vmem>> -> memref<256x32xf32, #tpu.memory_space<vmem>>
    %dma_start3A_32 = arith.constant 0 : i32
    %dma_start3A_33 = tpu.memref_slice %arg5[%dma_start3A_26, %dma_start3A_32] : memref<16x256xi32, #tpu.memory_space<vmem>> -> memref<1x256xi32, #tpu.memory_space<vmem>>
    %dma_start3A_34 = tpu.memref_squeeze %dma_start3A_33 : memref<1x256xi32, #tpu.memory_space<vmem>> -> memref<256xi32, #tpu.memory_space<vmem>>
    %dma_start3A_35 = arith.constant 0 : i32
    %dma_start3A_36 = arith.constant 0 : i32
    %dma_start3A_37 = tpu.memref_slice %arg2[%dma_start3A_35, %dma_start3A_36] : memref<512x32xf32, #tpu.memory_space<hbm>> -> memref<512x32xf32, #tpu.memory_space<hbm>>
    tpu.enqueue_indirect_dma source(%dma_start3A_37 : memref<512x32xf32, #tpu.memory_space<hbm>>) target(%dma_start3A_31 : memref<256x32xf32, #tpu.memory_space<vmem>>) offsets(%dma_start3A_34 : memref<256xi32, #tpu.memory_space<vmem>>) semaphore(%arg7 : memref<!tpu.dma_semaphore, #tpu.memory_space<semaphore_mem>>)
    %dma_start3A_38 = arith.constant 3 : i32
    %dma_start3A_39 = arith.constant 0 : i32
    %dma_start3A_40 = arith.constant 768 : i32
    %dma_start3A_41 = arith.constant 0 : i32
    %dma_start3A_42 = tpu.memref_slice %arg6[%dma_start3A_39, %dma_start3A_40, %dma_start3A_41] : memref<2x1024x32xf32, #tpu.memory_space<vmem>> -> memref<1x256x32xf32, #tpu.memory_space<vmem>>
    %dma_start3A_43 = tpu.memref_squeeze %dma_start3A_42 : memref<1x256x32xf32, #tpu.memory_space<vmem>> -> memref<256x32xf32, #tpu.memory_space<vmem>>
    %dma_start3A_44 = arith.constant 0 : i32
    %dma_start3A_45 = tpu.memref_slice %arg5[%dma_start3A_38, %dma_start3A_44] : memref<16x256xi32, #tpu.memory_space<vmem>> -> memref<1x256xi32, #tpu.memory_space<vmem>>
    %dma_start3A_46 = tpu.memref_squeeze %dma_start3A_45 : memref<1x256xi32, #tpu.memory_space<vmem>> -> memref<256xi32, #tpu.memory_space<vmem>>
    %dma_start3A_47 = arith.constant 0 : i32
    %dma_start3A_48 = arith.constant 0 : i32
    %dma_start3A_49 = tpu.memref_slice %arg2[%dma_start3A_47, %dma_start3A_48] : memref<512x32xf32, #tpu.memory_space<hbm>> -> memref<512x32xf32, #tpu.memory_space<hbm>>
    tpu.enqueue_indirect_dma source(%dma_start3A_49 : memref<512x32xf32, #tpu.memory_space<hbm>>) target(%dma_start3A_43 : memref<256x32xf32, #tpu.memory_space<vmem>>) offsets(%dma_start3A_46 : memref<256xi32, #tpu.memory_space<vmem>>) semaphore(%arg7 : memref<!tpu.dma_semaphore, #tpu.memory_space<semaphore_mem>>)
    %dma_start3A_50 = arith.constant 4 : i32
    %dma_start3A_51 = arith.constant 1 : i32
    %dma_start3A_52 = arith.constant 0 : i32
    %dma_start3A_53 = arith.constant 0 : i32
    %dma_start3A_54 = tpu.memref_slice %arg6[%dma_start3A_51, %dma_start3A_52, %dma_start3A_53] : memref<2x1024x32xf32, #tpu.memory_space<vmem>> -> memref<1x256x32xf32, #tpu.memory_space<vmem>>
    %dma_start3A_55 = tpu.memref_squeeze %dma_start3A_54 : memref<1x256x32xf32, #tpu.memory_space<vmem>> -> memref<256x32xf32, #tpu.memory_space<vmem>>
    %dma_start3A_56 = arith.constant 0 : i32
    %dma_start3A_57 = tpu.memref_slice %arg5[%dma_start3A_50, %dma_start3A_56] : memref<16x256xi32, #tpu.memory_space<vmem>> -> memref<1x256xi32, #tpu.memory_space<vmem>>
    %dma_start3A_58 = tpu.memref_squeeze %dma_start3A_57 : memref<1x256xi32, #tpu.memory_space<vmem>> -> memref<256xi32, #tpu.memory_space<vmem>>
    %dma_start3A_59 = arith.constant 0 : i32
    %dma_start3A_60 = arith.constant 0 : i32
    %dma_start3A_61 = tpu.memref_slice %arg2[%dma_start3A_59, %dma_start3A_60] : memref<512x32xf32, #tpu.memory_space<hbm>> -> memref<512x32xf32, #tpu.memory_space<hbm>>
    tpu.enqueue_indirect_dma source(%dma_start3A_61 : memref<512x32xf32, #tpu.memory_space<hbm>>) target(%dma_start3A_55 : memref<256x32xf32, #tpu.memory_space<vmem>>) offsets(%dma_start3A_58 : memref<256xi32, #tpu.memory_space<vmem>>) semaphore(%arg8 : memref<!tpu.dma_semaphore, #tpu.memory_space<semaphore_mem>>)
    %dma_start3A_62 = arith.constant 5 : i32
    %dma_start3A_63 = arith.constant 1 : i32
    %dma_start3A_64 = arith.constant 256 : i32
    %dma_start3A_65 = arith.constant 0 : i32
    %dma_start3A_66 = tpu.memref_slice %arg6[%dma_start3A_63, %dma_start3A_64, %dma_start3A_65] : memref<2x1024x32xf32, #tpu.memory_space<vmem>> -> memref<1x256x32xf32, #tpu.memory_space<vmem>>
    %dma_start3A_67 = tpu.memref_squeeze %dma_start3A_66 : memref<1x256x32xf32, #tpu.memory_space<vmem>> -> memref<256x32xf32, #tpu.memory_space<vmem>>
    %dma_start3A_68 = arith.constant 0 : i32
    %dma_start3A_69 = tpu.memref_slice %arg5[%dma_start3A_62, %dma_start3A_68] : memref<16x256xi32, #tpu.memory_space<vmem>> -> memref<1x256xi32, #tpu.memory_space<vmem>>
    %dma_start3A_70 = tpu.memref_squeeze %dma_start3A_69 : memref<1x256xi32, #tpu.memory_space<vmem>> -> memref<256xi32, #tpu.memory_space<vmem>>
    %dma_start3A_71 = arith.constant 0 : i32
    %dma_start3A_72 = arith.constant 0 : i32
    %dma_start3A_73 = tpu.memref_slice %arg2[%dma_start3A_71, %dma_start3A_72] : memref<512x32xf32, #tpu.memory_space<hbm>> -> memref<512x32xf32, #tpu.memory_space<hbm>>
    tpu.enqueue_indirect_dma source(%dma_start3A_73 : memref<512x32xf32, #tpu.memory_space<hbm>>) target(%dma_start3A_67 : memref<256x32xf32, #tpu.memory_space<vmem>>) offsets(%dma_start3A_70 : memref<256xi32, #tpu.memory_space<vmem>>) semaphore(%arg8 : memref<!tpu.dma_semaphore, #tpu.memory_space<semaphore_mem>>)
    %dma_start3A_74 = arith.constant 6 : i32
    %dma_start3A_75 = arith.constant 1 : i32
    %dma_start3A_76 = arith.constant 512 : i32
    %dma_start3A_77 = arith.constant 0 : i32
    %dma_start3A_78 = tpu.memref_slice %arg6[%dma_start3A_75, %dma_start3A_76, %dma_start3A_77] : memref<2x1024x32xf32, #tpu.memory_space<vmem>> -> memref<1x256x32xf32, #tpu.memory_space<vmem>>
    %dma_start3A_79 = tpu.memref_squeeze %dma_start3A_78 : memref<1x256x32xf32, #tpu.memory_space<vmem>> -> memref<256x32xf32, #tpu.memory_space<vmem>>
    %dma_start3A_80 = arith.constant 0 : i32
    %dma_start3A_81 = tpu.memref_slice %arg5[%dma_start3A_74, %dma_start3A_80] : memref<16x256xi32, #tpu.memory_space<vmem>> -> memref<1x256xi32, #tpu.memory_space<vmem>>
    %dma_start3A_82 = tpu.memref_squeeze %dma_start3A_81 : memref<1x256xi32, #tpu.memory_space<vmem>> -> memref<256xi32, #tpu.memory_space<vmem>>
    %dma_start3A_83 = arith.constant 0 : i32
    %dma_start3A_84 = arith.constant 0 : i32
    %dma_start3A_85 = tpu.memref_slice %arg2[%dma_start3A_83, %dma_start3A_84] : memref<512x32xf32, #tpu.memory_space<hbm>> -> memref<512x32xf32, #tpu.memory_space<hbm>>
    tpu.enqueue_indirect_dma source(%dma_start3A_85 : memref<512x32xf32, #tpu.memory_space<hbm>>) target(%dma_start3A_79 : memref<256x32xf32, #tpu.memory_space<vmem>>) offsets(%dma_start3A_82 : memref<256xi32, #tpu.memory_space<vmem>>) semaphore(%arg8 : memref<!tpu.dma_semaphore, #tpu.memory_space<semaphore_mem>>)
    %dma_start3A_86 = arith.constant 7 : i32
    %dma_start3A_87 = arith.constant 1 : i32
    %dma_start3A_88 = arith.constant 768 : i32
    %dma_start3A_89 = arith.constant 0 : i32
    %dma_start3A_90 = tpu.memref_slice %arg6[%dma_start3A_87, %dma_start3A_88, %dma_start3A_89] : memref<2x1024x32xf32, #tpu.memory_space<vmem>> -> memref<1x256x32xf32, #tpu.memory_space<vmem>>
    %dma_start3A_91 = tpu.memref_squeeze %dma_start3A_90 : memref<1x256x32xf32, #tpu.memory_space<vmem>> -> memref<256x32xf32, #tpu.memory_space<vmem>>
    %dma_start3A_92 = arith.constant 0 : i32
    %dma_start3A_93 = tpu.memref_slice %arg5[%dma_start3A_86, %dma_start3A_92] : memref<16x256xi32, #tpu.memory_space<vmem>> -> memref<1x256xi32, #tpu.memory_space<vmem>>
    %dma_start3A_94 = tpu.memref_squeeze %dma_start3A_93 : memref<1x256xi32, #tpu.memory_space<vmem>> -> memref<256xi32, #tpu.memory_space<vmem>>
    %dma_start3A_95 = arith.constant 0 : i32
    %dma_start3A_96 = arith.constant 0 : i32
    %dma_start3A_97 = tpu.memref_slice %arg2[%dma_start3A_95, %dma_start3A_96] : memref<512x32xf32, #tpu.memory_space<hbm>> -> memref<512x32xf32, #tpu.memory_space<hbm>>
    tpu.enqueue_indirect_dma source(%dma_start3A_97 : memref<512x32xf32, #tpu.memory_space<hbm>>) target(%dma_start3A_91 : memref<256x32xf32, #tpu.memory_space<vmem>>) offsets(%dma_start3A_94 : memref<256xi32, #tpu.memory_space<vmem>>) semaphore(%arg8 : memref<!tpu.dma_semaphore, #tpu.memory_space<semaphore_mem>>)
    %dma_wait3A = arith.constant 0 : i32
    %dma_wait3A_98 = arith.constant 0 : i32
    %dma_wait3A_99 = arith.constant 0 : i32
    %dma_wait3A_100 = arith.constant 0 : i32
    %dma_wait3A_101 = tpu.memref_slice %arg6[%dma_wait3A_98, %dma_wait3A_99, %dma_wait3A_100] : memref<2x1024x32xf32, #tpu.memory_space<vmem>> -> memref<1x256x32xf32, #tpu.memory_space<vmem>>
    %dma_wait3A_102 = tpu.memref_squeeze %dma_wait3A_101 : memref<1x256x32xf32, #tpu.memory_space<vmem>> -> memref<256x32xf32, #tpu.memory_space<vmem>>
    %dma_wait3A_103 = arith.constant 0 : i32
    %dma_wait3A_104 = tpu.memref_slice %arg5[%dma_wait3A, %dma_wait3A_103] : memref<16x256xi32, #tpu.memory_space<vmem>> -> memref<1x256xi32, #tpu.memory_space<vmem>>
    %dma_wait3A_105 = tpu.memref_squeeze %dma_wait3A_104 : memref<1x256xi32, #tpu.memory_space<vmem>> -> memref<256xi32, #tpu.memory_space<vmem>>
    %dma_wait3A_106 = arith.constant 0 : i32
    %dma_wait3A_107 = arith.constant 0 : i32
    %dma_wait3A_108 = tpu.memref_slice %arg2[%dma_wait3A_106, %dma_wait3A_107] : memref<512x32xf32, #tpu.memory_space<hbm>> -> memref<512x32xf32, #tpu.memory_space<hbm>>
    tpu.wait_indirect_dma semaphore(%arg7 : memref<!tpu.dma_semaphore, #tpu.memory_space<semaphore_mem>>) src(%dma_wait3A_108 : memref<512x32xf32, #tpu.memory_space<hbm>>) dst(%dma_wait3A_102 : memref<256x32xf32, #tpu.memory_space<vmem>>)
    %dma_wait3A_109 = arith.constant 1 : i32
    %dma_wait3A_110 = arith.constant 0 : i32
    %dma_wait3A_111 = arith.constant 256 : i32
    %dma_wait3A_112 = arith.constant 0 : i32
    %dma_wait3A_113 = tpu.memref_slice %arg6[%dma_wait3A_110, %dma_wait3A_111, %dma_wait3A_112] : memref<2x1024x32xf32, #tpu.memory_space<vmem>> -> memref<1x256x32xf32, #tpu.memory_space<vmem>>
    %dma_wait3A_114 = tpu.memref_squeeze %dma_wait3A_113 : memref<1x256x32xf32, #tpu.memory_space<vmem>> -> memref<256x32xf32, #tpu.memory_space<vmem>>
    %dma_wait3A_115 = arith.constant 0 : i32
    %dma_wait3A_116 = tpu.memref_slice %arg5[%dma_wait3A_109, %dma_wait3A_115] : memref<16x256xi32, #tpu.memory_space<vmem>> -> memref<1x256xi32, #tpu.memory_space<vmem>>
    %dma_wait3A_117 = tpu.memref_squeeze %dma_wait3A_116 : memref<1x256xi32, #tpu.memory_space<vmem>> -> memref<256xi32, #tpu.memory_space<vmem>>
    %dma_wait3A_118 = arith.constant 0 : i32
    %dma_wait3A_119 = arith.constant 0 : i32
    %dma_wait3A_120 = tpu.memref_slice %arg2[%dma_wait3A_118, %dma_wait3A_119] : memref<512x32xf32, #tpu.memory_space<hbm>> -> memref<512x32xf32, #tpu.memory_space<hbm>>
    tpu.wait_indirect_dma semaphore(%arg7 : memref<!tpu.dma_semaphore, #tpu.memory_space<semaphore_mem>>) src(%dma_wait3A_120 : memref<512x32xf32, #tpu.memory_space<hbm>>) dst(%dma_wait3A_114 : memref<256x32xf32, #tpu.memory_space<vmem>>)
    %dma_wait3A_121 = arith.constant 2 : i32
    %dma_wait3A_122 = arith.constant 0 : i32
    %dma_wait3A_123 = arith.constant 512 : i32
    %dma_wait3A_124 = arith.constant 0 : i32
    %dma_wait3A_125 = tpu.memref_slice %arg6[%dma_wait3A_122, %dma_wait3A_123, %dma_wait3A_124] : memref<2x1024x32xf32, #tpu.memory_space<vmem>> -> memref<1x256x32xf32, #tpu.memory_space<vmem>>
    %dma_wait3A_126 = tpu.memref_squeeze %dma_wait3A_125 : memref<1x256x32xf32, #tpu.memory_space<vmem>> -> memref<256x32xf32, #tpu.memory_space<vmem>>
    %dma_wait3A_127 = arith.constant 0 : i32
    %dma_wait3A_128 = tpu.memref_slice %arg5[%dma_wait3A_121, %dma_wait3A_127] : memref<16x256xi32, #tpu.memory_space<vmem>> -> memref<1x256xi32, #tpu.memory_space<vmem>>
    %dma_wait3A_129 = tpu.memref_squeeze %dma_wait3A_128 : memref<1x256xi32, #tpu.memory_space<vmem>> -> memref<256xi32, #tpu.memory_space<vmem>>
    %dma_wait3A_130 = arith.constant 0 : i32
    %dma_wait3A_131 = arith.constant 0 : i32
    %dma_wait3A_132 = tpu.memref_slice %arg2[%dma_wait3A_130, %dma_wait3A_131] : memref<512x32xf32, #tpu.memory_space<hbm>> -> memref<512x32xf32, #tpu.memory_space<hbm>>
    tpu.wait_indirect_dma semaphore(%arg7 : memref<!tpu.dma_semaphore, #tpu.memory_space<semaphore_mem>>) src(%dma_wait3A_132 : memref<512x32xf32, #tpu.memory_space<hbm>>) dst(%dma_wait3A_126 : memref<256x32xf32, #tpu.memory_space<vmem>>)
    %dma_wait3A_133 = arith.constant 3 : i32
    %dma_wait3A_134 = arith.constant 0 : i32
    %dma_wait3A_135 = arith.constant 768 : i32
    %dma_wait3A_136 = arith.constant 0 : i32
    %dma_wait3A_137 = tpu.memref_slice %arg6[%dma_wait3A_134, %dma_wait3A_135, %dma_wait3A_136] : memref<2x1024x32xf32, #tpu.memory_space<vmem>> -> memref<1x256x32xf32, #tpu.memory_space<vmem>>
    %dma_wait3A_138 = tpu.memref_squeeze %dma_wait3A_137 : memref<1x256x32xf32, #tpu.memory_space<vmem>> -> memref<256x32xf32, #tpu.memory_space<vmem>>
    %dma_wait3A_139 = arith.constant 0 : i32
    %dma_wait3A_140 = tpu.memref_slice %arg5[%dma_wait3A_133, %dma_wait3A_139] : memref<16x256xi32, #tpu.memory_space<vmem>> -> memref<1x256xi32, #tpu.memory_space<vmem>>
    %dma_wait3A_141 = tpu.memref_squeeze %dma_wait3A_140 : memref<1x256xi32, #tpu.memory_space<vmem>> -> memref<256xi32, #tpu.memory_space<vmem>>
    %dma_wait3A_142 = arith.constant 0 : i32
    %dma_wait3A_143 = arith.constant 0 : i32
    %dma_wait3A_144 = tpu.memref_slice %arg2[%dma_wait3A_142, %dma_wait3A_143] : memref<512x32xf32, #tpu.memory_space<hbm>> -> memref<512x32xf32, #tpu.memory_space<hbm>>
    tpu.wait_indirect_dma semaphore(%arg7 : memref<!tpu.dma_semaphore, #tpu.memory_space<semaphore_mem>>) src(%dma_wait3A_144 : memref<512x32xf32, #tpu.memory_space<hbm>>) dst(%dma_wait3A_138 : memref<256x32xf32, #tpu.memory_space<vmem>>)
    %mul3A_145 = arith.constant 4 : i32
    %mul3A_146 = arith.muli %add3A, %mul3A_145 : i32
    %add3A_147 = arith.constant 0 : i32
    %add3A_148 = arith.addi %mul3A_146, %add3A_147 : i32
    %dma_start3A_149 = arith.constant 0 : i32
    %dma_start3A_150 = arith.constant 0 : i32
    %dma_start3A_151 = arith.constant 0 : i32
    %dma_start3A_152 = tpu.memref_slice %arg6[%dma_start3A_149, %dma_start3A_150, %dma_start3A_151] : memref<2x1024x32xf32, #tpu.memory_space<vmem>> -> memref<1x1024x32xf32, #tpu.memory_space<vmem>>
    %dma_start3A_153 = tpu.memref_squeeze %dma_start3A_152 : memref<1x1024x32xf32, #tpu.memory_space<vmem>> -> memref<1024x32xf32, #tpu.memory_space<vmem>>
    %dma_start3A_154 = arith.constant 0 : i32
    %dma_start3A_155 = arith.constant 0 : i32
    %dma_start3A_156 = tpu.memref_slice %arg4[%add3A_148, %dma_start3A_154, %dma_start3A_155] : memref<128x1024x32xf32, #tpu.memory_space<hbm>> -> memref<1x1024x32xf32, #tpu.memory_space<hbm>>
    %dma_start3A_157 = tpu.memref_squeeze %dma_start3A_156 : memref<1x1024x32xf32, #tpu.memory_space<hbm>> -> memref<1024x32xf32, #tpu.memory_space<hbm>>
    %dma_start3A_158 = arith.constant 0 : i32
    %dma_start3A_159 = arith.constant 0 : i32
    %dma_start3A_160 = tpu.memref_slice %arg4[%add3A_148, %dma_start3A_158, %dma_start3A_159] : memref<128x1024x32xf32, #tpu.memory_space<hbm>> -> memref<1x1024x32xf32, #tpu.memory_space<hbm>>
    %dma_start3A_161 = tpu.memref_squeeze %dma_start3A_160 : memref<1x1024x32xf32, #tpu.memory_space<hbm>> -> memref<1024x32xf32, #tpu.memory_space<hbm>>
    %dma_start3A_162 = arith.constant 0 : i32
    %dma_start3A_163 = arith.constant 0 : i32
    %dma_start3A_164 = tpu.memref_slice %arg6[%dma_start3A_149, %dma_start3A_162, %dma_start3A_163] : memref<2x1024x32xf32, #tpu.memory_space<vmem>> -> memref<1x1024x32xf32, #tpu.memory_space<vmem>>
    %dma_start3A_165 = tpu.memref_squeeze %dma_start3A_164 : memref<1x1024x32xf32, #tpu.memory_space<vmem>> -> memref<1024x32xf32, #tpu.memory_space<vmem>>
    tpu.enqueue_dma source(%dma_start3A_165 : memref<1024x32xf32, #tpu.memory_space<vmem>>) target(%dma_start3A_161 : memref<1024x32xf32, #tpu.memory_space<hbm>>) target_semaphore(%arg9 : memref<!tpu.dma_semaphore, #tpu.memory_space<semaphore_mem>>)
    %dma_wait3A_166 = arith.constant 0 : i32
    %dma_wait3A_167 = arith.constant 0 : i32
    %dma_wait3A_168 = arith.constant 0 : i32
    %dma_wait3A_169 = tpu.memref_slice %arg6[%dma_wait3A_166, %dma_wait3A_167, %dma_wait3A_168] : memref<2x1024x32xf32, #tpu.memory_space<vmem>> -> memref<1x1024x32xf32, #tpu.memory_space<vmem>>
    %dma_wait3A_170 = tpu.memref_squeeze %dma_wait3A_169 : memref<1x1024x32xf32, #tpu.memory_space<vmem>> -> memref<1024x32xf32, #tpu.memory_space<vmem>>
    %dma_wait3A_171 = arith.constant 0 : i32
    %dma_wait3A_172 = arith.constant 0 : i32
    %dma_wait3A_173 = tpu.memref_slice %arg4[%add3A_148, %dma_wait3A_171, %dma_wait3A_172] : memref<128x1024x32xf32, #tpu.memory_space<hbm>> -> memref<1x1024x32xf32, #tpu.memory_space<hbm>>
    %dma_wait3A_174 = tpu.memref_squeeze %dma_wait3A_173 : memref<1x1024x32xf32, #tpu.memory_space<hbm>> -> memref<1024x32xf32, #tpu.memory_space<hbm>>
    %dma_wait3A_175 = arith.constant 0 : i32
    %dma_wait3A_176 = arith.constant 0 : i32
    %dma_wait3A_177 = tpu.memref_slice %arg4[%add3A_148, %dma_wait3A_175, %dma_wait3A_176] : memref<128x1024x32xf32, #tpu.memory_space<hbm>> -> memref<1x1024x32xf32, #tpu.memory_space<hbm>>
    %dma_wait3A_178 = tpu.memref_squeeze %dma_wait3A_177 : memref<1x1024x32xf32, #tpu.memory_space<hbm>> -> memref<1024x32xf32, #tpu.memory_space<hbm>>
    %dma_wait3A_179 = arith.constant 0 : i32
    %dma_wait3A_180 = arith.constant 0 : i32
    %dma_wait3A_181 = tpu.memref_slice %arg6[%dma_wait3A_166, %dma_wait3A_179, %dma_wait3A_180] : memref<2x1024x32xf32, #tpu.memory_space<vmem>> -> memref<1x1024x32xf32, #tpu.memory_space<vmem>>
    %dma_wait3A_182 = tpu.memref_squeeze %dma_wait3A_181 : memref<1x1024x32xf32, #tpu.memory_space<vmem>> -> memref<1024x32xf32, #tpu.memory_space<vmem>>
    tpu.wait_dma2 semaphore(%arg9 : memref<!tpu.dma_semaphore, #tpu.memory_space<semaphore_mem>>) src(%dma_wait3A_182 : memref<1024x32xf32, #tpu.memory_space<vmem>>) dst(%dma_wait3A_178 : memref<1024x32xf32, #tpu.memory_space<hbm>>)
    %dma_start3A_183 = arith.constant 8 : i32
    %dma_start3A_184 = arith.constant 0 : i32
    %dma_start3A_185 = arith.constant 0 : i32
    %dma_start3A_186 = arith.constant 0 : i32
    %dma_start3A_187 = tpu.memref_slice %arg6[%dma_start3A_184, %dma_start3A_185, %dma_start3A_186] : memref<2x1024x32xf32, #tpu.memory_space<vmem>> -> memref<1x256x32xf32, #tpu.memory_space<vmem>>
    %dma_start3A_188 = tpu.memref_squeeze %dma_start3A_187 : memref<1x256x32xf32, #tpu.memory_space<vmem>> -> memref<256x32xf32, #tpu.memory_space<vmem>>
    %dma_start3A_189 = arith.constant 0 : i32
    %dma_start3A_190 = tpu.memref_slice %arg5[%dma_start3A_183, %dma_start3A_189] : memref<16x256xi32, #tpu.memory_space<vmem>> -> memref<1x256xi32, #tpu.memory_space<vmem>>
    %dma_start3A_191 = tpu.memref_squeeze %dma_start3A_190 : memref<1x256xi32, #tpu.memory_space<vmem>> -> memref<256xi32, #tpu.memory_space<vmem>>
    %dma_start3A_192 = arith.constant 0 : i32
    %dma_start3A_193 = arith.constant 0 : i32
    %dma_start3A_194 = tpu.memref_slice %arg2[%dma_start3A_192, %dma_start3A_193] : memref<512x32xf32, #tpu.memory_space<hbm>> -> memref<512x32xf32, #tpu.memory_space<hbm>>
    tpu.enqueue_indirect_dma source(%dma_start3A_194 : memref<512x32xf32, #tpu.memory_space<hbm>>) target(%dma_start3A_188 : memref<256x32xf32, #tpu.memory_space<vmem>>) offsets(%dma_start3A_191 : memref<256xi32, #tpu.memory_space<vmem>>) semaphore(%arg7 : memref<!tpu.dma_semaphore, #tpu.memory_space<semaphore_mem>>)
    %dma_start3A_195 = arith.constant 9 : i32
    %dma_start3A_196 = arith.constant 0 : i32
    %dma_start3A_197 = arith.constant 256 : i32
    %dma_start3A_198 = arith.constant 0 : i32
    %dma_start3A_199 = tpu.memref_slice %arg6[%dma_start3A_196, %dma_start3A_197, %dma_start3A_198] : memref<2x1024x32xf32, #tpu.memory_space<vmem>> -> memref<1x256x32xf32, #tpu.memory_space<vmem>>
    %dma_start3A_200 = tpu.memref_squeeze %dma_start3A_199 : memref<1x256x32xf32, #tpu.memory_space<vmem>> -> memref<256x32xf32, #tpu.memory_space<vmem>>
    %dma_start3A_201 = arith.constant 0 : i32
    %dma_start3A_202 = tpu.memref_slice %arg5[%dma_start3A_195, %dma_start3A_201] : memref<16x256xi32, #tpu.memory_space<vmem>> -> memref<1x256xi32, #tpu.memory_space<vmem>>
    %dma_start3A_203 = tpu.memref_squeeze %dma_start3A_202 : memref<1x256xi32, #tpu.memory_space<vmem>> -> memref<256xi32, #tpu.memory_space<vmem>>
    %dma_start3A_204 = arith.constant 0 : i32
    %dma_start3A_205 = arith.constant 0 : i32
    %dma_start3A_206 = tpu.memref_slice %arg2[%dma_start3A_204, %dma_start3A_205] : memref<512x32xf32, #tpu.memory_space<hbm>> -> memref<512x32xf32, #tpu.memory_space<hbm>>
    tpu.enqueue_indirect_dma source(%dma_start3A_206 : memref<512x32xf32, #tpu.memory_space<hbm>>) target(%dma_start3A_200 : memref<256x32xf32, #tpu.memory_space<vmem>>) offsets(%dma_start3A_203 : memref<256xi32, #tpu.memory_space<vmem>>) semaphore(%arg7 : memref<!tpu.dma_semaphore, #tpu.memory_space<semaphore_mem>>)
    %dma_start3A_207 = arith.constant 10 : i32
    %dma_start3A_208 = arith.constant 0 : i32
    %dma_start3A_209 = arith.constant 512 : i32
    %dma_start3A_210 = arith.constant 0 : i32
    %dma_start3A_211 = tpu.memref_slice %arg6[%dma_start3A_208, %dma_start3A_209, %dma_start3A_210] : memref<2x1024x32xf32, #tpu.memory_space<vmem>> -> memref<1x256x32xf32, #tpu.memory_space<vmem>>
    %dma_start3A_212 = tpu.memref_squeeze %dma_start3A_211 : memref<1x256x32xf32, #tpu.memory_space<vmem>> -> memref<256x32xf32, #tpu.memory_space<vmem>>
    %dma_start3A_213 = arith.constant 0 : i32
    %dma_start3A_214 = tpu.memref_slice %arg5[%dma_start3A_207, %dma_start3A_213] : memref<16x256xi32, #tpu.memory_space<vmem>> -> memref<1x256xi32, #tpu.memory_space<vmem>>
    %dma_start3A_215 = tpu.memref_squeeze %dma_start3A_214 : memref<1x256xi32, #tpu.memory_space<vmem>> -> memref<256xi32, #tpu.memory_space<vmem>>
    %dma_start3A_216 = arith.constant 0 : i32
    %dma_start3A_217 = arith.constant 0 : i32
    %dma_start3A_218 = tpu.memref_slice %arg2[%dma_start3A_216, %dma_start3A_217] : memref<512x32xf32, #tpu.memory_space<hbm>> -> memref<512x32xf32, #tpu.memory_space<hbm>>
    tpu.enqueue_indirect_dma source(%dma_start3A_218 : memref<512x32xf32, #tpu.memory_space<hbm>>) target(%dma_start3A_212 : memref<256x32xf32, #tpu.memory_space<vmem>>) offsets(%dma_start3A_215 : memref<256xi32, #tpu.memory_space<vmem>>) semaphore(%arg7 : memref<!tpu.dma_semaphore, #tpu.memory_space<semaphore_mem>>)
    %dma_start3A_219 = arith.constant 11 : i32
    %dma_start3A_220 = arith.constant 0 : i32
    %dma_start3A_221 = arith.constant 768 : i32
    %dma_start3A_222 = arith.constant 0 : i32
    %dma_start3A_223 = tpu.memref_slice %arg6[%dma_start3A_220, %dma_start3A_221, %dma_start3A_222] : memref<2x1024x32xf32, #tpu.memory_space<vmem>> -> memref<1x256x32xf32, #tpu.memory_space<vmem>>
    %dma_start3A_224 = tpu.memref_squeeze %dma_start3A_223 : memref<1x256x32xf32, #tpu.memory_space<vmem>> -> memref<256x32xf32, #tpu.memory_space<vmem>>
    %dma_start3A_225 = arith.constant 0 : i32
    %dma_start3A_226 = tpu.memref_slice %arg5[%dma_start3A_219, %dma_start3A_225] : memref<16x256xi32, #tpu.memory_space<vmem>> -> memref<1x256xi32, #tpu.memory_space<vmem>>
    %dma_start3A_227 = tpu.memref_squeeze %dma_start3A_226 : memref<1x256xi32, #tpu.memory_space<vmem>> -> memref<256xi32, #tpu.memory_space<vmem>>
    %dma_start3A_228 = arith.constant 0 : i32
    %dma_start3A_229 = arith.constant 0 : i32
    %dma_start3A_230 = tpu.memref_slice %arg2[%dma_start3A_228, %dma_start3A_229] : memref<512x32xf32, #tpu.memory_space<hbm>> -> memref<512x32xf32, #tpu.memory_space<hbm>>
    tpu.enqueue_indirect_dma source(%dma_start3A_230 : memref<512x32xf32, #tpu.memory_space<hbm>>) target(%dma_start3A_224 : memref<256x32xf32, #tpu.memory_space<vmem>>) offsets(%dma_start3A_227 : memref<256xi32, #tpu.memory_space<vmem>>) semaphore(%arg7 : memref<!tpu.dma_semaphore, #tpu.memory_space<semaphore_mem>>)
    %dma_wait3A_231 = arith.constant 4 : i32
    %dma_wait3A_232 = arith.constant 1 : i32
    %dma_wait3A_233 = arith.constant 0 : i32
    %dma_wait3A_234 = arith.constant 0 : i32
    %dma_wait3A_235 = tpu.memref_slice %arg6[%dma_wait3A_232, %dma_wait3A_233, %dma_wait3A_234] : memref<2x1024x32xf32, #tpu.memory_space<vmem>> -> memref<1x256x32xf32, #tpu.memory_space<vmem>>
    %dma_wait3A_236 = tpu.memref_squeeze %dma_wait3A_235 : memref<1x256x32xf32, #tpu.memory_space<vmem>> -> memref<256x32xf32, #tpu.memory_space<vmem>>
    %dma_wait3A_237 = arith.constant 0 : i32
    %dma_wait3A_238 = tpu.memref_slice %arg5[%dma_wait3A_231, %dma_wait3A_237] : memref<16x256xi32, #tpu.memory_space<vmem>> -> memref<1x256xi32, #tpu.memory_space<vmem>>
    %dma_wait3A_239 = tpu.memref_squeeze %dma_wait3A_238 : memref<1x256xi32, #tpu.memory_space<vmem>> -> memref<256xi32, #tpu.memory_space<vmem>>
    %dma_wait3A_240 = arith.constant 0 : i32
    %dma_wait3A_241 = arith.constant 0 : i32
    %dma_wait3A_242 = tpu.memref_slice %arg2[%dma_wait3A_240, %dma_wait3A_241] : memref<512x32xf32, #tpu.memory_space<hbm>> -> memref<512x32xf32, #tpu.memory_space<hbm>>
    tpu.wait_indirect_dma semaphore(%arg8 : memref<!tpu.dma_semaphore, #tpu.memory_space<semaphore_mem>>) src(%dma_wait3A_242 : memref<512x32xf32, #tpu.memory_space<hbm>>) dst(%dma_wait3A_236 : memref<256x32xf32, #tpu.memory_space<vmem>>)
    %dma_wait3A_243 = arith.constant 5 : i32
    %dma_wait3A_244 = arith.constant 1 : i32
    %dma_wait3A_245 = arith.constant 256 : i32
    %dma_wait3A_246 = arith.constant 0 : i32
    %dma_wait3A_247 = tpu.memref_slice %arg6[%dma_wait3A_244, %dma_wait3A_245, %dma_wait3A_246] : memref<2x1024x32xf32, #tpu.memory_space<vmem>> -> memref<1x256x32xf32, #tpu.memory_space<vmem>>
    %dma_wait3A_248 = tpu.memref_squeeze %dma_wait3A_247 : memref<1x256x32xf32, #tpu.memory_space<vmem>> -> memref<256x32xf32, #tpu.memory_space<vmem>>
    %dma_wait3A_249 = arith.constant 0 : i32
    %dma_wait3A_250 = tpu.memref_slice %arg5[%dma_wait3A_243, %dma_wait3A_249] : memref<16x256xi32, #tpu.memory_space<vmem>> -> memref<1x256xi32, #tpu.memory_space<vmem>>
    %dma_wait3A_251 = tpu.memref_squeeze %dma_wait3A_250 : memref<1x256xi32, #tpu.memory_space<vmem>> -> memref<256xi32, #tpu.memory_space<vmem>>
    %dma_wait3A_252 = arith.constant 0 : i32
    %dma_wait3A_253 = arith.constant 0 : i32
    %dma_wait3A_254 = tpu.memref_slice %arg2[%dma_wait3A_252, %dma_wait3A_253] : memref<512x32xf32, #tpu.memory_space<hbm>> -> memref<512x32xf32, #tpu.memory_space<hbm>>
    tpu.wait_indirect_dma semaphore(%arg8 : memref<!tpu.dma_semaphore, #tpu.memory_space<semaphore_mem>>) src(%dma_wait3A_254 : memref<512x32xf32, #tpu.memory_space<hbm>>) dst(%dma_wait3A_248 : memref<256x32xf32, #tpu.memory_space<vmem>>)
    %dma_wait3A_255 = arith.constant 6 : i32
    %dma_wait3A_256 = arith.constant 1 : i32
    %dma_wait3A_257 = arith.constant 512 : i32
    %dma_wait3A_258 = arith.constant 0 : i32
    %dma_wait3A_259 = tpu.memref_slice %arg6[%dma_wait3A_256, %dma_wait3A_257, %dma_wait3A_258] : memref<2x1024x32xf32, #tpu.memory_space<vmem>> -> memref<1x256x32xf32, #tpu.memory_space<vmem>>
    %dma_wait3A_260 = tpu.memref_squeeze %dma_wait3A_259 : memref<1x256x32xf32, #tpu.memory_space<vmem>> -> memref<256x32xf32, #tpu.memory_space<vmem>>
    %dma_wait3A_261 = arith.constant 0 : i32
    %dma_wait3A_262 = tpu.memref_slice %arg5[%dma_wait3A_255, %dma_wait3A_261] : memref<16x256xi32, #tpu.memory_space<vmem>> -> memref<1x256xi32, #tpu.memory_space<vmem>>
    %dma_wait3A_263 = tpu.memref_squeeze %dma_wait3A_262 : memref<1x256xi32, #tpu.memory_space<vmem>> -> memref<256xi32, #tpu.memory_space<vmem>>
    %dma_wait3A_264 = arith.constant 0 : i32
    %dma_wait3A_265 = arith.constant 0 : i32
    %dma_wait3A_266 = tpu.memref_slice %arg2[%dma_wait3A_264, %dma_wait3A_265] : memref<512x32xf32, #tpu.memory_space<hbm>> -> memref<512x32xf32, #tpu.memory_space<hbm>>
    tpu.wait_indirect_dma semaphore(%arg8 : memref<!tpu.dma_semaphore, #tpu.memory_space<semaphore_mem>>) src(%dma_wait3A_266 : memref<512x32xf32, #tpu.memory_space<hbm>>) dst(%dma_wait3A_260 : memref<256x32xf32, #tpu.memory_space<vmem>>)
    %dma_wait3A_267 = arith.constant 7 : i32
    %dma_wait3A_268 = arith.constant 1 : i32
    %dma_wait3A_269 = arith.constant 768 : i32
    %dma_wait3A_270 = arith.constant 0 : i32
    %dma_wait3A_271 = tpu.memref_slice %arg6[%dma_wait3A_268, %dma_wait3A_269, %dma_wait3A_270] : memref<2x1024x32xf32, #tpu.memory_space<vmem>> -> memref<1x256x32xf32, #tpu.memory_space<vmem>>
    %dma_wait3A_272 = tpu.memref_squeeze %dma_wait3A_271 : memref<1x256x32xf32, #tpu.memory_space<vmem>> -> memref<256x32xf32, #tpu.memory_space<vmem>>
    %dma_wait3A_273 = arith.constant 0 : i32
    %dma_wait3A_274 = tpu.memref_slice %arg5[%dma_wait3A_267, %dma_wait3A_273] : memref<16x256xi32, #tpu.memory_space<vmem>> -> memref<1x256xi32, #tpu.memory_space<vmem>>
    %dma_wait3A_275 = tpu.memref_squeeze %dma_wait3A_274 : memref<1x256xi32, #tpu.memory_space<vmem>> -> memref<256xi32, #tpu.memory_space<vmem>>
    %dma_wait3A_276 = arith.constant 0 : i32
    %dma_wait3A_277 = arith.constant 0 : i32
    %dma_wait3A_278 = tpu.memref_slice %arg2[%dma_wait3A_276, %dma_wait3A_277] : memref<512x32xf32, #tpu.memory_space<hbm>> -> memref<512x32xf32, #tpu.memory_space<hbm>>
    tpu.wait_indirect_dma semaphore(%arg8 : memref<!tpu.dma_semaphore, #tpu.memory_space<semaphore_mem>>) src(%dma_wait3A_278 : memref<512x32xf32, #tpu.memory_space<hbm>>) dst(%dma_wait3A_272 : memref<256x32xf32, #tpu.memory_space<vmem>>)
    %mul3A_279 = arith.constant 4 : i32
    %mul3A_280 = arith.muli %add3A, %mul3A_279 : i32
    %add3A_281 = arith.constant 1 : i32
    %add3A_282 = arith.addi %mul3A_280, %add3A_281 : i32
    %dma_start3A_283 = arith.constant 1 : i32
    %dma_start3A_284 = arith.constant 0 : i32
    %dma_start3A_285 = arith.constant 0 : i32
    %dma_start3A_286 = tpu.memref_slice %arg6[%dma_start3A_283, %dma_start3A_284, %dma_start3A_285] : memref<2x1024x32xf32, #tpu.memory_space<vmem>> -> memref<1x1024x32xf32, #tpu.memory_space<vmem>>
    %dma_start3A_287 = tpu.memref_squeeze %dma_start3A_286 : memref<1x1024x32xf32, #tpu.memory_space<vmem>> -> memref<1024x32xf32, #tpu.memory_space<vmem>>
    %dma_start3A_288 = arith.constant 0 : i32
    %dma_start3A_289 = arith.constant 0 : i32
    %dma_start3A_290 = tpu.memref_slice %arg4[%add3A_282, %dma_start3A_288, %dma_start3A_289] : memref<128x1024x32xf32, #tpu.memory_space<hbm>> -> memref<1x1024x32xf32, #tpu.memory_space<hbm>>
    %dma_start3A_291 = tpu.memref_squeeze %dma_start3A_290 : memref<1x1024x32xf32, #tpu.memory_space<hbm>> -> memref<1024x32xf32, #tpu.memory_space<hbm>>
    %dma_start3A_292 = arith.constant 0 : i32
    %dma_start3A_293 = arith.constant 0 : i32
    %dma_start3A_294 = tpu.memref_slice %arg4[%add3A_282, %dma_start3A_292, %dma_start3A_293] : memref<128x1024x32xf32, #tpu.memory_space<hbm>> -> memref<1x1024x32xf32, #tpu.memory_space<hbm>>
    %dma_start3A_295 = tpu.memref_squeeze %dma_start3A_294 : memref<1x1024x32xf32, #tpu.memory_space<hbm>> -> memref<1024x32xf32, #tpu.memory_space<hbm>>
    %dma_start3A_296 = arith.constant 0 : i32
    %dma_start3A_297 = arith.constant 0 : i32
    %dma_start3A_298 = tpu.memref_slice %arg6[%dma_start3A_283, %dma_start3A_296, %dma_start3A_297] : memref<2x1024x32xf32, #tpu.memory_space<vmem>> -> memref<1x1024x32xf32, #tpu.memory_space<vmem>>
    %dma_start3A_299 = tpu.memref_squeeze %dma_start3A_298 : memref<1x1024x32xf32, #tpu.memory_space<vmem>> -> memref<1024x32xf32, #tpu.memory_space<vmem>>
    tpu.enqueue_dma source(%dma_start3A_299 : memref<1024x32xf32, #tpu.memory_space<vmem>>) target(%dma_start3A_295 : memref<1024x32xf32, #tpu.memory_space<hbm>>) target_semaphore(%arg10 : memref<!tpu.dma_semaphore, #tpu.memory_space<semaphore_mem>>)
    %dma_wait3A_300 = arith.constant 1 : i32
    %dma_wait3A_301 = arith.constant 0 : i32
    %dma_wait3A_302 = arith.constant 0 : i32
    %dma_wait3A_303 = tpu.memref_slice %arg6[%dma_wait3A_300, %dma_wait3A_301, %dma_wait3A_302] : memref<2x1024x32xf32, #tpu.memory_space<vmem>> -> memref<1x1024x32xf32, #tpu.memory_space<vmem>>
    %dma_wait3A_304 = tpu.memref_squeeze %dma_wait3A_303 : memref<1x1024x32xf32, #tpu.memory_space<vmem>> -> memref<1024x32xf32, #tpu.memory_space<vmem>>
    %dma_wait3A_305 = arith.constant 0 : i32
    %dma_wait3A_306 = arith.constant 0 : i32
    %dma_wait3A_307 = tpu.memref_slice %arg4[%add3A_282, %dma_wait3A_305, %dma_wait3A_306] : memref<128x1024x32xf32, #tpu.memory_space<hbm>> -> memref<1x1024x32xf32, #tpu.memory_space<hbm>>
    %dma_wait3A_308 = tpu.memref_squeeze %dma_wait3A_307 : memref<1x1024x32xf32, #tpu.memory_space<hbm>> -> memref<1024x32xf32, #tpu.memory_space<hbm>>
    %dma_wait3A_309 = arith.constant 0 : i32
    %dma_wait3A_310 = arith.constant 0 : i32
    %dma_wait3A_311 = tpu.memref_slice %arg4[%add3A_282, %dma_wait3A_309, %dma_wait3A_310] : memref<128x1024x32xf32, #tpu.memory_space<hbm>> -> memref<1x1024x32xf32, #tpu.memory_space<hbm>>
    %dma_wait3A_312 = tpu.memref_squeeze %dma_wait3A_311 : memref<1x1024x32xf32, #tpu.memory_space<hbm>> -> memref<1024x32xf32, #tpu.memory_space<hbm>>
    %dma_wait3A_313 = arith.constant 0 : i32
    %dma_wait3A_314 = arith.constant 0 : i32
    %dma_wait3A_315 = tpu.memref_slice %arg6[%dma_wait3A_300, %dma_wait3A_313, %dma_wait3A_314] : memref<2x1024x32xf32, #tpu.memory_space<vmem>> -> memref<1x1024x32xf32, #tpu.memory_space<vmem>>
    %dma_wait3A_316 = tpu.memref_squeeze %dma_wait3A_315 : memref<1x1024x32xf32, #tpu.memory_space<vmem>> -> memref<1024x32xf32, #tpu.memory_space<vmem>>
    tpu.wait_dma2 semaphore(%arg10 : memref<!tpu.dma_semaphore, #tpu.memory_space<semaphore_mem>>) src(%dma_wait3A_316 : memref<1024x32xf32, #tpu.memory_space<vmem>>) dst(%dma_wait3A_312 : memref<1024x32xf32, #tpu.memory_space<hbm>>)
    %dma_start3A_317 = arith.constant 12 : i32
    %dma_start3A_318 = arith.constant 1 : i32
    %dma_start3A_319 = arith.constant 0 : i32
    %dma_start3A_320 = arith.constant 0 : i32
    %dma_start3A_321 = tpu.memref_slice %arg6[%dma_start3A_318, %dma_start3A_319, %dma_start3A_320] : memref<2x1024x32xf32, #tpu.memory_space<vmem>> -> memref<1x256x32xf32, #tpu.memory_space<vmem>>
    %dma_start3A_322 = tpu.memref_squeeze %dma_start3A_321 : memref<1x256x32xf32, #tpu.memory_space<vmem>> -> memref<256x32xf32, #tpu.memory_space<vmem>>
    %dma_start3A_323 = arith.constant 0 : i32
    %dma_start3A_324 = tpu.memref_slice %arg5[%dma_start3A_317, %dma_start3A_323] : memref<16x256xi32, #tpu.memory_space<vmem>> -> memref<1x256xi32, #tpu.memory_space<vmem>>
    %dma_start3A_325 = tpu.memref_squeeze %dma_start3A_324 : memref<1x256xi32, #tpu.memory_space<vmem>> -> memref<256xi32, #tpu.memory_space<vmem>>
    %dma_start3A_326 = arith.constant 0 : i32
    %dma_start3A_327 = arith.constant 0 : i32
    %dma_start3A_328 = tpu.memref_slice %arg2[%dma_start3A_326, %dma_start3A_327] : memref<512x32xf32, #tpu.memory_space<hbm>> -> memref<512x32xf32, #tpu.memory_space<hbm>>
    tpu.enqueue_indirect_dma source(%dma_start3A_328 : memref<512x32xf32, #tpu.memory_space<hbm>>) target(%dma_start3A_322 : memref<256x32xf32, #tpu.memory_space<vmem>>) offsets(%dma_start3A_325 : memref<256xi32, #tpu.memory_space<vmem>>) semaphore(%arg8 : memref<!tpu.dma_semaphore, #tpu.memory_space<semaphore_mem>>)
    %dma_start3A_329 = arith.constant 13 : i32
    %dma_start3A_330 = arith.constant 1 : i32
    %dma_start3A_331 = arith.constant 256 : i32
    %dma_start3A_332 = arith.constant 0 : i32
    %dma_start3A_333 = tpu.memref_slice %arg6[%dma_start3A_330, %dma_start3A_331, %dma_start3A_332] : memref<2x1024x32xf32, #tpu.memory_space<vmem>> -> memref<1x256x32xf32, #tpu.memory_space<vmem>>
    %dma_start3A_334 = tpu.memref_squeeze %dma_start3A_333 : memref<1x256x32xf32, #tpu.memory_space<vmem>> -> memref<256x32xf32, #tpu.memory_space<vmem>>
    %dma_start3A_335 = arith.constant 0 : i32
    %dma_start3A_336 = tpu.memref_slice %arg5[%dma_start3A_329, %dma_start3A_335] : memref<16x256xi32, #tpu.memory_space<vmem>> -> memref<1x256xi32, #tpu.memory_space<vmem>>
    %dma_start3A_337 = tpu.memref_squeeze %dma_start3A_336 : memref<1x256xi32, #tpu.memory_space<vmem>> -> memref<256xi32, #tpu.memory_space<vmem>>
    %dma_start3A_338 = arith.constant 0 : i32
    %dma_start3A_339 = arith.constant 0 : i32
    %dma_start3A_340 = tpu.memref_slice %arg2[%dma_start3A_338, %dma_start3A_339] : memref<512x32xf32, #tpu.memory_space<hbm>> -> memref<512x32xf32, #tpu.memory_space<hbm>>
    tpu.enqueue_indirect_dma source(%dma_start3A_340 : memref<512x32xf32, #tpu.memory_space<hbm>>) target(%dma_start3A_334 : memref<256x32xf32, #tpu.memory_space<vmem>>) offsets(%dma_start3A_337 : memref<256xi32, #tpu.memory_space<vmem>>) semaphore(%arg8 : memref<!tpu.dma_semaphore, #tpu.memory_space<semaphore_mem>>)
    %dma_start3A_341 = arith.constant 14 : i32
    %dma_start3A_342 = arith.constant 1 : i32
    %dma_start3A_343 = arith.constant 512 : i32
    %dma_start3A_344 = arith.constant 0 : i32
    %dma_start3A_345 = tpu.memref_slice %arg6[%dma_start3A_342, %dma_start3A_343, %dma_start3A_344] : memref<2x1024x32xf32, #tpu.memory_space<vmem>> -> memref<1x256x32xf32, #tpu.memory_space<vmem>>
    %dma_start3A_346 = tpu.memref_squeeze %dma_start3A_345 : memref<1x256x32xf32, #tpu.memory_space<vmem>> -> memref<256x32xf32, #tpu.memory_space<vmem>>
    %dma_start3A_347 = arith.constant 0 : i32
    %dma_start3A_348 = tpu.memref_slice %arg5[%dma_start3A_341, %dma_start3A_347] : memref<16x256xi32, #tpu.memory_space<vmem>> -> memref<1x256xi32, #tpu.memory_space<vmem>>
    %dma_start3A_349 = tpu.memref_squeeze %dma_start3A_348 : memref<1x256xi32, #tpu.memory_space<vmem>> -> memref<256xi32, #tpu.memory_space<vmem>>
    %dma_start3A_350 = arith.constant 0 : i32
    %dma_start3A_351 = arith.constant 0 : i32
    %dma_start3A_352 = tpu.memref_slice %arg2[%dma_start3A_350, %dma_start3A_351] : memref<512x32xf32, #tpu.memory_space<hbm>> -> memref<512x32xf32, #tpu.memory_space<hbm>>
    tpu.enqueue_indirect_dma source(%dma_start3A_352 : memref<512x32xf32, #tpu.memory_space<hbm>>) target(%dma_start3A_346 : memref<256x32xf32, #tpu.memory_space<vmem>>) offsets(%dma_start3A_349 : memref<256xi32, #tpu.memory_space<vmem>>) semaphore(%arg8 : memref<!tpu.dma_semaphore, #tpu.memory_space<semaphore_mem>>)
    %dma_start3A_353 = arith.constant 15 : i32
    %dma_start3A_354 = arith.constant 1 : i32
    %dma_start3A_355 = arith.constant 768 : i32
    %dma_start3A_356 = arith.constant 0 : i32
    %dma_start3A_357 = tpu.memref_slice %arg6[%dma_start3A_354, %dma_start3A_355, %dma_start3A_356] : memref<2x1024x32xf32, #tpu.memory_space<vmem>> -> memref<1x256x32xf32, #tpu.memory_space<vmem>>
    %dma_start3A_358 = tpu.memref_squeeze %dma_start3A_357 : memref<1x256x32xf32, #tpu.memory_space<vmem>> -> memref<256x32xf32, #tpu.memory_space<vmem>>
    %dma_start3A_359 = arith.constant 0 : i32
    %dma_start3A_360 = tpu.memref_slice %arg5[%dma_start3A_353, %dma_start3A_359] : memref<16x256xi32, #tpu.memory_space<vmem>> -> memref<1x256xi32, #tpu.memory_space<vmem>>
    %dma_start3A_361 = tpu.memref_squeeze %dma_start3A_360 : memref<1x256xi32, #tpu.memory_space<vmem>> -> memref<256xi32, #tpu.memory_space<vmem>>
    %dma_start3A_362 = arith.constant 0 : i32
    %dma_start3A_363 = arith.constant 0 : i32
    %dma_start3A_364 = tpu.memref_slice %arg2[%dma_start3A_362, %dma_start3A_363] : memref<512x32xf32, #tpu.memory_space<hbm>> -> memref<512x32xf32, #tpu.memory_space<hbm>>
    tpu.enqueue_indirect_dma source(%dma_start3A_364 : memref<512x32xf32, #tpu.memory_space<hbm>>) target(%dma_start3A_358 : memref<256x32xf32, #tpu.memory_space<vmem>>) offsets(%dma_start3A_361 : memref<256xi32, #tpu.memory_space<vmem>>) semaphore(%arg8 : memref<!tpu.dma_semaphore, #tpu.memory_space<semaphore_mem>>)
    %dma_wait3A_365 = arith.constant 8 : i32
    %dma_wait3A_366 = arith.constant 0 : i32
    %dma_wait3A_367 = arith.constant 0 : i32
    %dma_wait3A_368 = arith.constant 0 : i32
    %dma_wait3A_369 = tpu.memref_slice %arg6[%dma_wait3A_366, %dma_wait3A_367, %dma_wait3A_368] : memref<2x1024x32xf32, #tpu.memory_space<vmem>> -> memref<1x256x32xf32, #tpu.memory_space<vmem>>
    %dma_wait3A_370 = tpu.memref_squeeze %dma_wait3A_369 : memref<1x256x32xf32, #tpu.memory_space<vmem>> -> memref<256x32xf32, #tpu.memory_space<vmem>>
    %dma_wait3A_371 = arith.constant 0 : i32
    %dma_wait3A_372 = tpu.memref_slice %arg5[%dma_wait3A_365, %dma_wait3A_371] : memref<16x256xi32, #tpu.memory_space<vmem>> -> memref<1x256xi32, #tpu.memory_space<vmem>>
    %dma_wait3A_373 = tpu.memref_squeeze %dma_wait3A_372 : memref<1x256xi32, #tpu.memory_space<vmem>> -> memref<256xi32, #tpu.memory_space<vmem>>
    %dma_wait3A_374 = arith.constant 0 : i32
    %dma_wait3A_375 = arith.constant 0 : i32
    %dma_wait3A_376 = tpu.memref_slice %arg2[%dma_wait3A_374, %dma_wait3A_375] : memref<512x32xf32, #tpu.memory_space<hbm>> -> memref<512x32xf32, #tpu.memory_space<hbm>>
    tpu.wait_indirect_dma semaphore(%arg7 : memref<!tpu.dma_semaphore, #tpu.memory_space<semaphore_mem>>) src(%dma_wait3A_376 : memref<512x32xf32, #tpu.memory_space<hbm>>) dst(%dma_wait3A_370 : memref<256x32xf32, #tpu.memory_space<vmem>>)
    %dma_wait3A_377 = arith.constant 9 : i32
    %dma_wait3A_378 = arith.constant 0 : i32
    %dma_wait3A_379 = arith.constant 256 : i32
    %dma_wait3A_380 = arith.constant 0 : i32
    %dma_wait3A_381 = tpu.memref_slice %arg6[%dma_wait3A_378, %dma_wait3A_379, %dma_wait3A_380] : memref<2x1024x32xf32, #tpu.memory_space<vmem>> -> memref<1x256x32xf32, #tpu.memory_space<vmem>>
    %dma_wait3A_382 = tpu.memref_squeeze %dma_wait3A_381 : memref<1x256x32xf32, #tpu.memory_space<vmem>> -> memref<256x32xf32, #tpu.memory_space<vmem>>
    %dma_wait3A_383 = arith.constant 0 : i32
    %dma_wait3A_384 = tpu.memref_slice %arg5[%dma_wait3A_377, %dma_wait3A_383] : memref<16x256xi32, #tpu.memory_space<vmem>> -> memref<1x256xi32, #tpu.memory_space<vmem>>
    %dma_wait3A_385 = tpu.memref_squeeze %dma_wait3A_384 : memref<1x256xi32, #tpu.memory_space<vmem>> -> memref<256xi32, #tpu.memory_space<vmem>>
    %dma_wait3A_386 = arith.constant 0 : i32
    %dma_wait3A_387 = arith.constant 0 : i32
    %dma_wait3A_388 = tpu.memref_slice %arg2[%dma_wait3A_386, %dma_wait3A_387] : memref<512x32xf32, #tpu.memory_space<hbm>> -> memref<512x32xf32, #tpu.memory_space<hbm>>
    tpu.wait_indirect_dma semaphore(%arg7 : memref<!tpu.dma_semaphore, #tpu.memory_space<semaphore_mem>>) src(%dma_wait3A_388 : memref<512x32xf32, #tpu.memory_space<hbm>>) dst(%dma_wait3A_382 : memref<256x32xf32, #tpu.memory_space<vmem>>)
    %dma_wait3A_389 = arith.constant 10 : i32
    %dma_wait3A_390 = arith.constant 0 : i32
    %dma_wait3A_391 = arith.constant 512 : i32
    %dma_wait3A_392 = arith.constant 0 : i32
    %dma_wait3A_393 = tpu.memref_slice %arg6[%dma_wait3A_390, %dma_wait3A_391, %dma_wait3A_392] : memref<2x1024x32xf32, #tpu.memory_space<vmem>> -> memref<1x256x32xf32, #tpu.memory_space<vmem>>
    %dma_wait3A_394 = tpu.memref_squeeze %dma_wait3A_393 : memref<1x256x32xf32, #tpu.memory_space<vmem>> -> memref<256x32xf32, #tpu.memory_space<vmem>>
    %dma_wait3A_395 = arith.constant 0 : i32
    %dma_wait3A_396 = tpu.memref_slice %arg5[%dma_wait3A_389, %dma_wait3A_395] : memref<16x256xi32, #tpu.memory_space<vmem>> -> memref<1x256xi32, #tpu.memory_space<vmem>>
    %dma_wait3A_397 = tpu.memref_squeeze %dma_wait3A_396 : memref<1x256xi32, #tpu.memory_space<vmem>> -> memref<256xi32, #tpu.memory_space<vmem>>
    %dma_wait3A_398 = arith.constant 0 : i32
    %dma_wait3A_399 = arith.constant 0 : i32
    %dma_wait3A_400 = tpu.memref_slice %arg2[%dma_wait3A_398, %dma_wait3A_399] : memref<512x32xf32, #tpu.memory_space<hbm>> -> memref<512x32xf32, #tpu.memory_space<hbm>>
    tpu.wait_indirect_dma semaphore(%arg7 : memref<!tpu.dma_semaphore, #tpu.memory_space<semaphore_mem>>) src(%dma_wait3A_400 : memref<512x32xf32, #tpu.memory_space<hbm>>) dst(%dma_wait3A_394 : memref<256x32xf32, #tpu.memory_space<vmem>>)
    %dma_wait3A_401 = arith.constant 11 : i32
    %dma_wait3A_402 = arith.constant 0 : i32
    %dma_wait3A_403 = arith.constant 768 : i32
    %dma_wait3A_404 = arith.constant 0 : i32
    %dma_wait3A_405 = tpu.memref_slice %arg6[%dma_wait3A_402, %dma_wait3A_403, %dma_wait3A_404] : memref<2x1024x32xf32, #tpu.memory_space<vmem>> -> memref<1x256x32xf32, #tpu.memory_space<vmem>>
    %dma_wait3A_406 = tpu.memref_squeeze %dma_wait3A_405 : memref<1x256x32xf32, #tpu.memory_space<vmem>> -> memref<256x32xf32, #tpu.memory_space<vmem>>
    %dma_wait3A_407 = arith.constant 0 : i32
    %dma_wait3A_408 = tpu.memref_slice %arg5[%dma_wait3A_401, %dma_wait3A_407] : memref<16x256xi32, #tpu.memory_space<vmem>> -> memref<1x256xi32, #tpu.memory_space<vmem>>
    %dma_wait3A_409 = tpu.memref_squeeze %dma_wait3A_408 : memref<1x256xi32, #tpu.memory_space<vmem>> -> memref<256xi32, #tpu.memory_space<vmem>>
    %dma_wait3A_410 = arith.constant 0 : i32
    %dma_wait3A_411 = arith.constant 0 : i32
    %dma_wait3A_412 = tpu.memref_slice %arg2[%dma_wait3A_410, %dma_wait3A_411] : memref<512x32xf32, #tpu.memory_space<hbm>> -> memref<512x32xf32, #tpu.memory_space<hbm>>
    tpu.wait_indirect_dma semaphore(%arg7 : memref<!tpu.dma_semaphore, #tpu.memory_space<semaphore_mem>>) src(%dma_wait3A_412 : memref<512x32xf32, #tpu.memory_space<hbm>>) dst(%dma_wait3A_406 : memref<256x32xf32, #tpu.memory_space<vmem>>)
    %mul3A_413 = arith.constant 4 : i32
    %mul3A_414 = arith.muli %add3A, %mul3A_413 : i32
    %add3A_415 = arith.constant 2 : i32
    %add3A_416 = arith.addi %mul3A_414, %add3A_415 : i32
    %dma_start3A_417 = arith.constant 0 : i32
    %dma_start3A_418 = arith.constant 0 : i32
    %dma_start3A_419 = arith.constant 0 : i32
    %dma_start3A_420 = tpu.memref_slice %arg6[%dma_start3A_417, %dma_start3A_418, %dma_start3A_419] : memref<2x1024x32xf32, #tpu.memory_space<vmem>> -> memref<1x1024x32xf32, #tpu.memory_space<vmem>>
    %dma_start3A_421 = tpu.memref_squeeze %dma_start3A_420 : memref<1x1024x32xf32, #tpu.memory_space<vmem>> -> memref<1024x32xf32, #tpu.memory_space<vmem>>
    %dma_start3A_422 = arith.constant 0 : i32
    %dma_start3A_423 = arith.constant 0 : i32
    %dma_start3A_424 = tpu.memref_slice %arg4[%add3A_416, %dma_start3A_422, %dma_start3A_423] : memref<128x1024x32xf32, #tpu.memory_space<hbm>> -> memref<1x1024x32xf32, #tpu.memory_space<hbm>>
    %dma_start3A_425 = tpu.memref_squeeze %dma_start3A_424 : memref<1x1024x32xf32, #tpu.memory_space<hbm>> -> memref<1024x32xf32, #tpu.memory_space<hbm>>
    %dma_start3A_426 = arith.constant 0 : i32
    %dma_start3A_427 = arith.constant 0 : i32
    %dma_start3A_428 = tpu.memref_slice %arg4[%add3A_416, %dma_start3A_426, %dma_start3A_427] : memref<128x1024x32xf32, #tpu.memory_space<hbm>> -> memref<1x1024x32xf32, #tpu.memory_space<hbm>>
    %dma_start3A_429 = tpu.memref_squeeze %dma_start3A_428 : memref<1x1024x32xf32, #tpu.memory_space<hbm>> -> memref<1024x32xf32, #tpu.memory_space<hbm>>
    %dma_start3A_430 = arith.constant 0 : i32
    %dma_start3A_431 = arith.constant 0 : i32
    %dma_start3A_432 = tpu.memref_slice %arg6[%dma_start3A_417, %dma_start3A_430, %dma_start3A_431] : memref<2x1024x32xf32, #tpu.memory_space<vmem>> -> memref<1x1024x32xf32, #tpu.memory_space<vmem>>
    %dma_start3A_433 = tpu.memref_squeeze %dma_start3A_432 : memref<1x1024x32xf32, #tpu.memory_space<vmem>> -> memref<1024x32xf32, #tpu.memory_space<vmem>>
    tpu.enqueue_dma source(%dma_start3A_433 : memref<1024x32xf32, #tpu.memory_space<vmem>>) target(%dma_start3A_429 : memref<1024x32xf32, #tpu.memory_space<hbm>>) target_semaphore(%arg9 : memref<!tpu.dma_semaphore, #tpu.memory_space<semaphore_mem>>)
    %dma_wait3A_434 = arith.constant 12 : i32
    %dma_wait3A_435 = arith.constant 1 : i32
    %dma_wait3A_436 = arith.constant 0 : i32
    %dma_wait3A_437 = arith.constant 0 : i32
    %dma_wait3A_438 = tpu.memref_slice %arg6[%dma_wait3A_435, %dma_wait3A_436, %dma_wait3A_437] : memref<2x1024x32xf32, #tpu.memory_space<vmem>> -> memref<1x256x32xf32, #tpu.memory_space<vmem>>
    %dma_wait3A_439 = tpu.memref_squeeze %dma_wait3A_438 : memref<1x256x32xf32, #tpu.memory_space<vmem>> -> memref<256x32xf32, #tpu.memory_space<vmem>>
    %dma_wait3A_440 = arith.constant 0 : i32
    %dma_wait3A_441 = tpu.memref_slice %arg5[%dma_wait3A_434, %dma_wait3A_440] : memref<16x256xi32, #tpu.memory_space<vmem>> -> memref<1x256xi32, #tpu.memory_space<vmem>>
    %dma_wait3A_442 = tpu.memref_squeeze %dma_wait3A_441 : memref<1x256xi32, #tpu.memory_space<vmem>> -> memref<256xi32, #tpu.memory_space<vmem>>
    %dma_wait3A_443 = arith.constant 0 : i32
    %dma_wait3A_444 = arith.constant 0 : i32
    %dma_wait3A_445 = tpu.memref_slice %arg2[%dma_wait3A_443, %dma_wait3A_444] : memref<512x32xf32, #tpu.memory_space<hbm>> -> memref<512x32xf32, #tpu.memory_space<hbm>>
    tpu.wait_indirect_dma semaphore(%arg8 : memref<!tpu.dma_semaphore, #tpu.memory_space<semaphore_mem>>) src(%dma_wait3A_445 : memref<512x32xf32, #tpu.memory_space<hbm>>) dst(%dma_wait3A_439 : memref<256x32xf32, #tpu.memory_space<vmem>>)
    %dma_wait3A_446 = arith.constant 13 : i32
    %dma_wait3A_447 = arith.constant 1 : i32
    %dma_wait3A_448 = arith.constant 256 : i32
    %dma_wait3A_449 = arith.constant 0 : i32
    %dma_wait3A_450 = tpu.memref_slice %arg6[%dma_wait3A_447, %dma_wait3A_448, %dma_wait3A_449] : memref<2x1024x32xf32, #tpu.memory_space<vmem>> -> memref<1x256x32xf32, #tpu.memory_space<vmem>>
    %dma_wait3A_451 = tpu.memref_squeeze %dma_wait3A_450 : memref<1x256x32xf32, #tpu.memory_space<vmem>> -> memref<256x32xf32, #tpu.memory_space<vmem>>
    %dma_wait3A_452 = arith.constant 0 : i32
    %dma_wait3A_453 = tpu.memref_slice %arg5[%dma_wait3A_446, %dma_wait3A_452] : memref<16x256xi32, #tpu.memory_space<vmem>> -> memref<1x256xi32, #tpu.memory_space<vmem>>
    %dma_wait3A_454 = tpu.memref_squeeze %dma_wait3A_453 : memref<1x256xi32, #tpu.memory_space<vmem>> -> memref<256xi32, #tpu.memory_space<vmem>>
    %dma_wait3A_455 = arith.constant 0 : i32
    %dma_wait3A_456 = arith.constant 0 : i32
    %dma_wait3A_457 = tpu.memref_slice %arg2[%dma_wait3A_455, %dma_wait3A_456] : memref<512x32xf32, #tpu.memory_space<hbm>> -> memref<512x32xf32, #tpu.memory_space<hbm>>
    tpu.wait_indirect_dma semaphore(%arg8 : memref<!tpu.dma_semaphore, #tpu.memory_space<semaphore_mem>>) src(%dma_wait3A_457 : memref<512x32xf32, #tpu.memory_space<hbm>>) dst(%dma_wait3A_451 : memref<256x32xf32, #tpu.memory_space<vmem>>)
    %dma_wait3A_458 = arith.constant 14 : i32
    %dma_wait3A_459 = arith.constant 1 : i32
    %dma_wait3A_460 = arith.constant 512 : i32
    %dma_wait3A_461 = arith.constant 0 : i32
    %dma_wait3A_462 = tpu.memref_slice %arg6[%dma_wait3A_459, %dma_wait3A_460, %dma_wait3A_461] : memref<2x1024x32xf32, #tpu.memory_space<vmem>> -> memref<1x256x32xf32, #tpu.memory_space<vmem>>
    %dma_wait3A_463 = tpu.memref_squeeze %dma_wait3A_462 : memref<1x256x32xf32, #tpu.memory_space<vmem>> -> memref<256x32xf32, #tpu.memory_space<vmem>>
    %dma_wait3A_464 = arith.constant 0 : i32
    %dma_wait3A_465 = tpu.memref_slice %arg5[%dma_wait3A_458, %dma_wait3A_464] : memref<16x256xi32, #tpu.memory_space<vmem>> -> memref<1x256xi32, #tpu.memory_space<vmem>>
    %dma_wait3A_466 = tpu.memref_squeeze %dma_wait3A_465 : memref<1x256xi32, #tpu.memory_space<vmem>> -> memref<256xi32, #tpu.memory_space<vmem>>
    %dma_wait3A_467 = arith.constant 0 : i32
    %dma_wait3A_468 = arith.constant 0 : i32
    %dma_wait3A_469 = tpu.memref_slice %arg2[%dma_wait3A_467, %dma_wait3A_468] : memref<512x32xf32, #tpu.memory_space<hbm>> -> memref<512x32xf32, #tpu.memory_space<hbm>>
    tpu.wait_indirect_dma semaphore(%arg8 : memref<!tpu.dma_semaphore, #tpu.memory_space<semaphore_mem>>) src(%dma_wait3A_469 : memref<512x32xf32, #tpu.memory_space<hbm>>) dst(%dma_wait3A_463 : memref<256x32xf32, #tpu.memory_space<vmem>>)
    %dma_wait3A_470 = arith.constant 15 : i32
    %dma_wait3A_471 = arith.constant 1 : i32
    %dma_wait3A_472 = arith.constant 768 : i32
    %dma_wait3A_473 = arith.constant 0 : i32
    %dma_wait3A_474 = tpu.memref_slice %arg6[%dma_wait3A_471, %dma_wait3A_472, %dma_wait3A_473] : memref<2x1024x32xf32, #tpu.memory_space<vmem>> -> memref<1x256x32xf32, #tpu.memory_space<vmem>>
    %dma_wait3A_475 = tpu.memref_squeeze %dma_wait3A_474 : memref<1x256x32xf32, #tpu.memory_space<vmem>> -> memref<256x32xf32, #tpu.memory_space<vmem>>
    %dma_wait3A_476 = arith.constant 0 : i32
    %dma_wait3A_477 = tpu.memref_slice %arg5[%dma_wait3A_470, %dma_wait3A_476] : memref<16x256xi32, #tpu.memory_space<vmem>> -> memref<1x256xi32, #tpu.memory_space<vmem>>
    %dma_wait3A_478 = tpu.memref_squeeze %dma_wait3A_477 : memref<1x256xi32, #tpu.memory_space<vmem>> -> memref<256xi32, #tpu.memory_space<vmem>>
    %dma_wait3A_479 = arith.constant 0 : i32
    %dma_wait3A_480 = arith.constant 0 : i32
    %dma_wait3A_481 = tpu.memref_slice %arg2[%dma_wait3A_479, %dma_wait3A_480] : memref<512x32xf32, #tpu.memory_space<hbm>> -> memref<512x32xf32, #tpu.memory_space<hbm>>
    tpu.wait_indirect_dma semaphore(%arg8 : memref<!tpu.dma_semaphore, #tpu.memory_space<semaphore_mem>>) src(%dma_wait3A_481 : memref<512x32xf32, #tpu.memory_space<hbm>>) dst(%dma_wait3A_475 : memref<256x32xf32, #tpu.memory_space<vmem>>)
    %mul3A_482 = arith.constant 4 : i32
    %mul3A_483 = arith.muli %add3A, %mul3A_482 : i32
    %add3A_484 = arith.constant 3 : i32
    %add3A_485 = arith.addi %mul3A_483, %add3A_484 : i32
    %dma_start3A_486 = arith.constant 1 : i32
    %dma_start3A_487 = arith.constant 0 : i32
    %dma_start3A_488 = arith.constant 0 : i32
    %dma_start3A_489 = tpu.memref_slice %arg6[%dma_start3A_486, %dma_start3A_487, %dma_start3A_488] : memref<2x1024x32xf32, #tpu.memory_space<vmem>> -> memref<1x1024x32xf32, #tpu.memory_space<vmem>>
    %dma_start3A_490 = tpu.memref_squeeze %dma_start3A_489 : memref<1x1024x32xf32, #tpu.memory_space<vmem>> -> memref<1024x32xf32, #tpu.memory_space<vmem>>
    %dma_start3A_491 = arith.constant 0 : i32
    %dma_start3A_492 = arith.constant 0 : i32
    %dma_start3A_493 = tpu.memref_slice %arg4[%add3A_485, %dma_start3A_491, %dma_start3A_492] : memref<128x1024x32xf32, #tpu.memory_space<hbm>> -> memref<1x1024x32xf32, #tpu.memory_space<hbm>>
    %dma_start3A_494 = tpu.memref_squeeze %dma_start3A_493 : memref<1x1024x32xf32, #tpu.memory_space<hbm>> -> memref<1024x32xf32, #tpu.memory_space<hbm>>
    %dma_start3A_495 = arith.constant 0 : i32
    %dma_start3A_496 = arith.constant 0 : i32
    %dma_start3A_497 = tpu.memref_slice %arg4[%add3A_485, %dma_start3A_495, %dma_start3A_496] : memref<128x1024x32xf32, #tpu.memory_space<hbm>> -> memref<1x1024x32xf32, #tpu.memory_space<hbm>>
    %dma_start3A_498 = tpu.memref_squeeze %dma_start3A_497 : memref<1x1024x32xf32, #tpu.memory_space<hbm>> -> memref<1024x32xf32, #tpu.memory_space<hbm>>
    %dma_start3A_499 = arith.constant 0 : i32
    %dma_start3A_500 = arith.constant 0 : i32
    %dma_start3A_501 = tpu.memref_slice %arg6[%dma_start3A_486, %dma_start3A_499, %dma_start3A_500] : memref<2x1024x32xf32, #tpu.memory_space<vmem>> -> memref<1x1024x32xf32, #tpu.memory_space<vmem>>
    %dma_start3A_502 = tpu.memref_squeeze %dma_start3A_501 : memref<1x1024x32xf32, #tpu.memory_space<vmem>> -> memref<1024x32xf32, #tpu.memory_space<vmem>>
    tpu.enqueue_dma source(%dma_start3A_502 : memref<1024x32xf32, #tpu.memory_space<vmem>>) target(%dma_start3A_498 : memref<1024x32xf32, #tpu.memory_space<hbm>>) target_semaphore(%arg10 : memref<!tpu.dma_semaphore, #tpu.memory_space<semaphore_mem>>)
    %dma_wait3A_503 = arith.constant 0 : i32
    %dma_wait3A_504 = arith.constant 0 : i32
    %dma_wait3A_505 = arith.constant 0 : i32
    %dma_wait3A_506 = tpu.memref_slice %arg6[%dma_wait3A_503, %dma_wait3A_504, %dma_wait3A_505] : memref<2x1024x32xf32, #tpu.memory_space<vmem>> -> memref<1x1024x32xf32, #tpu.memory_space<vmem>>
    %dma_wait3A_507 = tpu.memref_squeeze %dma_wait3A_506 : memref<1x1024x32xf32, #tpu.memory_space<vmem>> -> memref<1024x32xf32, #tpu.memory_space<vmem>>
    %dma_wait3A_508 = arith.constant 0 : i32
    %dma_wait3A_509 = arith.constant 0 : i32
    %dma_wait3A_510 = tpu.memref_slice %arg4[%add3A_416, %dma_wait3A_508, %dma_wait3A_509] : memref<128x1024x32xf32, #tpu.memory_space<hbm>> -> memref<1x1024x32xf32, #tpu.memory_space<hbm>>
    %dma_wait3A_511 = tpu.memref_squeeze %dma_wait3A_510 : memref<1x1024x32xf32, #tpu.memory_space<hbm>> -> memref<1024x32xf32, #tpu.memory_space<hbm>>
    %dma_wait3A_512 = arith.constant 0 : i32
    %dma_wait3A_513 = arith.constant 0 : i32
    %dma_wait3A_514 = tpu.memref_slice %arg4[%add3A_416, %dma_wait3A_512, %dma_wait3A_513] : memref<128x1024x32xf32, #tpu.memory_space<hbm>> -> memref<1x1024x32xf32, #tpu.memory_space<hbm>>
    %dma_wait3A_515 = tpu.memref_squeeze %dma_wait3A_514 : memref<1x1024x32xf32, #tpu.memory_space<hbm>> -> memref<1024x32xf32, #tpu.memory_space<hbm>>
    %dma_wait3A_516 = arith.constant 0 : i32
    %dma_wait3A_517 = arith.constant 0 : i32
    %dma_wait3A_518 = tpu.memref_slice %arg6[%dma_wait3A_503, %dma_wait3A_516, %dma_wait3A_517] : memref<2x1024x32xf32, #tpu.memory_space<vmem>> -> memref<1x1024x32xf32, #tpu.memory_space<vmem>>
    %dma_wait3A_519 = tpu.memref_squeeze %dma_wait3A_518 : memref<1x1024x32xf32, #tpu.memory_space<vmem>> -> memref<1024x32xf32, #tpu.memory_space<vmem>>
    tpu.wait_dma2 semaphore(%arg9 : memref<!tpu.dma_semaphore, #tpu.memory_space<semaphore_mem>>) src(%dma_wait3A_519 : memref<1024x32xf32, #tpu.memory_space<vmem>>) dst(%dma_wait3A_515 : memref<1024x32xf32, #tpu.memory_space<hbm>>)
    %dma_wait3A_520 = arith.constant 1 : i32
    %dma_wait3A_521 = arith.constant 0 : i32
    %dma_wait3A_522 = arith.constant 0 : i32
    %dma_wait3A_523 = tpu.memref_slice %arg6[%dma_wait3A_520, %dma_wait3A_521, %dma_wait3A_522] : memref<2x1024x32xf32, #tpu.memory_space<vmem>> -> memref<1x1024x32xf32, #tpu.memory_space<vmem>>
    %dma_wait3A_524 = tpu.memref_squeeze %dma_wait3A_523 : memref<1x1024x32xf32, #tpu.memory_space<vmem>> -> memref<1024x32xf32, #tpu.memory_space<vmem>>
    %dma_wait3A_525 = arith.constant 0 : i32
    %dma_wait3A_526 = arith.constant 0 : i32
    %dma_wait3A_527 = tpu.memref_slice %arg4[%add3A_485, %dma_wait3A_525, %dma_wait3A_526] : memref<128x1024x32xf32, #tpu.memory_space<hbm>> -> memref<1x1024x32xf32, #tpu.memory_space<hbm>>
    %dma_wait3A_528 = tpu.memref_squeeze %dma_wait3A_527 : memref<1x1024x32xf32, #tpu.memory_space<hbm>> -> memref<1024x32xf32, #tpu.memory_space<hbm>>
    %dma_wait3A_529 = arith.constant 0 : i32
    %dma_wait3A_530 = arith.constant 0 : i32
    %dma_wait3A_531 = tpu.memref_slice %arg4[%add3A_485, %dma_wait3A_529, %dma_wait3A_530] : memref<128x1024x32xf32, #tpu.memory_space<hbm>> -> memref<1x1024x32xf32, #tpu.memory_space<hbm>>
    %dma_wait3A_532 = tpu.memref_squeeze %dma_wait3A_531 : memref<1x1024x32xf32, #tpu.memory_space<hbm>> -> memref<1024x32xf32, #tpu.memory_space<hbm>>
    %dma_wait3A_533 = arith.constant 0 : i32
    %dma_wait3A_534 = arith.constant 0 : i32
    %dma_wait3A_535 = tpu.memref_slice %arg6[%dma_wait3A_520, %dma_wait3A_533, %dma_wait3A_534] : memref<2x1024x32xf32, #tpu.memory_space<vmem>> -> memref<1x1024x32xf32, #tpu.memory_space<vmem>>
    %dma_wait3A_536 = tpu.memref_squeeze %dma_wait3A_535 : memref<1x1024x32xf32, #tpu.memory_space<vmem>> -> memref<1024x32xf32, #tpu.memory_space<vmem>>
    tpu.wait_dma2 semaphore(%arg10 : memref<!tpu.dma_semaphore, #tpu.memory_space<semaphore_mem>>) src(%dma_wait3A_536 : memref<1024x32xf32, #tpu.memory_space<vmem>>) dst(%dma_wait3A_532 : memref<1024x32xf32, #tpu.memory_space<hbm>>)
    return
  }
}

#map = affine_map<(d0, d1) -> (0, 0)>
#map1 = affine_map<(d0, d1) -> (0, 0, 0)>
module attributes {stable_mosaic.version = 14 : i64} {
  func.func @gather_kernel(%arg0: i32, %arg1: i32, %arg2: memref<512x32xf32, #tpu.memory_space<hbm>>, %arg3: memref<512x256xi32, #tpu.memory_space<hbm>>, %arg4: memref<128x1024x32xf32, #tpu.memory_space<hbm>>, %arg5: memref<16x256xi32, #tpu.memory_space<vmem>>, %arg6: memref<2x1024x32xf32, #tpu.memory_space<vmem>>, %arg7: memref<!tpu.dma_semaphore, #tpu.memory_space<semaphore_mem>>, %arg8: memref<!tpu.dma_semaphore, #tpu.memory_space<semaphore_mem>>, %arg9: memref<!tpu.dma_semaphore, #tpu.memory_space<semaphore_mem>>, %arg10: memref<!tpu.dma_semaphore, #tpu.memory_space<semaphore_mem>>) attributes {dimension_semantics = [#tpu.dimension_semantics<core_parallel>, #tpu.dimension_semantics<subcore_parallel>], iteration_bounds = array<i64: 2, 16>, scalar_prefetch = 0 : i64, scratch_operands = 6 : i64, tpu.core_type = #tpu.core_type<sc_vector_subcore>, window_params = [{transform_indices = #map}, {transform_indices = #map}, {transform_indices = #map1}]} {
    %mul3A = arith.constant 2 : i32
    %mul3A_0 = arith.muli %arg1, %mul3A : i32
    %add3A = arith.addi %mul3A_0, %arg0 : i32
    %mul3A_1 = arith.constant 16 : i32
    %mul3A_2 = arith.muli %add3A, %mul3A_1 : i32
    "tpu.region"() ({
      %run_scoped3A = tpu.sem_alloc : memref<!tpu.dma_semaphore, #tpu.memory_space<semaphore_mem>>
      %dma_start3A_537 = arith.constant 0 : i32
      %dma_start3A_538 = tpu.memref_slice %arg3[%mul3A_2, %dma_start3A_537] : memref<512x256xi32, #tpu.memory_space<hbm>> -> memref<16x256xi32, #tpu.memory_space<hbm>>
      %dma_start3A_539 = arith.constant 0 : i32
      %dma_start3A_540 = tpu.memref_slice %arg3[%mul3A_2, %dma_start3A_539] : memref<512x256xi32, #tpu.memory_space<hbm>> -> memref<16x256xi32, #tpu.memory_space<hbm>>
      tpu.enqueue_dma source(%dma_start3A_540 : memref<16x256xi32, #tpu.memory_space<hbm>>) target(%arg5 : memref<16x256xi32, #tpu.memory_space<vmem>>) target_semaphore(%run_scoped3A : memref<!tpu.dma_semaphore, #tpu.memory_space<semaphore_mem>>)
      %dma_wait3A_541 = arith.constant 0 : i32
      %dma_wait3A_542 = tpu.memref_slice %arg3[%mul3A_2, %dma_wait3A_541] : memref<512x256xi32, #tpu.memory_space<hbm>> -> memref<16x256xi32, #tpu.memory_space<hbm>>
      %dma_wait3A_543 = arith.constant 0 : i32
      %dma_wait3A_544 = tpu.memref_slice %arg3[%mul3A_2, %dma_wait3A_543] : memref<512x256xi32, #tpu.memory_space<hbm>> -> memref<16x256xi32, #tpu.memory_space<hbm>>
      tpu.wait_dma2 semaphore(%run_scoped3A : memref<!tpu.dma_semaphore, #tpu.memory_space<semaphore_mem>>) src(%dma_wait3A_544 : memref<16x256xi32, #tpu.memory_space<hbm>>) dst(%arg5 : memref<16x256xi32, #tpu.memory_space<vmem>>)
      tpu.yield
    }) : () -> ()
    %dma_start3A = arith.constant 0 : i32
    %dma_start3A_3 = arith.constant 0 : i32
    %dma_start3A_4 = arith.constant 0 : i32
    %dma_start3A_5 = arith.constant 0 : i32
    %dma_start3A_6 = tpu.memref_slice %arg6[%dma_start3A_3, %dma_start3A_4, %dma_start3A_5] : memref<2x1024x32xf32, #tpu.memory_space<vmem>> -> memref<1x256x32xf32, #tpu.memory_space<vmem>>
    %dma_start3A_7 = tpu.memref_squeeze %dma_start3A_6 : memref<1x256x32xf32, #tpu.memory_space<vmem>> -> memref<256x32xf32, #tpu.memory_space<vmem>>
    %dma_start3A_8 = arith.constant 0 : i32
    %dma_start3A_9 = tpu.memref_slice %arg5[%dma_start3A, %dma_start3A_8] : memref<16x256xi32, #tpu.memory_space<vmem>> -> memref<1x256xi32, #tpu.memory_space<vmem>>
    %dma_start3A_10 = tpu.memref_squeeze %dma_start3A_9 : memref<1x256xi32, #tpu.memory_space<vmem>> -> memref<256xi32, #tpu.memory_space<vmem>>
    %dma_start3A_11 = arith.constant 0 : i32
    %dma_start3A_12 = arith.constant 0 : i32
    %dma_start3A_13 = tpu.memref_slice %arg2[%dma_start3A_11, %dma_start3A_12] : memref<512x32xf32, #tpu.memory_space<hbm>> -> memref<512x32xf32, #tpu.memory_space<hbm>>
    tpu.enqueue_indirect_dma source(%dma_start3A_13 : memref<512x32xf32, #tpu.memory_space<hbm>>) target(%dma_start3A_7 : memref<256x32xf32, #tpu.memory_space<vmem>>) offsets(%dma_start3A_10 : memref<256xi32, #tpu.memory_space<vmem>>) semaphore(%arg7 : memref<!tpu.dma_semaphore, #tpu.memory_space<semaphore_mem>>)
    %dma_start3A_14 = arith.constant 1 : i32
    %dma_start3A_15 = arith.constant 0 : i32
    %dma_start3A_16 = arith.constant 256 : i32
    %dma_start3A_17 = arith.constant 0 : i32
    %dma_start3A_18 = tpu.memref_slice %arg6[%dma_start3A_15, %dma_start3A_16, %dma_start3A_17] : memref<2x1024x32xf32, #tpu.memory_space<vmem>> -> memref<1x256x32xf32, #tpu.memory_space<vmem>>
    %dma_start3A_19 = tpu.memref_squeeze %dma_start3A_18 : memref<1x256x32xf32, #tpu.memory_space<vmem>> -> memref<256x32xf32, #tpu.memory_space<vmem>>
    %dma_start3A_20 = arith.constant 0 : i32
    %dma_start3A_21 = tpu.memref_slice %arg5[%dma_start3A_14, %dma_start3A_20] : memref<16x256xi32, #tpu.memory_space<vmem>> -> memref<1x256xi32, #tpu.memory_space<vmem>>
    %dma_start3A_22 = tpu.memref_squeeze %dma_start3A_21 : memref<1x256xi32, #tpu.memory_space<vmem>> -> memref<256xi32, #tpu.memory_space<vmem>>
    %dma_start3A_23 = arith.constant 0 : i32
    %dma_start3A_24 = arith.constant 0 : i32
    %dma_start3A_25 = tpu.memref_slice %arg2[%dma_start3A_23, %dma_start3A_24] : memref<512x32xf32, #tpu.memory_space<hbm>> -> memref<512x32xf32, #tpu.memory_space<hbm>>
    tpu.enqueue_indirect_dma source(%dma_start3A_25 : memref<512x32xf32, #tpu.memory_space<hbm>>) target(%dma_start3A_19 : memref<256x32xf32, #tpu.memory_space<vmem>>) offsets(%dma_start3A_22 : memref<256xi32, #tpu.memory_space<vmem>>) semaphore(%arg7 : memref<!tpu.dma_semaphore, #tpu.memory_space<semaphore_mem>>)
    %dma_start3A_26 = arith.constant 2 : i32
    %dma_start3A_27 = arith.constant 0 : i32
    %dma_start3A_28 = arith.constant 512 : i32
    %dma_start3A_29 = arith.constant 0 : i32
    %dma_start3A_30 = tpu.memref_slice %arg6[%dma_start3A_27, %dma_start3A_28, %dma_start3A_29] : memref<2x1024x32xf32, #tpu.memory_space<vmem>> -> memref<1x256x32xf32, #tpu.memory_space<vmem>>
    %dma_start3A_31 = tpu.memref_squeeze %dma_start3A_30 : memref<1x256x32xf32, #tpu.memory_space<vmem>> -> memref<256x32xf32, #tpu.memory_space<vmem>>
    %dma_start3A_32 = arith.constant 0 : i32
    %dma_start3A_33 = tpu.memref_slice %arg5[%dma_start3A_26, %dma_start3A_32] : memref<16x256xi32, #tpu.memory_space<vmem>> -> memref<1x256xi32, #tpu.memory_space<vmem>>
    %dma_start3A_34 = tpu.memref_squeeze %dma_start3A_33 : memref<1x256xi32, #tpu.memory_space<vmem>> -> memref<256xi32, #tpu.memory_space<vmem>>
    %dma_start3A_35 = arith.constant 0 : i32
    %dma_start3A_36 = arith.constant 0 : i32
    %dma_start3A_37 = tpu.memref_slice %arg2[%dma_start3A_35, %dma_start3A_36] : memref<512x32xf32, #tpu.memory_space<hbm>> -> memref<512x32xf32, #tpu.memory_space<hbm>>
    tpu.enqueue_indirect_dma source(%dma_start3A_37 : memref<512x32xf32, #tpu.memory_space<hbm>>) target(%dma_start3A_31 : memref<256x32xf32, #tpu.memory_space<vmem>>) offsets(%dma_start3A_34 : memref<256xi32, #tpu.memory_space<vmem>>) semaphore(%arg7 : memref<!tpu.dma_semaphore, #tpu.memory_space<semaphore_mem>>)
    %dma_start3A_38 = arith.constant 3 : i32
    %dma_start3A_39 = arith.constant 0 : i32
    %dma_start3A_40 = arith.constant 768 : i32
    %dma_start3A_41 = arith.constant 0 : i32
    %dma_start3A_42 = tpu.memref_slice %arg6[%dma_start3A_39, %dma_start3A_40, %dma_start3A_41] : memref<2x1024x32xf32, #tpu.memory_space<vmem>> -> memref<1x256x32xf32, #tpu.memory_space<vmem>>
    %dma_start3A_43 = tpu.memref_squeeze %dma_start3A_42 : memref<1x256x32xf32, #tpu.memory_space<vmem>> -> memref<256x32xf32, #tpu.memory_space<vmem>>
    %dma_start3A_44 = arith.constant 0 : i32
    %dma_start3A_45 = tpu.memref_slice %arg5[%dma_start3A_38, %dma_start3A_44] : memref<16x256xi32, #tpu.memory_space<vmem>> -> memref<1x256xi32, #tpu.memory_space<vmem>>
    %dma_start3A_46 = tpu.memref_squeeze %dma_start3A_45 : memref<1x256xi32, #tpu.memory_space<vmem>> -> memref<256xi32, #tpu.memory_space<vmem>>
    %dma_start3A_47 = arith.constant 0 : i32
    %dma_start3A_48 = arith.constant 0 : i32
    %dma_start3A_49 = tpu.memref_slice %arg2[%dma_start3A_47, %dma_start3A_48] : memref<512x32xf32, #tpu.memory_space<hbm>> -> memref<512x32xf32, #tpu.memory_space<hbm>>
    tpu.enqueue_indirect_dma source(%dma_start3A_49 : memref<512x32xf32, #tpu.memory_space<hbm>>) target(%dma_start3A_43 : memref<256x32xf32, #tpu.memory_space<vmem>>) offsets(%dma_start3A_46 : memref<256xi32, #tpu.memory_space<vmem>>) semaphore(%arg7 : memref<!tpu.dma_semaphore, #tpu.memory_space<semaphore_mem>>)
    %dma_start3A_50 = arith.constant 4 : i32
    %dma_start3A_51 = arith.constant 1 : i32
    %dma_start3A_52 = arith.constant 0 : i32
    %dma_start3A_53 = arith.constant 0 : i32
    %dma_start3A_54 = tpu.memref_slice %arg6[%dma_start3A_51, %dma_start3A_52, %dma_start3A_53] : memref<2x1024x32xf32, #tpu.memory_space<vmem>> -> memref<1x256x32xf32, #tpu.memory_space<vmem>>
    %dma_start3A_55 = tpu.memref_squeeze %dma_start3A_54 : memref<1x256x32xf32, #tpu.memory_space<vmem>> -> memref<256x32xf32, #tpu.memory_space<vmem>>
    %dma_start3A_56 = arith.constant 0 : i32
    %dma_start3A_57 = tpu.memref_slice %arg5[%dma_start3A_50, %dma_start3A_56] : memref<16x256xi32, #tpu.memory_space<vmem>> -> memref<1x256xi32, #tpu.memory_space<vmem>>
    %dma_start3A_58 = tpu.memref_squeeze %dma_start3A_57 : memref<1x256xi32, #tpu.memory_space<vmem>> -> memref<256xi32, #tpu.memory_space<vmem>>
    %dma_start3A_59 = arith.constant 0 : i32
    %dma_start3A_60 = arith.constant 0 : i32
    %dma_start3A_61 = tpu.memref_slice %arg2[%dma_start3A_59, %dma_start3A_60] : memref<512x32xf32, #tpu.memory_space<hbm>> -> memref<512x32xf32, #tpu.memory_space<hbm>>
    tpu.enqueue_indirect_dma source(%dma_start3A_61 : memref<512x32xf32, #tpu.memory_space<hbm>>) target(%dma_start3A_55 : memref<256x32xf32, #tpu.memory_space<vmem>>) offsets(%dma_start3A_58 : memref<256xi32, #tpu.memory_space<vmem>>) semaphore(%arg8 : memref<!tpu.dma_semaphore, #tpu.memory_space<semaphore_mem>>)
    %dma_start3A_62 = arith.constant 5 : i32
    %dma_start3A_63 = arith.constant 1 : i32
    %dma_start3A_64 = arith.constant 256 : i32
    %dma_start3A_65 = arith.constant 0 : i32
    %dma_start3A_66 = tpu.memref_slice %arg6[%dma_start3A_63, %dma_start3A_64, %dma_start3A_65] : memref<2x1024x32xf32, #tpu.memory_space<vmem>> -> memref<1x256x32xf32, #tpu.memory_space<vmem>>
    %dma_start3A_67 = tpu.memref_squeeze %dma_start3A_66 : memref<1x256x32xf32, #tpu.memory_space<vmem>> -> memref<256x32xf32, #tpu.memory_space<vmem>>
    %dma_start3A_68 = arith.constant 0 : i32
    %dma_start3A_69 = tpu.memref_slice %arg5[%dma_start3A_62, %dma_start3A_68] : memref<16x256xi32, #tpu.memory_space<vmem>> -> memref<1x256xi32, #tpu.memory_space<vmem>>
    %dma_start3A_70 = tpu.memref_squeeze %dma_start3A_69 : memref<1x256xi32, #tpu.memory_space<vmem>> -> memref<256xi32, #tpu.memory_space<vmem>>
    %dma_start3A_71 = arith.constant 0 : i32
    %dma_start3A_72 = arith.constant 0 : i32
    %dma_start3A_73 = tpu.memref_slice %arg2[%dma_start3A_71, %dma_start3A_72] : memref<512x32xf32, #tpu.memory_space<hbm>> -> memref<512x32xf32, #tpu.memory_space<hbm>>
    tpu.enqueue_indirect_dma source(%dma_start3A_73 : memref<512x32xf32, #tpu.memory_space<hbm>>) target(%dma_start3A_67 : memref<256x32xf32, #tpu.memory_space<vmem>>) offsets(%dma_start3A_70 : memref<256xi32, #tpu.memory_space<vmem>>) semaphore(%arg8 : memref<!tpu.dma_semaphore, #tpu.memory_space<semaphore_mem>>)
    %dma_start3A_74 = arith.constant 6 : i32
    %dma_start3A_75 = arith.constant 1 : i32
    %dma_start3A_76 = arith.constant 512 : i32
    %dma_start3A_77 = arith.constant 0 : i32
    %dma_start3A_78 = tpu.memref_slice %arg6[%dma_start3A_75, %dma_start3A_76, %dma_start3A_77] : memref<2x1024x32xf32, #tpu.memory_space<vmem>> -> memref<1x256x32xf32, #tpu.memory_space<vmem>>
    %dma_start3A_79 = tpu.memref_squeeze %dma_start3A_78 : memref<1x256x32xf32, #tpu.memory_space<vmem>> -> memref<256x32xf32, #tpu.memory_space<vmem>>
    %dma_start3A_80 = arith.constant 0 : i32
    %dma_start3A_81 = tpu.memref_slice %arg5[%dma_start3A_74, %dma_start3A_80] : memref<16x256xi32, #tpu.memory_space<vmem>> -> memref<1x256xi32, #tpu.memory_space<vmem>>
    %dma_start3A_82 = tpu.memref_squeeze %dma_start3A_81 : memref<1x256xi32, #tpu.memory_space<vmem>> -> memref<256xi32, #tpu.memory_space<vmem>>
    %dma_start3A_83 = arith.constant 0 : i32
    %dma_start3A_84 = arith.constant 0 : i32
    %dma_start3A_85 = tpu.memref_slice %arg2[%dma_start3A_83, %dma_start3A_84] : memref<512x32xf32, #tpu.memory_space<hbm>> -> memref<512x32xf32, #tpu.memory_space<hbm>>
    tpu.enqueue_indirect_dma source(%dma_start3A_85 : memref<512x32xf32, #tpu.memory_space<hbm>>) target(%dma_start3A_79 : memref<256x32xf32, #tpu.memory_space<vmem>>) offsets(%dma_start3A_82 : memref<256xi32, #tpu.memory_space<vmem>>) semaphore(%arg8 : memref<!tpu.dma_semaphore, #tpu.memory_space<semaphore_mem>>)
    %dma_start3A_86 = arith.constant 7 : i32
    %dma_start3A_87 = arith.constant 1 : i32
    %dma_start3A_88 = arith.constant 768 : i32
    %dma_start3A_89 = arith.constant 0 : i32
    %dma_start3A_90 = tpu.memref_slice %arg6[%dma_start3A_87, %dma_start3A_88, %dma_start3A_89] : memref<2x1024x32xf32, #tpu.memory_space<vmem>> -> memref<1x256x32xf32, #tpu.memory_space<vmem>>
    %dma_start3A_91 = tpu.memref_squeeze %dma_start3A_90 : memref<1x256x32xf32, #tpu.memory_space<vmem>> -> memref<256x32xf32, #tpu.memory_space<vmem>>
    %dma_start3A_92 = arith.constant 0 : i32
    %dma_start3A_93 = tpu.memref_slice %arg5[%dma_start3A_86, %dma_start3A_92] : memref<16x256xi32, #tpu.memory_space<vmem>> -> memref<1x256xi32, #tpu.memory_space<vmem>>
    %dma_start3A_94 = tpu.memref_squeeze %dma_start3A_93 : memref<1x256xi32, #tpu.memory_space<vmem>> -> memref<256xi32, #tpu.memory_space<vmem>>
    %dma_start3A_95 = arith.constant 0 : i32
    %dma_start3A_96 = arith.constant 0 : i32
    %dma_start3A_97 = tpu.memref_slice %arg2[%dma_start3A_95, %dma_start3A_96] : memref<512x32xf32, #tpu.memory_space<hbm>> -> memref<512x32xf32, #tpu.memory_space<hbm>>
    tpu.enqueue_indirect_dma source(%dma_start3A_97 : memref<512x32xf32, #tpu.memory_space<hbm>>) target(%dma_start3A_91 : memref<256x32xf32, #tpu.memory_space<vmem>>) offsets(%dma_start3A_94 : memref<256xi32, #tpu.memory_space<vmem>>) semaphore(%arg8 : memref<!tpu.dma_semaphore, #tpu.memory_space<semaphore_mem>>)
    %dma_wait3A = arith.constant 0 : i32
    %dma_wait3A_98 = arith.constant 0 : i32
    %dma_wait3A_99 = arith.constant 0 : i32
    %dma_wait3A_100 = arith.constant 0 : i32
    %dma_wait3A_101 = tpu.memref_slice %arg6[%dma_wait3A_98, %dma_wait3A_99, %dma_wait3A_100] : memref<2x1024x32xf32, #tpu.memory_space<vmem>> -> memref<1x256x32xf32, #tpu.memory_space<vmem>>
    %dma_wait3A_102 = tpu.memref_squeeze %dma_wait3A_101 : memref<1x256x32xf32, #tpu.memory_space<vmem>> -> memref<256x32xf32, #tpu.memory_space<vmem>>
    %dma_wait3A_103 = arith.constant 0 : i32
    %dma_wait3A_104 = tpu.memref_slice %arg5[%dma_wait3A, %dma_wait3A_103] : memref<16x256xi32, #tpu.memory_space<vmem>> -> memref<1x256xi32, #tpu.memory_space<vmem>>
    %dma_wait3A_105 = tpu.memref_squeeze %dma_wait3A_104 : memref<1x256xi32, #tpu.memory_space<vmem>> -> memref<256xi32, #tpu.memory_space<vmem>>
    %dma_wait3A_106 = arith.constant 0 : i32
    %dma_wait3A_107 = arith.constant 0 : i32
    %dma_wait3A_108 = tpu.memref_slice %arg2[%dma_wait3A_106, %dma_wait3A_107] : memref<512x32xf32, #tpu.memory_space<hbm>> -> memref<512x32xf32, #tpu.memory_space<hbm>>
    tpu.wait_indirect_dma semaphore(%arg7 : memref<!tpu.dma_semaphore, #tpu.memory_space<semaphore_mem>>) src(%dma_wait3A_108 : memref<512x32xf32, #tpu.memory_space<hbm>>) dst(%dma_wait3A_102 : memref<256x32xf32, #tpu.memory_space<vmem>>)
    %dma_wait3A_109 = arith.constant 1 : i32
    %dma_wait3A_110 = arith.constant 0 : i32
    %dma_wait3A_111 = arith.constant 256 : i32
    %dma_wait3A_112 = arith.constant 0 : i32
    %dma_wait3A_113 = tpu.memref_slice %arg6[%dma_wait3A_110, %dma_wait3A_111, %dma_wait3A_112] : memref<2x1024x32xf32, #tpu.memory_space<vmem>> -> memref<1x256x32xf32, #tpu.memory_space<vmem>>
    %dma_wait3A_114 = tpu.memref_squeeze %dma_wait3A_113 : memref<1x256x32xf32, #tpu.memory_space<vmem>> -> memref<256x32xf32, #tpu.memory_space<vmem>>
    %dma_wait3A_115 = arith.constant 0 : i32
    %dma_wait3A_116 = tpu.memref_slice %arg5[%dma_wait3A_109, %dma_wait3A_115] : memref<16x256xi32, #tpu.memory_space<vmem>> -> memref<1x256xi32, #tpu.memory_space<vmem>>
    %dma_wait3A_117 = tpu.memref_squeeze %dma_wait3A_116 : memref<1x256xi32, #tpu.memory_space<vmem>> -> memref<256xi32, #tpu.memory_space<vmem>>
    %dma_wait3A_118 = arith.constant 0 : i32
    %dma_wait3A_119 = arith.constant 0 : i32
    %dma_wait3A_120 = tpu.memref_slice %arg2[%dma_wait3A_118, %dma_wait3A_119] : memref<512x32xf32, #tpu.memory_space<hbm>> -> memref<512x32xf32, #tpu.memory_space<hbm>>
    tpu.wait_indirect_dma semaphore(%arg7 : memref<!tpu.dma_semaphore, #tpu.memory_space<semaphore_mem>>) src(%dma_wait3A_120 : memref<512x32xf32, #tpu.memory_space<hbm>>) dst(%dma_wait3A_114 : memref<256x32xf32, #tpu.memory_space<vmem>>)
    %dma_wait3A_121 = arith.constant 2 : i32
    %dma_wait3A_122 = arith.constant 0 : i32
    %dma_wait3A_123 = arith.constant 512 : i32
    %dma_wait3A_124 = arith.constant 0 : i32
    %dma_wait3A_125 = tpu.memref_slice %arg6[%dma_wait3A_122, %dma_wait3A_123, %dma_wait3A_124] : memref<2x1024x32xf32, #tpu.memory_space<vmem>> -> memref<1x256x32xf32, #tpu.memory_space<vmem>>
    %dma_wait3A_126 = tpu.memref_squeeze %dma_wait3A_125 : memref<1x256x32xf32, #tpu.memory_space<vmem>> -> memref<256x32xf32, #tpu.memory_space<vmem>>
    %dma_wait3A_127 = arith.constant 0 : i32
    %dma_wait3A_128 = tpu.memref_slice %arg5[%dma_wait3A_121, %dma_wait3A_127] : memref<16x256xi32, #tpu.memory_space<vmem>> -> memref<1x256xi32, #tpu.memory_space<vmem>>
    %dma_wait3A_129 = tpu.memref_squeeze %dma_wait3A_128 : memref<1x256xi32, #tpu.memory_space<vmem>> -> memref<256xi32, #tpu.memory_space<vmem>>
    %dma_wait3A_130 = arith.constant 0 : i32
    %dma_wait3A_131 = arith.constant 0 : i32
    %dma_wait3A_132 = tpu.memref_slice %arg2[%dma_wait3A_130, %dma_wait3A_131] : memref<512x32xf32, #tpu.memory_space<hbm>> -> memref<512x32xf32, #tpu.memory_space<hbm>>
    tpu.wait_indirect_dma semaphore(%arg7 : memref<!tpu.dma_semaphore, #tpu.memory_space<semaphore_mem>>) src(%dma_wait3A_132 : memref<512x32xf32, #tpu.memory_space<hbm>>) dst(%dma_wait3A_126 : memref<256x32xf32, #tpu.memory_space<vmem>>)
    %dma_wait3A_133 = arith.constant 3 : i32
    %dma_wait3A_134 = arith.constant 0 : i32
    %dma_wait3A_135 = arith.constant 768 : i32
    %dma_wait3A_136 = arith.constant 0 : i32
    %dma_wait3A_137 = tpu.memref_slice %arg6[%dma_wait3A_134, %dma_wait3A_135, %dma_wait3A_136] : memref<2x1024x32xf32, #tpu.memory_space<vmem>> -> memref<1x256x32xf32, #tpu.memory_space<vmem>>
    %dma_wait3A_138 = tpu.memref_squeeze %dma_wait3A_137 : memref<1x256x32xf32, #tpu.memory_space<vmem>> -> memref<256x32xf32, #tpu.memory_space<vmem>>
    %dma_wait3A_139 = arith.constant 0 : i32
    %dma_wait3A_140 = tpu.memref_slice %arg5[%dma_wait3A_133, %dma_wait3A_139] : memref<16x256xi32, #tpu.memory_space<vmem>> -> memref<1x256xi32, #tpu.memory_space<vmem>>
    %dma_wait3A_141 = tpu.memref_squeeze %dma_wait3A_140 : memref<1x256xi32, #tpu.memory_space<vmem>> -> memref<256xi32, #tpu.memory_space<vmem>>
    %dma_wait3A_142 = arith.constant 0 : i32
    %dma_wait3A_143 = arith.constant 0 : i32
    %dma_wait3A_144 = tpu.memref_slice %arg2[%dma_wait3A_142, %dma_wait3A_143] : memref<512x32xf32, #tpu.memory_space<hbm>> -> memref<512x32xf32, #tpu.memory_space<hbm>>
    tpu.wait_indirect_dma semaphore(%arg7 : memref<!tpu.dma_semaphore, #tpu.memory_space<semaphore_mem>>) src(%dma_wait3A_144 : memref<512x32xf32, #tpu.memory_space<hbm>>) dst(%dma_wait3A_138 : memref<256x32xf32, #tpu.memory_space<vmem>>)
    %mul3A_145 = arith.constant 4 : i32
    %mul3A_146 = arith.muli %add3A, %mul3A_145 : i32
    %add3A_147 = arith.constant 0 : i32
    %add3A_148 = arith.addi %mul3A_146, %add3A_147 : i32
    %dma_start3A_149 = arith.constant 0 : i32
    %dma_start3A_150 = arith.constant 0 : i32
    %dma_start3A_151 = arith.constant 0 : i32
    %dma_start3A_152 = tpu.memref_slice %arg6[%dma_start3A_149, %dma_start3A_150, %dma_start3A_151] : memref<2x1024x32xf32, #tpu.memory_space<vmem>> -> memref<1x1024x32xf32, #tpu.memory_space<vmem>>
    %dma_start3A_153 = tpu.memref_squeeze %dma_start3A_152 : memref<1x1024x32xf32, #tpu.memory_space<vmem>> -> memref<1024x32xf32, #tpu.memory_space<vmem>>
    %dma_start3A_154 = arith.constant 0 : i32
    %dma_start3A_155 = arith.constant 0 : i32
    %dma_start3A_156 = tpu.memref_slice %arg4[%add3A_148, %dma_start3A_154, %dma_start3A_155] : memref<128x1024x32xf32, #tpu.memory_space<hbm>> -> memref<1x1024x32xf32, #tpu.memory_space<hbm>>
    %dma_start3A_157 = tpu.memref_squeeze %dma_start3A_156 : memref<1x1024x32xf32, #tpu.memory_space<hbm>> -> memref<1024x32xf32, #tpu.memory_space<hbm>>
    %dma_start3A_158 = arith.constant 0 : i32
    %dma_start3A_159 = arith.constant 0 : i32
    %dma_start3A_160 = tpu.memref_slice %arg4[%add3A_148, %dma_start3A_158, %dma_start3A_159] : memref<128x1024x32xf32, #tpu.memory_space<hbm>> -> memref<1x1024x32xf32, #tpu.memory_space<hbm>>
    %dma_start3A_161 = tpu.memref_squeeze %dma_start3A_160 : memref<1x1024x32xf32, #tpu.memory_space<hbm>> -> memref<1024x32xf32, #tpu.memory_space<hbm>>
    %dma_start3A_162 = arith.constant 0 : i32
    %dma_start3A_163 = arith.constant 0 : i32
    %dma_start3A_164 = tpu.memref_slice %arg6[%dma_start3A_149, %dma_start3A_162, %dma_start3A_163] : memref<2x1024x32xf32, #tpu.memory_space<vmem>> -> memref<1x1024x32xf32, #tpu.memory_space<vmem>>
    %dma_start3A_165 = tpu.memref_squeeze %dma_start3A_164 : memref<1x1024x32xf32, #tpu.memory_space<vmem>> -> memref<1024x32xf32, #tpu.memory_space<vmem>>
    tpu.enqueue_dma source(%dma_start3A_165 : memref<1024x32xf32, #tpu.memory_space<vmem>>) target(%dma_start3A_161 : memref<1024x32xf32, #tpu.memory_space<hbm>>) target_semaphore(%arg9 : memref<!tpu.dma_semaphore, #tpu.memory_space<semaphore_mem>>)
    %dma_wait3A_166 = arith.constant 0 : i32
    %dma_wait3A_167 = arith.constant 0 : i32
    %dma_wait3A_168 = arith.constant 0 : i32
    %dma_wait3A_169 = tpu.memref_slice %arg6[%dma_wait3A_166, %dma_wait3A_167, %dma_wait3A_168] : memref<2x1024x32xf32, #tpu.memory_space<vmem>> -> memref<1x1024x32xf32, #tpu.memory_space<vmem>>
    %dma_wait3A_170 = tpu.memref_squeeze %dma_wait3A_169 : memref<1x1024x32xf32, #tpu.memory_space<vmem>> -> memref<1024x32xf32, #tpu.memory_space<vmem>>
    %dma_wait3A_171 = arith.constant 0 : i32
    %dma_wait3A_172 = arith.constant 0 : i32
    %dma_wait3A_173 = tpu.memref_slice %arg4[%add3A_148, %dma_wait3A_171, %dma_wait3A_172] : memref<128x1024x32xf32, #tpu.memory_space<hbm>> -> memref<1x1024x32xf32, #tpu.memory_space<hbm>>
    %dma_wait3A_174 = tpu.memref_squeeze %dma_wait3A_173 : memref<1x1024x32xf32, #tpu.memory_space<hbm>> -> memref<1024x32xf32, #tpu.memory_space<hbm>>
    %dma_wait3A_175 = arith.constant 0 : i32
    %dma_wait3A_176 = arith.constant 0 : i32
    %dma_wait3A_177 = tpu.memref_slice %arg4[%add3A_148, %dma_wait3A_175, %dma_wait3A_176] : memref<128x1024x32xf32, #tpu.memory_space<hbm>> -> memref<1x1024x32xf32, #tpu.memory_space<hbm>>
    %dma_wait3A_178 = tpu.memref_squeeze %dma_wait3A_177 : memref<1x1024x32xf32, #tpu.memory_space<hbm>> -> memref<1024x32xf32, #tpu.memory_space<hbm>>
    %dma_wait3A_179 = arith.constant 0 : i32
    %dma_wait3A_180 = arith.constant 0 : i32
    %dma_wait3A_181 = tpu.memref_slice %arg6[%dma_wait3A_166, %dma_wait3A_179, %dma_wait3A_180] : memref<2x1024x32xf32, #tpu.memory_space<vmem>> -> memref<1x1024x32xf32, #tpu.memory_space<vmem>>
    %dma_wait3A_182 = tpu.memref_squeeze %dma_wait3A_181 : memref<1x1024x32xf32, #tpu.memory_space<vmem>> -> memref<1024x32xf32, #tpu.memory_space<vmem>>
    tpu.wait_dma2 semaphore(%arg9 : memref<!tpu.dma_semaphore, #tpu.memory_space<semaphore_mem>>) src(%dma_wait3A_182 : memref<1024x32xf32, #tpu.memory_space<vmem>>) dst(%dma_wait3A_178 : memref<1024x32xf32, #tpu.memory_space<hbm>>)
    %dma_start3A_183 = arith.constant 8 : i32
    %dma_start3A_184 = arith.constant 0 : i32
    %dma_start3A_185 = arith.constant 0 : i32
    %dma_start3A_186 = arith.constant 0 : i32
    %dma_start3A_187 = tpu.memref_slice %arg6[%dma_start3A_184, %dma_start3A_185, %dma_start3A_186] : memref<2x1024x32xf32, #tpu.memory_space<vmem>> -> memref<1x256x32xf32, #tpu.memory_space<vmem>>
    %dma_start3A_188 = tpu.memref_squeeze %dma_start3A_187 : memref<1x256x32xf32, #tpu.memory_space<vmem>> -> memref<256x32xf32, #tpu.memory_space<vmem>>
    %dma_start3A_189 = arith.constant 0 : i32
    %dma_start3A_190 = tpu.memref_slice %arg5[%dma_start3A_183, %dma_start3A_189] : memref<16x256xi32, #tpu.memory_space<vmem>> -> memref<1x256xi32, #tpu.memory_space<vmem>>
    %dma_start3A_191 = tpu.memref_squeeze %dma_start3A_190 : memref<1x256xi32, #tpu.memory_space<vmem>> -> memref<256xi32, #tpu.memory_space<vmem>>
    %dma_start3A_192 = arith.constant 0 : i32
    %dma_start3A_193 = arith.constant 0 : i32
    %dma_start3A_194 = tpu.memref_slice %arg2[%dma_start3A_192, %dma_start3A_193] : memref<512x32xf32, #tpu.memory_space<hbm>> -> memref<512x32xf32, #tpu.memory_space<hbm>>
    tpu.enqueue_indirect_dma source(%dma_start3A_194 : memref<512x32xf32, #tpu.memory_space<hbm>>) target(%dma_start3A_188 : memref<256x32xf32, #tpu.memory_space<vmem>>) offsets(%dma_start3A_191 : memref<256xi32, #tpu.memory_space<vmem>>) semaphore(%arg7 : memref<!tpu.dma_semaphore, #tpu.memory_space<semaphore_mem>>)
    %dma_start3A_195 = arith.constant 9 : i32
    %dma_start3A_196 = arith.constant 0 : i32
    %dma_start3A_197 = arith.constant 256 : i32
    %dma_start3A_198 = arith.constant 0 : i32
    %dma_start3A_199 = tpu.memref_slice %arg6[%dma_start3A_196, %dma_start3A_197, %dma_start3A_198] : memref<2x1024x32xf32, #tpu.memory_space<vmem>> -> memref<1x256x32xf32, #tpu.memory_space<vmem>>
    %dma_start3A_200 = tpu.memref_squeeze %dma_start3A_199 : memref<1x256x32xf32, #tpu.memory_space<vmem>> -> memref<256x32xf32, #tpu.memory_space<vmem>>
    %dma_start3A_201 = arith.constant 0 : i32
    %dma_start3A_202 = tpu.memref_slice %arg5[%dma_start3A_195, %dma_start3A_201] : memref<16x256xi32, #tpu.memory_space<vmem>> -> memref<1x256xi32, #tpu.memory_space<vmem>>
    %dma_start3A_203 = tpu.memref_squeeze %dma_start3A_202 : memref<1x256xi32, #tpu.memory_space<vmem>> -> memref<256xi32, #tpu.memory_space<vmem>>
    %dma_start3A_204 = arith.constant 0 : i32
    %dma_start3A_205 = arith.constant 0 : i32
    %dma_start3A_206 = tpu.memref_slice %arg2[%dma_start3A_204, %dma_start3A_205] : memref<512x32xf32, #tpu.memory_space<hbm>> -> memref<512x32xf32, #tpu.memory_space<hbm>>
    tpu.enqueue_indirect_dma source(%dma_start3A_206 : memref<512x32xf32, #tpu.memory_space<hbm>>) target(%dma_start3A_200 : memref<256x32xf32, #tpu.memory_space<vmem>>) offsets(%dma_start3A_203 : memref<256xi32, #tpu.memory_space<vmem>>) semaphore(%arg7 : memref<!tpu.dma_semaphore, #tpu.memory_space<semaphore_mem>>)
    %dma_start3A_207 = arith.constant 10 : i32
    %dma_start3A_208 = arith.constant 0 : i32
    %dma_start3A_209 = arith.constant 512 : i32
    %dma_start3A_210 = arith.constant 0 : i32
    %dma_start3A_211 = tpu.memref_slice %arg6[%dma_start3A_208, %dma_start3A_209, %dma_start3A_210] : memref<2x1024x32xf32, #tpu.memory_space<vmem>> -> memref<1x256x32xf32, #tpu.memory_space<vmem>>
    %dma_start3A_212 = tpu.memref_squeeze %dma_start3A_211 : memref<1x256x32xf32, #tpu.memory_space<vmem>> -> memref<256x32xf32, #tpu.memory_space<vmem>>
    %dma_start3A_213 = arith.constant 0 : i32
    %dma_start3A_214 = tpu.memref_slice %arg5[%dma_start3A_207, %dma_start3A_213] : memref<16x256xi32, #tpu.memory_space<vmem>> -> memref<1x256xi32, #tpu.memory_space<vmem>>
    %dma_start3A_215 = tpu.memref_squeeze %dma_start3A_214 : memref<1x256xi32, #tpu.memory_space<vmem>> -> memref<256xi32, #tpu.memory_space<vmem>>
    %dma_start3A_216 = arith.constant 0 : i32
    %dma_start3A_217 = arith.constant 0 : i32
    %dma_start3A_218 = tpu.memref_slice %arg2[%dma_start3A_216, %dma_start3A_217] : memref<512x32xf32, #tpu.memory_space<hbm>> -> memref<512x32xf32, #tpu.memory_space<hbm>>
    tpu.enqueue_indirect_dma source(%dma_start3A_218 : memref<512x32xf32, #tpu.memory_space<hbm>>) target(%dma_start3A_212 : memref<256x32xf32, #tpu.memory_space<vmem>>) offsets(%dma_start3A_215 : memref<256xi32, #tpu.memory_space<vmem>>) semaphore(%arg7 : memref<!tpu.dma_semaphore, #tpu.memory_space<semaphore_mem>>)
    %dma_start3A_219 = arith.constant 11 : i32
    %dma_start3A_220 = arith.constant 0 : i32
    %dma_start3A_221 = arith.constant 768 : i32
    %dma_start3A_222 = arith.constant 0 : i32
    %dma_start3A_223 = tpu.memref_slice %arg6[%dma_start3A_220, %dma_start3A_221, %dma_start3A_222] : memref<2x1024x32xf32, #tpu.memory_space<vmem>> -> memref<1x256x32xf32, #tpu.memory_space<vmem>>
    %dma_start3A_224 = tpu.memref_squeeze %dma_start3A_223 : memref<1x256x32xf32, #tpu.memory_space<vmem>> -> memref<256x32xf32, #tpu.memory_space<vmem>>
    %dma_start3A_225 = arith.constant 0 : i32
    %dma_start3A_226 = tpu.memref_slice %arg5[%dma_start3A_219, %dma_start3A_225] : memref<16x256xi32, #tpu.memory_space<vmem>> -> memref<1x256xi32, #tpu.memory_space<vmem>>
    %dma_start3A_227 = tpu.memref_squeeze %dma_start3A_226 : memref<1x256xi32, #tpu.memory_space<vmem>> -> memref<256xi32, #tpu.memory_space<vmem>>
    %dma_start3A_228 = arith.constant 0 : i32
    %dma_start3A_229 = arith.constant 0 : i32
    %dma_start3A_230 = tpu.memref_slice %arg2[%dma_start3A_228, %dma_start3A_229] : memref<512x32xf32, #tpu.memory_space<hbm>> -> memref<512x32xf32, #tpu.memory_space<hbm>>
    tpu.enqueue_indirect_dma source(%dma_start3A_230 : memref<512x32xf32, #tpu.memory_space<hbm>>) target(%dma_start3A_224 : memref<256x32xf32, #tpu.memory_space<vmem>>) offsets(%dma_start3A_227 : memref<256xi32, #tpu.memory_space<vmem>>) semaphore(%arg7 : memref<!tpu.dma_semaphore, #tpu.memory_space<semaphore_mem>>)
    %dma_wait3A_231 = arith.constant 4 : i32
    %dma_wait3A_232 = arith.constant 1 : i32
    %dma_wait3A_233 = arith.constant 0 : i32
    %dma_wait3A_234 = arith.constant 0 : i32
    %dma_wait3A_235 = tpu.memref_slice %arg6[%dma_wait3A_232, %dma_wait3A_233, %dma_wait3A_234] : memref<2x1024x32xf32, #tpu.memory_space<vmem>> -> memref<1x256x32xf32, #tpu.memory_space<vmem>>
    %dma_wait3A_236 = tpu.memref_squeeze %dma_wait3A_235 : memref<1x256x32xf32, #tpu.memory_space<vmem>> -> memref<256x32xf32, #tpu.memory_space<vmem>>
    %dma_wait3A_237 = arith.constant 0 : i32
    %dma_wait3A_238 = tpu.memref_slice %arg5[%dma_wait3A_231, %dma_wait3A_237] : memref<16x256xi32, #tpu.memory_space<vmem>> -> memref<1x256xi32, #tpu.memory_space<vmem>>
    %dma_wait3A_239 = tpu.memref_squeeze %dma_wait3A_238 : memref<1x256xi32, #tpu.memory_space<vmem>> -> memref<256xi32, #tpu.memory_space<vmem>>
    %dma_wait3A_240 = arith.constant 0 : i32
    %dma_wait3A_241 = arith.constant 0 : i32
    %dma_wait3A_242 = tpu.memref_slice %arg2[%dma_wait3A_240, %dma_wait3A_241] : memref<512x32xf32, #tpu.memory_space<hbm>> -> memref<512x32xf32, #tpu.memory_space<hbm>>
    tpu.wait_indirect_dma semaphore(%arg8 : memref<!tpu.dma_semaphore, #tpu.memory_space<semaphore_mem>>) src(%dma_wait3A_242 : memref<512x32xf32, #tpu.memory_space<hbm>>) dst(%dma_wait3A_236 : memref<256x32xf32, #tpu.memory_space<vmem>>)
    %dma_wait3A_243 = arith.constant 5 : i32
    %dma_wait3A_244 = arith.constant 1 : i32
    %dma_wait3A_245 = arith.constant 256 : i32
    %dma_wait3A_246 = arith.constant 0 : i32
    %dma_wait3A_247 = tpu.memref_slice %arg6[%dma_wait3A_244, %dma_wait3A_245, %dma_wait3A_246] : memref<2x1024x32xf32, #tpu.memory_space<vmem>> -> memref<1x256x32xf32, #tpu.memory_space<vmem>>
    %dma_wait3A_248 = tpu.memref_squeeze %dma_wait3A_247 : memref<1x256x32xf32, #tpu.memory_space<vmem>> -> memref<256x32xf32, #tpu.memory_space<vmem>>
    %dma_wait3A_249 = arith.constant 0 : i32
    %dma_wait3A_250 = tpu.memref_slice %arg5[%dma_wait3A_243, %dma_wait3A_249] : memref<16x256xi32, #tpu.memory_space<vmem>> -> memref<1x256xi32, #tpu.memory_space<vmem>>
    %dma_wait3A_251 = tpu.memref_squeeze %dma_wait3A_250 : memref<1x256xi32, #tpu.memory_space<vmem>> -> memref<256xi32, #tpu.memory_space<vmem>>
    %dma_wait3A_252 = arith.constant 0 : i32
    %dma_wait3A_253 = arith.constant 0 : i32
    %dma_wait3A_254 = tpu.memref_slice %arg2[%dma_wait3A_252, %dma_wait3A_253] : memref<512x32xf32, #tpu.memory_space<hbm>> -> memref<512x32xf32, #tpu.memory_space<hbm>>
    tpu.wait_indirect_dma semaphore(%arg8 : memref<!tpu.dma_semaphore, #tpu.memory_space<semaphore_mem>>) src(%dma_wait3A_254 : memref<512x32xf32, #tpu.memory_space<hbm>>) dst(%dma_wait3A_248 : memref<256x32xf32, #tpu.memory_space<vmem>>)
    %dma_wait3A_255 = arith.constant 6 : i32
    %dma_wait3A_256 = arith.constant 1 : i32
    %dma_wait3A_257 = arith.constant 512 : i32
    %dma_wait3A_258 = arith.constant 0 : i32
    %dma_wait3A_259 = tpu.memref_slice %arg6[%dma_wait3A_256, %dma_wait3A_257, %dma_wait3A_258] : memref<2x1024x32xf32, #tpu.memory_space<vmem>> -> memref<1x256x32xf32, #tpu.memory_space<vmem>>
    %dma_wait3A_260 = tpu.memref_squeeze %dma_wait3A_259 : memref<1x256x32xf32, #tpu.memory_space<vmem>> -> memref<256x32xf32, #tpu.memory_space<vmem>>
    %dma_wait3A_261 = arith.constant 0 : i32
    %dma_wait3A_262 = tpu.memref_slice %arg5[%dma_wait3A_255, %dma_wait3A_261] : memref<16x256xi32, #tpu.memory_space<vmem>> -> memref<1x256xi32, #tpu.memory_space<vmem>>
    %dma_wait3A_263 = tpu.memref_squeeze %dma_wait3A_262 : memref<1x256xi32, #tpu.memory_space<vmem>> -> memref<256xi32, #tpu.memory_space<vmem>>
    %dma_wait3A_264 = arith.constant 0 : i32
    %dma_wait3A_265 = arith.constant 0 : i32
    %dma_wait3A_266 = tpu.memref_slice %arg2[%dma_wait3A_264, %dma_wait3A_265] : memref<512x32xf32, #tpu.memory_space<hbm>> -> memref<512x32xf32, #tpu.memory_space<hbm>>
    tpu.wait_indirect_dma semaphore(%arg8 : memref<!tpu.dma_semaphore, #tpu.memory_space<semaphore_mem>>) src(%dma_wait3A_266 : memref<512x32xf32, #tpu.memory_space<hbm>>) dst(%dma_wait3A_260 : memref<256x32xf32, #tpu.memory_space<vmem>>)
    %dma_wait3A_267 = arith.constant 7 : i32
    %dma_wait3A_268 = arith.constant 1 : i32
    %dma_wait3A_269 = arith.constant 768 : i32
    %dma_wait3A_270 = arith.constant 0 : i32
    %dma_wait3A_271 = tpu.memref_slice %arg6[%dma_wait3A_268, %dma_wait3A_269, %dma_wait3A_270] : memref<2x1024x32xf32, #tpu.memory_space<vmem>> -> memref<1x256x32xf32, #tpu.memory_space<vmem>>
    %dma_wait3A_272 = tpu.memref_squeeze %dma_wait3A_271 : memref<1x256x32xf32, #tpu.memory_space<vmem>> -> memref<256x32xf32, #tpu.memory_space<vmem>>
    %dma_wait3A_273 = arith.constant 0 : i32
    %dma_wait3A_274 = tpu.memref_slice %arg5[%dma_wait3A_267, %dma_wait3A_273] : memref<16x256xi32, #tpu.memory_space<vmem>> -> memref<1x256xi32, #tpu.memory_space<vmem>>
    %dma_wait3A_275 = tpu.memref_squeeze %dma_wait3A_274 : memref<1x256xi32, #tpu.memory_space<vmem>> -> memref<256xi32, #tpu.memory_space<vmem>>
    %dma_wait3A_276 = arith.constant 0 : i32
    %dma_wait3A_277 = arith.constant 0 : i32
    %dma_wait3A_278 = tpu.memref_slice %arg2[%dma_wait3A_276, %dma_wait3A_277] : memref<512x32xf32, #tpu.memory_space<hbm>> -> memref<512x32xf32, #tpu.memory_space<hbm>>
    tpu.wait_indirect_dma semaphore(%arg8 : memref<!tpu.dma_semaphore, #tpu.memory_space<semaphore_mem>>) src(%dma_wait3A_278 : memref<512x32xf32, #tpu.memory_space<hbm>>) dst(%dma_wait3A_272 : memref<256x32xf32, #tpu.memory_space<vmem>>)
    %mul3A_279 = arith.constant 4 : i32
    %mul3A_280 = arith.muli %add3A, %mul3A_279 : i32
    %add3A_281 = arith.constant 1 : i32
    %add3A_282 = arith.addi %mul3A_280, %add3A_281 : i32
    %dma_start3A_283 = arith.constant 1 : i32
    %dma_start3A_284 = arith.constant 0 : i32
    %dma_start3A_285 = arith.constant 0 : i32
    %dma_start3A_286 = tpu.memref_slice %arg6[%dma_start3A_283, %dma_start3A_284, %dma_start3A_285] : memref<2x1024x32xf32, #tpu.memory_space<vmem>> -> memref<1x1024x32xf32, #tpu.memory_space<vmem>>
    %dma_start3A_287 = tpu.memref_squeeze %dma_start3A_286 : memref<1x1024x32xf32, #tpu.memory_space<vmem>> -> memref<1024x32xf32, #tpu.memory_space<vmem>>
    %dma_start3A_288 = arith.constant 0 : i32
    %dma_start3A_289 = arith.constant 0 : i32
    %dma_start3A_290 = tpu.memref_slice %arg4[%add3A_282, %dma_start3A_288, %dma_start3A_289] : memref<128x1024x32xf32, #tpu.memory_space<hbm>> -> memref<1x1024x32xf32, #tpu.memory_space<hbm>>
    %dma_start3A_291 = tpu.memref_squeeze %dma_start3A_290 : memref<1x1024x32xf32, #tpu.memory_space<hbm>> -> memref<1024x32xf32, #tpu.memory_space<hbm>>
    %dma_start3A_292 = arith.constant 0 : i32
    %dma_start3A_293 = arith.constant 0 : i32
    %dma_start3A_294 = tpu.memref_slice %arg4[%add3A_282, %dma_start3A_292, %dma_start3A_293] : memref<128x1024x32xf32, #tpu.memory_space<hbm>> -> memref<1x1024x32xf32, #tpu.memory_space<hbm>>
    %dma_start3A_295 = tpu.memref_squeeze %dma_start3A_294 : memref<1x1024x32xf32, #tpu.memory_space<hbm>> -> memref<1024x32xf32, #tpu.memory_space<hbm>>
    %dma_start3A_296 = arith.constant 0 : i32
    %dma_start3A_297 = arith.constant 0 : i32
    %dma_start3A_298 = tpu.memref_slice %arg6[%dma_start3A_283, %dma_start3A_296, %dma_start3A_297] : memref<2x1024x32xf32, #tpu.memory_space<vmem>> -> memref<1x1024x32xf32, #tpu.memory_space<vmem>>
    %dma_start3A_299 = tpu.memref_squeeze %dma_start3A_298 : memref<1x1024x32xf32, #tpu.memory_space<vmem>> -> memref<1024x32xf32, #tpu.memory_space<vmem>>
    tpu.enqueue_dma source(%dma_start3A_299 : memref<1024x32xf32, #tpu.memory_space<vmem>>) target(%dma_start3A_295 : memref<1024x32xf32, #tpu.memory_space<hbm>>) target_semaphore(%arg10 : memref<!tpu.dma_semaphore, #tpu.memory_space<semaphore_mem>>)
    %dma_wait3A_300 = arith.constant 1 : i32
    %dma_wait3A_301 = arith.constant 0 : i32
    %dma_wait3A_302 = arith.constant 0 : i32
    %dma_wait3A_303 = tpu.memref_slice %arg6[%dma_wait3A_300, %dma_wait3A_301, %dma_wait3A_302] : memref<2x1024x32xf32, #tpu.memory_space<vmem>> -> memref<1x1024x32xf32, #tpu.memory_space<vmem>>
    %dma_wait3A_304 = tpu.memref_squeeze %dma_wait3A_303 : memref<1x1024x32xf32, #tpu.memory_space<vmem>> -> memref<1024x32xf32, #tpu.memory_space<vmem>>
    %dma_wait3A_305 = arith.constant 0 : i32
    %dma_wait3A_306 = arith.constant 0 : i32
    %dma_wait3A_307 = tpu.memref_slice %arg4[%add3A_282, %dma_wait3A_305, %dma_wait3A_306] : memref<128x1024x32xf32, #tpu.memory_space<hbm>> -> memref<1x1024x32xf32, #tpu.memory_space<hbm>>
    %dma_wait3A_308 = tpu.memref_squeeze %dma_wait3A_307 : memref<1x1024x32xf32, #tpu.memory_space<hbm>> -> memref<1024x32xf32, #tpu.memory_space<hbm>>
    %dma_wait3A_309 = arith.constant 0 : i32
    %dma_wait3A_310 = arith.constant 0 : i32
    %dma_wait3A_311 = tpu.memref_slice %arg4[%add3A_282, %dma_wait3A_309, %dma_wait3A_310] : memref<128x1024x32xf32, #tpu.memory_space<hbm>> -> memref<1x1024x32xf32, #tpu.memory_space<hbm>>
    %dma_wait3A_312 = tpu.memref_squeeze %dma_wait3A_311 : memref<1x1024x32xf32, #tpu.memory_space<hbm>> -> memref<1024x32xf32, #tpu.memory_space<hbm>>
    %dma_wait3A_313 = arith.constant 0 : i32
    %dma_wait3A_314 = arith.constant 0 : i32
    %dma_wait3A_315 = tpu.memref_slice %arg6[%dma_wait3A_300, %dma_wait3A_313, %dma_wait3A_314] : memref<2x1024x32xf32, #tpu.memory_space<vmem>> -> memref<1x1024x32xf32, #tpu.memory_space<vmem>>
    %dma_wait3A_316 = tpu.memref_squeeze %dma_wait3A_315 : memref<1x1024x32xf32, #tpu.memory_space<vmem>> -> memref<1024x32xf32, #tpu.memory_space<vmem>>
    tpu.wait_dma2 semaphore(%arg10 : memref<!tpu.dma_semaphore, #tpu.memory_space<semaphore_mem>>) src(%dma_wait3A_316 : memref<1024x32xf32, #tpu.memory_space<vmem>>) dst(%dma_wait3A_312 : memref<1024x32xf32, #tpu.memory_space<hbm>>)
    %dma_start3A_317 = arith.constant 12 : i32
    %dma_start3A_318 = arith.constant 1 : i32
    %dma_start3A_319 = arith.constant 0 : i32
    %dma_start3A_320 = arith.constant 0 : i32
    %dma_start3A_321 = tpu.memref_slice %arg6[%dma_start3A_318, %dma_start3A_319, %dma_start3A_320] : memref<2x1024x32xf32, #tpu.memory_space<vmem>> -> memref<1x256x32xf32, #tpu.memory_space<vmem>>
    %dma_start3A_322 = tpu.memref_squeeze %dma_start3A_321 : memref<1x256x32xf32, #tpu.memory_space<vmem>> -> memref<256x32xf32, #tpu.memory_space<vmem>>
    %dma_start3A_323 = arith.constant 0 : i32
    %dma_start3A_324 = tpu.memref_slice %arg5[%dma_start3A_317, %dma_start3A_323] : memref<16x256xi32, #tpu.memory_space<vmem>> -> memref<1x256xi32, #tpu.memory_space<vmem>>
    %dma_start3A_325 = tpu.memref_squeeze %dma_start3A_324 : memref<1x256xi32, #tpu.memory_space<vmem>> -> memref<256xi32, #tpu.memory_space<vmem>>
    %dma_start3A_326 = arith.constant 0 : i32
    %dma_start3A_327 = arith.constant 0 : i32
    %dma_start3A_328 = tpu.memref_slice %arg2[%dma_start3A_326, %dma_start3A_327] : memref<512x32xf32, #tpu.memory_space<hbm>> -> memref<512x32xf32, #tpu.memory_space<hbm>>
    tpu.enqueue_indirect_dma source(%dma_start3A_328 : memref<512x32xf32, #tpu.memory_space<hbm>>) target(%dma_start3A_322 : memref<256x32xf32, #tpu.memory_space<vmem>>) offsets(%dma_start3A_325 : memref<256xi32, #tpu.memory_space<vmem>>) semaphore(%arg8 : memref<!tpu.dma_semaphore, #tpu.memory_space<semaphore_mem>>)
    %dma_start3A_329 = arith.constant 13 : i32
    %dma_start3A_330 = arith.constant 1 : i32
    %dma_start3A_331 = arith.constant 256 : i32
    %dma_start3A_332 = arith.constant 0 : i32
    %dma_start3A_333 = tpu.memref_slice %arg6[%dma_start3A_330, %dma_start3A_331, %dma_start3A_332] : memref<2x1024x32xf32, #tpu.memory_space<vmem>> -> memref<1x256x32xf32, #tpu.memory_space<vmem>>
    %dma_start3A_334 = tpu.memref_squeeze %dma_start3A_333 : memref<1x256x32xf32, #tpu.memory_space<vmem>> -> memref<256x32xf32, #tpu.memory_space<vmem>>
    %dma_start3A_335 = arith.constant 0 : i32
    %dma_start3A_336 = tpu.memref_slice %arg5[%dma_start3A_329, %dma_start3A_335] : memref<16x256xi32, #tpu.memory_space<vmem>> -> memref<1x256xi32, #tpu.memory_space<vmem>>
    %dma_start3A_337 = tpu.memref_squeeze %dma_start3A_336 : memref<1x256xi32, #tpu.memory_space<vmem>> -> memref<256xi32, #tpu.memory_space<vmem>>
    %dma_start3A_338 = arith.constant 0 : i32
    %dma_start3A_339 = arith.constant 0 : i32
    %dma_start3A_340 = tpu.memref_slice %arg2[%dma_start3A_338, %dma_start3A_339] : memref<512x32xf32, #tpu.memory_space<hbm>> -> memref<512x32xf32, #tpu.memory_space<hbm>>
    tpu.enqueue_indirect_dma source(%dma_start3A_340 : memref<512x32xf32, #tpu.memory_space<hbm>>) target(%dma_start3A_334 : memref<256x32xf32, #tpu.memory_space<vmem>>) offsets(%dma_start3A_337 : memref<256xi32, #tpu.memory_space<vmem>>) semaphore(%arg8 : memref<!tpu.dma_semaphore, #tpu.memory_space<semaphore_mem>>)
    %dma_start3A_341 = arith.constant 14 : i32
    %dma_start3A_342 = arith.constant 1 : i32
    %dma_start3A_343 = arith.constant 512 : i32
    %dma_start3A_344 = arith.constant 0 : i32
    %dma_start3A_345 = tpu.memref_slice %arg6[%dma_start3A_342, %dma_start3A_343, %dma_start3A_344] : memref<2x1024x32xf32, #tpu.memory_space<vmem>> -> memref<1x256x32xf32, #tpu.memory_space<vmem>>
    %dma_start3A_346 = tpu.memref_squeeze %dma_start3A_345 : memref<1x256x32xf32, #tpu.memory_space<vmem>> -> memref<256x32xf32, #tpu.memory_space<vmem>>
    %dma_start3A_347 = arith.constant 0 : i32
    %dma_start3A_348 = tpu.memref_slice %arg5[%dma_start3A_341, %dma_start3A_347] : memref<16x256xi32, #tpu.memory_space<vmem>> -> memref<1x256xi32, #tpu.memory_space<vmem>>
    %dma_start3A_349 = tpu.memref_squeeze %dma_start3A_348 : memref<1x256xi32, #tpu.memory_space<vmem>> -> memref<256xi32, #tpu.memory_space<vmem>>
    %dma_start3A_350 = arith.constant 0 : i32
    %dma_start3A_351 = arith.constant 0 : i32
    %dma_start3A_352 = tpu.memref_slice %arg2[%dma_start3A_350, %dma_start3A_351] : memref<512x32xf32, #tpu.memory_space<hbm>> -> memref<512x32xf32, #tpu.memory_space<hbm>>
    tpu.enqueue_indirect_dma source(%dma_start3A_352 : memref<512x32xf32, #tpu.memory_space<hbm>>) target(%dma_start3A_346 : memref<256x32xf32, #tpu.memory_space<vmem>>) offsets(%dma_start3A_349 : memref<256xi32, #tpu.memory_space<vmem>>) semaphore(%arg8 : memref<!tpu.dma_semaphore, #tpu.memory_space<semaphore_mem>>)
    %dma_start3A_353 = arith.constant 15 : i32
    %dma_start3A_354 = arith.constant 1 : i32
    %dma_start3A_355 = arith.constant 768 : i32
    %dma_start3A_356 = arith.constant 0 : i32
    %dma_start3A_357 = tpu.memref_slice %arg6[%dma_start3A_354, %dma_start3A_355, %dma_start3A_356] : memref<2x1024x32xf32, #tpu.memory_space<vmem>> -> memref<1x256x32xf32, #tpu.memory_space<vmem>>
    %dma_start3A_358 = tpu.memref_squeeze %dma_start3A_357 : memref<1x256x32xf32, #tpu.memory_space<vmem>> -> memref<256x32xf32, #tpu.memory_space<vmem>>
    %dma_start3A_359 = arith.constant 0 : i32
    %dma_start3A_360 = tpu.memref_slice %arg5[%dma_start3A_353, %dma_start3A_359] : memref<16x256xi32, #tpu.memory_space<vmem>> -> memref<1x256xi32, #tpu.memory_space<vmem>>
    %dma_start3A_361 = tpu.memref_squeeze %dma_start3A_360 : memref<1x256xi32, #tpu.memory_space<vmem>> -> memref<256xi32, #tpu.memory_space<vmem>>
    %dma_start3A_362 = arith.constant 0 : i32
    %dma_start3A_363 = arith.constant 0 : i32
    %dma_start3A_364 = tpu.memref_slice %arg2[%dma_start3A_362, %dma_start3A_363] : memref<512x32xf32, #tpu.memory_space<hbm>> -> memref<512x32xf32, #tpu.memory_space<hbm>>
    tpu.enqueue_indirect_dma source(%dma_start3A_364 : memref<512x32xf32, #tpu.memory_space<hbm>>) target(%dma_start3A_358 : memref<256x32xf32, #tpu.memory_space<vmem>>) offsets(%dma_start3A_361 : memref<256xi32, #tpu.memory_space<vmem>>) semaphore(%arg8 : memref<!tpu.dma_semaphore, #tpu.memory_space<semaphore_mem>>)
    %dma_wait3A_365 = arith.constant 8 : i32
    %dma_wait3A_366 = arith.constant 0 : i32
    %dma_wait3A_367 = arith.constant 0 : i32
    %dma_wait3A_368 = arith.constant 0 : i32
    %dma_wait3A_369 = tpu.memref_slice %arg6[%dma_wait3A_366, %dma_wait3A_367, %dma_wait3A_368] : memref<2x1024x32xf32, #tpu.memory_space<vmem>> -> memref<1x256x32xf32, #tpu.memory_space<vmem>>
    %dma_wait3A_370 = tpu.memref_squeeze %dma_wait3A_369 : memref<1x256x32xf32, #tpu.memory_space<vmem>> -> memref<256x32xf32, #tpu.memory_space<vmem>>
    %dma_wait3A_371 = arith.constant 0 : i32
    %dma_wait3A_372 = tpu.memref_slice %arg5[%dma_wait3A_365, %dma_wait3A_371] : memref<16x256xi32, #tpu.memory_space<vmem>> -> memref<1x256xi32, #tpu.memory_space<vmem>>
    %dma_wait3A_373 = tpu.memref_squeeze %dma_wait3A_372 : memref<1x256xi32, #tpu.memory_space<vmem>> -> memref<256xi32, #tpu.memory_space<vmem>>
    %dma_wait3A_374 = arith.constant 0 : i32
    %dma_wait3A_375 = arith.constant 0 : i32
    %dma_wait3A_376 = tpu.memref_slice %arg2[%dma_wait3A_374, %dma_wait3A_375] : memref<512x32xf32, #tpu.memory_space<hbm>> -> memref<512x32xf32, #tpu.memory_space<hbm>>
    tpu.wait_indirect_dma semaphore(%arg7 : memref<!tpu.dma_semaphore, #tpu.memory_space<semaphore_mem>>) src(%dma_wait3A_376 : memref<512x32xf32, #tpu.memory_space<hbm>>) dst(%dma_wait3A_370 : memref<256x32xf32, #tpu.memory_space<vmem>>)
    %dma_wait3A_377 = arith.constant 9 : i32
    %dma_wait3A_378 = arith.constant 0 : i32
    %dma_wait3A_379 = arith.constant 256 : i32
    %dma_wait3A_380 = arith.constant 0 : i32
    %dma_wait3A_381 = tpu.memref_slice %arg6[%dma_wait3A_378, %dma_wait3A_379, %dma_wait3A_380] : memref<2x1024x32xf32, #tpu.memory_space<vmem>> -> memref<1x256x32xf32, #tpu.memory_space<vmem>>
    %dma_wait3A_382 = tpu.memref_squeeze %dma_wait3A_381 : memref<1x256x32xf32, #tpu.memory_space<vmem>> -> memref<256x32xf32, #tpu.memory_space<vmem>>
    %dma_wait3A_383 = arith.constant 0 : i32
    %dma_wait3A_384 = tpu.memref_slice %arg5[%dma_wait3A_377, %dma_wait3A_383] : memref<16x256xi32, #tpu.memory_space<vmem>> -> memref<1x256xi32, #tpu.memory_space<vmem>>
    %dma_wait3A_385 = tpu.memref_squeeze %dma_wait3A_384 : memref<1x256xi32, #tpu.memory_space<vmem>> -> memref<256xi32, #tpu.memory_space<vmem>>
    %dma_wait3A_386 = arith.constant 0 : i32
    %dma_wait3A_387 = arith.constant 0 : i32
    %dma_wait3A_388 = tpu.memref_slice %arg2[%dma_wait3A_386, %dma_wait3A_387] : memref<512x32xf32, #tpu.memory_space<hbm>> -> memref<512x32xf32, #tpu.memory_space<hbm>>
    tpu.wait_indirect_dma semaphore(%arg7 : memref<!tpu.dma_semaphore, #tpu.memory_space<semaphore_mem>>) src(%dma_wait3A_388 : memref<512x32xf32, #tpu.memory_space<hbm>>) dst(%dma_wait3A_382 : memref<256x32xf32, #tpu.memory_space<vmem>>)
    %dma_wait3A_389 = arith.constant 10 : i32
    %dma_wait3A_390 = arith.constant 0 : i32
    %dma_wait3A_391 = arith.constant 512 : i32
    %dma_wait3A_392 = arith.constant 0 : i32
    %dma_wait3A_393 = tpu.memref_slice %arg6[%dma_wait3A_390, %dma_wait3A_391, %dma_wait3A_392] : memref<2x1024x32xf32, #tpu.memory_space<vmem>> -> memref<1x256x32xf32, #tpu.memory_space<vmem>>
    %dma_wait3A_394 = tpu.memref_squeeze %dma_wait3A_393 : memref<1x256x32xf32, #tpu.memory_space<vmem>> -> memref<256x32xf32, #tpu.memory_space<vmem>>
    %dma_wait3A_395 = arith.constant 0 : i32
    %dma_wait3A_396 = tpu.memref_slice %arg5[%dma_wait3A_389, %dma_wait3A_395] : memref<16x256xi32, #tpu.memory_space<vmem>> -> memref<1x256xi32, #tpu.memory_space<vmem>>
    %dma_wait3A_397 = tpu.memref_squeeze %dma_wait3A_396 : memref<1x256xi32, #tpu.memory_space<vmem>> -> memref<256xi32, #tpu.memory_space<vmem>>
    %dma_wait3A_398 = arith.constant 0 : i32
    %dma_wait3A_399 = arith.constant 0 : i32
    %dma_wait3A_400 = tpu.memref_slice %arg2[%dma_wait3A_398, %dma_wait3A_399] : memref<512x32xf32, #tpu.memory_space<hbm>> -> memref<512x32xf32, #tpu.memory_space<hbm>>
    tpu.wait_indirect_dma semaphore(%arg7 : memref<!tpu.dma_semaphore, #tpu.memory_space<semaphore_mem>>) src(%dma_wait3A_400 : memref<512x32xf32, #tpu.memory_space<hbm>>) dst(%dma_wait3A_394 : memref<256x32xf32, #tpu.memory_space<vmem>>)
    %dma_wait3A_401 = arith.constant 11 : i32
    %dma_wait3A_402 = arith.constant 0 : i32
    %dma_wait3A_403 = arith.constant 768 : i32
    %dma_wait3A_404 = arith.constant 0 : i32
    %dma_wait3A_405 = tpu.memref_slice %arg6[%dma_wait3A_402, %dma_wait3A_403, %dma_wait3A_404] : memref<2x1024x32xf32, #tpu.memory_space<vmem>> -> memref<1x256x32xf32, #tpu.memory_space<vmem>>
    %dma_wait3A_406 = tpu.memref_squeeze %dma_wait3A_405 : memref<1x256x32xf32, #tpu.memory_space<vmem>> -> memref<256x32xf32, #tpu.memory_space<vmem>>
    %dma_wait3A_407 = arith.constant 0 : i32
    %dma_wait3A_408 = tpu.memref_slice %arg5[%dma_wait3A_401, %dma_wait3A_407] : memref<16x256xi32, #tpu.memory_space<vmem>> -> memref<1x256xi32, #tpu.memory_space<vmem>>
    %dma_wait3A_409 = tpu.memref_squeeze %dma_wait3A_408 : memref<1x256xi32, #tpu.memory_space<vmem>> -> memref<256xi32, #tpu.memory_space<vmem>>
    %dma_wait3A_410 = arith.constant 0 : i32
    %dma_wait3A_411 = arith.constant 0 : i32
    %dma_wait3A_412 = tpu.memref_slice %arg2[%dma_wait3A_410, %dma_wait3A_411] : memref<512x32xf32, #tpu.memory_space<hbm>> -> memref<512x32xf32, #tpu.memory_space<hbm>>
    tpu.wait_indirect_dma semaphore(%arg7 : memref<!tpu.dma_semaphore, #tpu.memory_space<semaphore_mem>>) src(%dma_wait3A_412 : memref<512x32xf32, #tpu.memory_space<hbm>>) dst(%dma_wait3A_406 : memref<256x32xf32, #tpu.memory_space<vmem>>)
    %mul3A_413 = arith.constant 4 : i32
    %mul3A_414 = arith.muli %add3A, %mul3A_413 : i32
    %add3A_415 = arith.constant 2 : i32
    %add3A_416 = arith.addi %mul3A_414, %add3A_415 : i32
    %dma_start3A_417 = arith.constant 0 : i32
    %dma_start3A_418 = arith.constant 0 : i32
    %dma_start3A_419 = arith.constant 0 : i32
    %dma_start3A_420 = tpu.memref_slice %arg6[%dma_start3A_417, %dma_start3A_418, %dma_start3A_419] : memref<2x1024x32xf32, #tpu.memory_space<vmem>> -> memref<1x1024x32xf32, #tpu.memory_space<vmem>>
    %dma_start3A_421 = tpu.memref_squeeze %dma_start3A_420 : memref<1x1024x32xf32, #tpu.memory_space<vmem>> -> memref<1024x32xf32, #tpu.memory_space<vmem>>
    %dma_start3A_422 = arith.constant 0 : i32
    %dma_start3A_423 = arith.constant 0 : i32
    %dma_start3A_424 = tpu.memref_slice %arg4[%add3A_416, %dma_start3A_422, %dma_start3A_423] : memref<128x1024x32xf32, #tpu.memory_space<hbm>> -> memref<1x1024x32xf32, #tpu.memory_space<hbm>>
    %dma_start3A_425 = tpu.memref_squeeze %dma_start3A_424 : memref<1x1024x32xf32, #tpu.memory_space<hbm>> -> memref<1024x32xf32, #tpu.memory_space<hbm>>
    %dma_start3A_426 = arith.constant 0 : i32
    %dma_start3A_427 = arith.constant 0 : i32
    %dma_start3A_428 = tpu.memref_slice %arg4[%add3A_416, %dma_start3A_426, %dma_start3A_427] : memref<128x1024x32xf32, #tpu.memory_space<hbm>> -> memref<1x1024x32xf32, #tpu.memory_space<hbm>>
    %dma_start3A_429 = tpu.memref_squeeze %dma_start3A_428 : memref<1x1024x32xf32, #tpu.memory_space<hbm>> -> memref<1024x32xf32, #tpu.memory_space<hbm>>
    %dma_start3A_430 = arith.constant 0 : i32
    %dma_start3A_431 = arith.constant 0 : i32
    %dma_start3A_432 = tpu.memref_slice %arg6[%dma_start3A_417, %dma_start3A_430, %dma_start3A_431] : memref<2x1024x32xf32, #tpu.memory_space<vmem>> -> memref<1x1024x32xf32, #tpu.memory_space<vmem>>
    %dma_start3A_433 = tpu.memref_squeeze %dma_start3A_432 : memref<1x1024x32xf32, #tpu.memory_space<vmem>> -> memref<1024x32xf32, #tpu.memory_space<vmem>>
    tpu.enqueue_dma source(%dma_start3A_433 : memref<1024x32xf32, #tpu.memory_space<vmem>>) target(%dma_start3A_429 : memref<1024x32xf32, #tpu.memory_space<hbm>>) target_semaphore(%arg9 : memref<!tpu.dma_semaphore, #tpu.memory_space<semaphore_mem>>)
    %dma_wait3A_434 = arith.constant 12 : i32
    %dma_wait3A_435 = arith.constant 1 : i32
    %dma_wait3A_436 = arith.constant 0 : i32
    %dma_wait3A_437 = arith.constant 0 : i32
    %dma_wait3A_438 = tpu.memref_slice %arg6[%dma_wait3A_435, %dma_wait3A_436, %dma_wait3A_437] : memref<2x1024x32xf32, #tpu.memory_space<vmem>> -> memref<1x256x32xf32, #tpu.memory_space<vmem>>
    %dma_wait3A_439 = tpu.memref_squeeze %dma_wait3A_438 : memref<1x256x32xf32, #tpu.memory_space<vmem>> -> memref<256x32xf32, #tpu.memory_space<vmem>>
    %dma_wait3A_440 = arith.constant 0 : i32
    %dma_wait3A_441 = tpu.memref_slice %arg5[%dma_wait3A_434, %dma_wait3A_440] : memref<16x256xi32, #tpu.memory_space<vmem>> -> memref<1x256xi32, #tpu.memory_space<vmem>>
    %dma_wait3A_442 = tpu.memref_squeeze %dma_wait3A_441 : memref<1x256xi32, #tpu.memory_space<vmem>> -> memref<256xi32, #tpu.memory_space<vmem>>
    %dma_wait3A_443 = arith.constant 0 : i32
    %dma_wait3A_444 = arith.constant 0 : i32
    %dma_wait3A_445 = tpu.memref_slice %arg2[%dma_wait3A_443, %dma_wait3A_444] : memref<512x32xf32, #tpu.memory_space<hbm>> -> memref<512x32xf32, #tpu.memory_space<hbm>>
    tpu.wait_indirect_dma semaphore(%arg8 : memref<!tpu.dma_semaphore, #tpu.memory_space<semaphore_mem>>) src(%dma_wait3A_445 : memref<512x32xf32, #tpu.memory_space<hbm>>) dst(%dma_wait3A_439 : memref<256x32xf32, #tpu.memory_space<vmem>>)
    %dma_wait3A_446 = arith.constant 13 : i32
    %dma_wait3A_447 = arith.constant 1 : i32
    %dma_wait3A_448 = arith.constant 256 : i32
    %dma_wait3A_449 = arith.constant 0 : i32
    %dma_wait3A_450 = tpu.memref_slice %arg6[%dma_wait3A_447, %dma_wait3A_448, %dma_wait3A_449] : memref<2x1024x32xf32, #tpu.memory_space<vmem>> -> memref<1x256x32xf32, #tpu.memory_space<vmem>>
    %dma_wait3A_451 = tpu.memref_squeeze %dma_wait3A_450 : memref<1x256x32xf32, #tpu.memory_space<vmem>> -> memref<256x32xf32, #tpu.memory_space<vmem>>
    %dma_wait3A_452 = arith.constant 0 : i32
    %dma_wait3A_453 = tpu.memref_slice %arg5[%dma_wait3A_446, %dma_wait3A_452] : memref<16x256xi32, #tpu.memory_space<vmem>> -> memref<1x256xi32, #tpu.memory_space<vmem>>
    %dma_wait3A_454 = tpu.memref_squeeze %dma_wait3A_453 : memref<1x256xi32, #tpu.memory_space<vmem>> -> memref<256xi32, #tpu.memory_space<vmem>>
    %dma_wait3A_455 = arith.constant 0 : i32
    %dma_wait3A_456 = arith.constant 0 : i32
    %dma_wait3A_457 = tpu.memref_slice %arg2[%dma_wait3A_455, %dma_wait3A_456] : memref<512x32xf32, #tpu.memory_space<hbm>> -> memref<512x32xf32, #tpu.memory_space<hbm>>
    tpu.wait_indirect_dma semaphore(%arg8 : memref<!tpu.dma_semaphore, #tpu.memory_space<semaphore_mem>>) src(%dma_wait3A_457 : memref<512x32xf32, #tpu.memory_space<hbm>>) dst(%dma_wait3A_451 : memref<256x32xf32, #tpu.memory_space<vmem>>)
    %dma_wait3A_458 = arith.constant 14 : i32
    %dma_wait3A_459 = arith.constant 1 : i32
    %dma_wait3A_460 = arith.constant 512 : i32
    %dma_wait3A_461 = arith.constant 0 : i32
    %dma_wait3A_462 = tpu.memref_slice %arg6[%dma_wait3A_459, %dma_wait3A_460, %dma_wait3A_461] : memref<2x1024x32xf32, #tpu.memory_space<vmem>> -> memref<1x256x32xf32, #tpu.memory_space<vmem>>
    %dma_wait3A_463 = tpu.memref_squeeze %dma_wait3A_462 : memref<1x256x32xf32, #tpu.memory_space<vmem>> -> memref<256x32xf32, #tpu.memory_space<vmem>>
    %dma_wait3A_464 = arith.constant 0 : i32
    %dma_wait3A_465 = tpu.memref_slice %arg5[%dma_wait3A_458, %dma_wait3A_464] : memref<16x256xi32, #tpu.memory_space<vmem>> -> memref<1x256xi32, #tpu.memory_space<vmem>>
    %dma_wait3A_466 = tpu.memref_squeeze %dma_wait3A_465 : memref<1x256xi32, #tpu.memory_space<vmem>> -> memref<256xi32, #tpu.memory_space<vmem>>
    %dma_wait3A_467 = arith.constant 0 : i32
    %dma_wait3A_468 = arith.constant 0 : i32
    %dma_wait3A_469 = tpu.memref_slice %arg2[%dma_wait3A_467, %dma_wait3A_468] : memref<512x32xf32, #tpu.memory_space<hbm>> -> memref<512x32xf32, #tpu.memory_space<hbm>>
    tpu.wait_indirect_dma semaphore(%arg8 : memref<!tpu.dma_semaphore, #tpu.memory_space<semaphore_mem>>) src(%dma_wait3A_469 : memref<512x32xf32, #tpu.memory_space<hbm>>) dst(%dma_wait3A_463 : memref<256x32xf32, #tpu.memory_space<vmem>>)
    %dma_wait3A_470 = arith.constant 15 : i32
    %dma_wait3A_471 = arith.constant 1 : i32
    %dma_wait3A_472 = arith.constant 768 : i32
    %dma_wait3A_473 = arith.constant 0 : i32
    %dma_wait3A_474 = tpu.memref_slice %arg6[%dma_wait3A_471, %dma_wait3A_472, %dma_wait3A_473] : memref<2x1024x32xf32, #tpu.memory_space<vmem>> -> memref<1x256x32xf32, #tpu.memory_space<vmem>>
    %dma_wait3A_475 = tpu.memref_squeeze %dma_wait3A_474 : memref<1x256x32xf32, #tpu.memory_space<vmem>> -> memref<256x32xf32, #tpu.memory_space<vmem>>
    %dma_wait3A_476 = arith.constant 0 : i32
    %dma_wait3A_477 = tpu.memref_slice %arg5[%dma_wait3A_470, %dma_wait3A_476] : memref<16x256xi32, #tpu.memory_space<vmem>> -> memref<1x256xi32, #tpu.memory_space<vmem>>
    %dma_wait3A_478 = tpu.memref_squeeze %dma_wait3A_477 : memref<1x256xi32, #tpu.memory_space<vmem>> -> memref<256xi32, #tpu.memory_space<vmem>>
    %dma_wait3A_479 = arith.constant 0 : i32
    %dma_wait3A_480 = arith.constant 0 : i32
    %dma_wait3A_481 = tpu.memref_slice %arg2[%dma_wait3A_479, %dma_wait3A_480] : memref<512x32xf32, #tpu.memory_space<hbm>> -> memref<512x32xf32, #tpu.memory_space<hbm>>
    tpu.wait_indirect_dma semaphore(%arg8 : memref<!tpu.dma_semaphore, #tpu.memory_space<semaphore_mem>>) src(%dma_wait3A_481 : memref<512x32xf32, #tpu.memory_space<hbm>>) dst(%dma_wait3A_475 : memref<256x32xf32, #tpu.memory_space<vmem>>)
    %mul3A_482 = arith.constant 4 : i32
    %mul3A_483 = arith.muli %add3A, %mul3A_482 : i32
    %add3A_484 = arith.constant 3 : i32
    %add3A_485 = arith.addi %mul3A_483, %add3A_484 : i32
    %dma_start3A_486 = arith.constant 1 : i32
    %dma_start3A_487 = arith.constant 0 : i32
    %dma_start3A_488 = arith.constant 0 : i32
    %dma_start3A_489 = tpu.memref_slice %arg6[%dma_start3A_486, %dma_start3A_487, %dma_start3A_488] : memref<2x1024x32xf32, #tpu.memory_space<vmem>> -> memref<1x1024x32xf32, #tpu.memory_space<vmem>>
    %dma_start3A_490 = tpu.memref_squeeze %dma_start3A_489 : memref<1x1024x32xf32, #tpu.memory_space<vmem>> -> memref<1024x32xf32, #tpu.memory_space<vmem>>
    %dma_start3A_491 = arith.constant 0 : i32
    %dma_start3A_492 = arith.constant 0 : i32
    %dma_start3A_493 = tpu.memref_slice %arg4[%add3A_485, %dma_start3A_491, %dma_start3A_492] : memref<128x1024x32xf32, #tpu.memory_space<hbm>> -> memref<1x1024x32xf32, #tpu.memory_space<hbm>>
    %dma_start3A_494 = tpu.memref_squeeze %dma_start3A_493 : memref<1x1024x32xf32, #tpu.memory_space<hbm>> -> memref<1024x32xf32, #tpu.memory_space<hbm>>
    %dma_start3A_495 = arith.constant 0 : i32
    %dma_start3A_496 = arith.constant 0 : i32
    %dma_start3A_497 = tpu.memref_slice %arg4[%add3A_485, %dma_start3A_495, %dma_start3A_496] : memref<128x1024x32xf32, #tpu.memory_space<hbm>> -> memref<1x1024x32xf32, #tpu.memory_space<hbm>>
    %dma_start3A_498 = tpu.memref_squeeze %dma_start3A_497 : memref<1x1024x32xf32, #tpu.memory_space<hbm>> -> memref<1024x32xf32, #tpu.memory_space<hbm>>
    %dma_start3A_499 = arith.constant 0 : i32
    %dma_start3A_500 = arith.constant 0 : i32
    %dma_start3A_501 = tpu.memref_slice %arg6[%dma_start3A_486, %dma_start3A_499, %dma_start3A_500] : memref<2x1024x32xf32, #tpu.memory_space<vmem>> -> memref<1x1024x32xf32, #tpu.memory_space<vmem>>
    %dma_start3A_502 = tpu.memref_squeeze %dma_start3A_501 : memref<1x1024x32xf32, #tpu.memory_space<vmem>> -> memref<1024x32xf32, #tpu.memory_space<vmem>>
    tpu.enqueue_dma source(%dma_start3A_502 : memref<1024x32xf32, #tpu.memory_space<vmem>>) target(%dma_start3A_498 : memref<1024x32xf32, #tpu.memory_space<hbm>>) target_semaphore(%arg10 : memref<!tpu.dma_semaphore, #tpu.memory_space<semaphore_mem>>)
    %dma_wait3A_503 = arith.constant 0 : i32
    %dma_wait3A_504 = arith.constant 0 : i32
    %dma_wait3A_505 = arith.constant 0 : i32
    %dma_wait3A_506 = tpu.memref_slice %arg6[%dma_wait3A_503, %dma_wait3A_504, %dma_wait3A_505] : memref<2x1024x32xf32, #tpu.memory_space<vmem>> -> memref<1x1024x32xf32, #tpu.memory_space<vmem>>
    %dma_wait3A_507 = tpu.memref_squeeze %dma_wait3A_506 : memref<1x1024x32xf32, #tpu.memory_space<vmem>> -> memref<1024x32xf32, #tpu.memory_space<vmem>>
    %dma_wait3A_508 = arith.constant 0 : i32
    %dma_wait3A_509 = arith.constant 0 : i32
    %dma_wait3A_510 = tpu.memref_slice %arg4[%add3A_416, %dma_wait3A_508, %dma_wait3A_509] : memref<128x1024x32xf32, #tpu.memory_space<hbm>> -> memref<1x1024x32xf32, #tpu.memory_space<hbm>>
    %dma_wait3A_511 = tpu.memref_squeeze %dma_wait3A_510 : memref<1x1024x32xf32, #tpu.memory_space<hbm>> -> memref<1024x32xf32, #tpu.memory_space<hbm>>
    %dma_wait3A_512 = arith.constant 0 : i32
    %dma_wait3A_513 = arith.constant 0 : i32
    %dma_wait3A_514 = tpu.memref_slice %arg4[%add3A_416, %dma_wait3A_512, %dma_wait3A_513] : memref<128x1024x32xf32, #tpu.memory_space<hbm>> -> memref<1x1024x32xf32, #tpu.memory_space<hbm>>
    %dma_wait3A_515 = tpu.memref_squeeze %dma_wait3A_514 : memref<1x1024x32xf32, #tpu.memory_space<hbm>> -> memref<1024x32xf32, #tpu.memory_space<hbm>>
    %dma_wait3A_516 = arith.constant 0 : i32
    %dma_wait3A_517 = arith.constant 0 : i32
    %dma_wait3A_518 = tpu.memref_slice %arg6[%dma_wait3A_503, %dma_wait3A_516, %dma_wait3A_517] : memref<2x1024x32xf32, #tpu.memory_space<vmem>> -> memref<1x1024x32xf32, #tpu.memory_space<vmem>>
    %dma_wait3A_519 = tpu.memref_squeeze %dma_wait3A_518 : memref<1x1024x32xf32, #tpu.memory_space<vmem>> -> memref<1024x32xf32, #tpu.memory_space<vmem>>
    tpu.wait_dma2 semaphore(%arg9 : memref<!tpu.dma_semaphore, #tpu.memory_space<semaphore_mem>>) src(%dma_wait3A_519 : memref<1024x32xf32, #tpu.memory_space<vmem>>) dst(%dma_wait3A_515 : memref<1024x32xf32, #tpu.memory_space<hbm>>)
    %dma_wait3A_520 = arith.constant 1 : i32
    %dma_wait3A_521 = arith.constant 0 : i32
    %dma_wait3A_522 = arith.constant 0 : i32
    %dma_wait3A_523 = tpu.memref_slice %arg6[%dma_wait3A_520, %dma_wait3A_521, %dma_wait3A_522] : memref<2x1024x32xf32, #tpu.memory_space<vmem>> -> memref<1x1024x32xf32, #tpu.memory_space<vmem>>
    %dma_wait3A_524 = tpu.memref_squeeze %dma_wait3A_523 : memref<1x1024x32xf32, #tpu.memory_space<vmem>> -> memref<1024x32xf32, #tpu.memory_space<vmem>>
    %dma_wait3A_525 = arith.constant 0 : i32
    %dma_wait3A_526 = arith.constant 0 : i32
    %dma_wait3A_527 = tpu.memref_slice %arg4[%add3A_485, %dma_wait3A_525, %dma_wait3A_526] : memref<128x1024x32xf32, #tpu.memory_space<hbm>> -> memref<1x1024x32xf32, #tpu.memory_space<hbm>>
    %dma_wait3A_528 = tpu.memref_squeeze %dma_wait3A_527 : memref<1x1024x32xf32, #tpu.memory_space<hbm>> -> memref<1024x32xf32, #tpu.memory_space<hbm>>
    %dma_wait3A_529 = arith.constant 0 : i32
    %dma_wait3A_530 = arith.constant 0 : i32
    %dma_wait3A_531 = tpu.memref_slice %arg4[%add3A_485, %dma_wait3A_529, %dma_wait3A_530] : memref<128x1024x32xf32, #tpu.memory_space<hbm>> -> memref<1x1024x32xf32, #tpu.memory_space<hbm>>
    %dma_wait3A_532 = tpu.memref_squeeze %dma_wait3A_531 : memref<1x1024x32xf32, #tpu.memory_space<hbm>> -> memref<1024x32xf32, #tpu.memory_space<hbm>>
    %dma_wait3A_533 = arith.constant 0 : i32
    %dma_wait3A_534 = arith.constant 0 : i32
    %dma_wait3A_535 = tpu.memref_slice %arg6[%dma_wait3A_520, %dma_wait3A_533, %dma_wait3A_534] : memref<2x1024x32xf32, #tpu.memory_space<vmem>> -> memref<1x1024x32xf32, #tpu.memory_space<vmem>>
    %dma_wait3A_536 = tpu.memref_squeeze %dma_wait3A_535 : memref<1x1024x32xf32, #tpu.memory_space<vmem>> -> memref<1024x32xf32, #tpu.memory_space<vmem>>
    tpu.wait_dma2 semaphore(%arg10 : memref<!tpu.dma_semaphore, #tpu.memory_space<semaphore_mem>>) src(%dma_wait3A_536 : memref<1024x32xf32, #tpu.memory_space<vmem>>) dst(%dma_wait3A_532 : memref<1024x32xf32, #tpu.memory_space<hbm>>)
    return
  }
}

module attributes {stable_mosaic.version = 14 : i64} {
  func.func @_argmin_body(%arg0: i32, %arg1: memref<4096x32xf32, #tpu.memory_space<vmem>>, %arg2: memref<32x512xf32, #tpu.memory_space<vmem>>, %arg3: memref<16x256xi32, #tpu.memory_space<vmem>>, %arg4: memref<1x1xf32, #tpu.memory_space<vmem>>, %arg5: memref<512x32xf32, #tpu.memory_space<vmem>>) attributes {dimension_semantics = [#tpu.dimension_semantics<arbitrary>], iteration_bounds = array<i64: 32>, scalar_prefetch = 0 : i64, scratch_operands = 0 : i64, tpu.core_type = #tpu.core_type<tc>, window_params = [{transform_indices = @transform_0, window_bounds = array<i64: 4096, 32>}, {pipeline_mode = #tpu.pipeline_mode<synchronous>, transform_indices = @transform_1, window_bounds = array<i64: 32, 512>}, {transform_indices = @transform_2, window_bounds = array<i64: 16, 256>}, {pipeline_mode = #tpu.pipeline_mode<synchronous>, transform_indices = @transform_3, window_bounds = array<i64: 1, 1>}, {pipeline_mode = #tpu.pipeline_mode<synchronous>, transform_indices = @transform_4, window_bounds = array<i64: 512, 32>}]} {
    %get3A = arith.constant 0 : index
    %get3A_0 = arith.constant 0 : index
    %get3A_1 = vector.load %arg1[%get3A, %get3A_0] : memref<4096x32xf32, #tpu.memory_space<vmem>>, vector<4096x32xf32>
    %get3A_2 = arith.constant 0 : index
    %get3A_3 = arith.constant 0 : index
    %get3A_4 = vector.load %arg2[%get3A_2, %get3A_3] : memref<32x512xf32, #tpu.memory_space<vmem>>, vector<32x512xf32>
    %mul3A = arith.mulf %get3A_1, %get3A_1 : vector<4096x32xf32>
    %reduce_sum3A = arith.constant dense<0.000000e+00> : vector<4096xf32>
    %reduce_sum3A_5 = vector.multi_reduction <add>, %mul3A, %reduce_sum3A [1] : vector<4096x32xf32> to vector<4096xf32>
    %broadcast_in_dim3A = vector.shape_cast %reduce_sum3A_5 : vector<4096xf32> to vector<4096x1xf32>
    %mul3A_6 = arith.mulf %get3A_4, %get3A_4 : vector<32x512xf32>
    %reduce_sum3A_7 = arith.constant dense<0.000000e+00> : vector<512xf32>
    %reduce_sum3A_8 = vector.multi_reduction <add>, %mul3A_6, %reduce_sum3A_7 [0] : vector<32x512xf32> to vector<512xf32>
    %broadcast_in_dim3A_9 = vector.shape_cast %reduce_sum3A_8 : vector<512xf32> to vector<1x512xf32>
    %dot_general3A = arith.constant dense<0.000000e+00> : vector<4096x512xf32>
    %dot_general3A_10 = tpu.matmul %get3A_1, %get3A_4, %dot_general3A {dimension_numbers = #tpu.dot_dimension_numbers<[1], [0], [0], [1], [0, 0, 1, 1], [], []>, transpose_lhs_hint = false} : vector<4096x32xf32>, vector<32x512xf32>, vector<4096x512xf32> -> vector<4096x512xf32>
    %mul3A_11 = arith.constant 2.000000e+00 : f32
    %mul3A_12 = vector.broadcast %mul3A_11 : f32 to vector<4096x512xf32>
    %mul3A_13 = arith.mulf %mul3A_12, %dot_general3A_10 : vector<4096x512xf32>
    %sub3A = vector.broadcast %broadcast_in_dim3A : vector<4096x1xf32> to vector<4096x512xf32>
    %sub3A_14 = arith.subf %sub3A, %mul3A_13 : vector<4096x512xf32>
    %add3A = vector.broadcast %broadcast_in_dim3A_9 : vector<1x512xf32> to vector<4096x512xf32>
    %add3A_15 = arith.addf %sub3A_14, %add3A : vector<4096x512xf32>
    %reduce_min3A = arith.constant dense<0x7F800000> : vector<4096xf32>
    %reduce_min3A_16 = vector.multi_reduction <minimumf>, %add3A_15, %reduce_min3A [1] : vector<4096x512xf32> to vector<4096xf32>
    %broadcast_in_dim3A_17 = vector.shape_cast %reduce_min3A_16 : vector<4096xf32> to vector<4096x1xf32>
    %iota3A = tpu.iota {dimensions = array<i32: 1>} : vector<1x512xi32>
    %convert_element_type3A = arith.sitofp %iota3A : vector<1x512xi32> to vector<1x512xf32>
    %eq3A = vector.broadcast %broadcast_in_dim3A_17 : vector<4096x1xf32> to vector<4096x512xf32>
    %eq3A_18 = arith.cmpf oeq, %add3A_15, %eq3A : vector<4096x512xf32>
    %jit3A = arith.constant 5.120000e+02 : f32
    %broadcast_in_dim3A_19 = vector.shape_cast %convert_element_type3A : vector<1x512xf32> to vector<1x512xf32>
    %broadcast_in_dim3A_20 = vector.broadcast %broadcast_in_dim3A_19 : vector<1x512xf32> to vector<4096x512xf32>
    %broadcast_in_dim3A_21 = vector.broadcast %jit3A : f32 to vector<4096x512xf32>
    %select_n3A = arith.select %eq3A_18, %broadcast_in_dim3A_20, %broadcast_in_dim3A_21 : vector<4096x512xi1>, vector<4096x512xf32>
    %reduce_min3A_22 = arith.constant dense<0x7F800000> : vector<4096xf32>
    %reduce_min3A_23 = vector.multi_reduction <minimumf>, %select_n3A, %reduce_min3A_22 [1] : vector<4096x512xf32> to vector<4096xf32>
    %convert_element_type3A_24 = arith.fptosi %reduce_min3A_23 : vector<4096xf32> to vector<4096xi32>
    %reshape3A = vector.shape_cast %convert_element_type3A_24 : vector<4096xi32> to vector<16x256xi32>
    %swap3A = arith.constant 0 : index
    %swap3A_25 = arith.constant 0 : index
    %swap3A_26 = vector.load %arg3[%swap3A, %swap3A_25] : memref<16x256xi32, #tpu.memory_space<vmem>>, vector<16x256xi32>
    tpu.vector_store %arg3[%swap3A, %swap3A_25], %reshape3A {strides = array<i32>} : memref<16x256xi32, #tpu.memory_space<vmem>>, vector<16x256xi32>,
    %broadcast_in_dim3A_27 = arith.constant 1.000000e+00 : f32
    %broadcast_in_dim3A_28 = vector.broadcast %broadcast_in_dim3A_27 : f32 to vector<1x4096xf32>
    %dot_general3A_29 = arith.constant dense<0.000000e+00> : vector<1x1xf32>
    %dot_general3A_30 = tpu.matmul %broadcast_in_dim3A_28, %broadcast_in_dim3A_17, %dot_general3A_29 {dimension_numbers = #tpu.dot_dimension_numbers<[1], [0], [0], [1], [0, 0, 1, 1], [], []>, transpose_lhs_hint = false} : vector<1x4096xf32>, vector<4096x1xf32>, vector<1x1xf32> -> vector<1x1xf32>
    %eq3A_31 = arith.constant 0 : i32
    %eq3A_32 = arith.cmpi eq, %arg0, %eq3A_31 : i32
    %convert_element_type3A_33 = arith.extui %eq3A_32 : i1 to i32
    %cond3A = arith.constant 0 : i32
    %cond3A_34 = arith.cmpi ne, %convert_element_type3A_33, %cond3A : i32
    scf.if %cond3A_34 {
      %broadcast_in_dim3A_47 = arith.constant 0.000000e+00 : f32
      %broadcast_in_dim3A_48 = vector.broadcast %broadcast_in_dim3A_47 : f32 to vector<1x1xf32>
      %swap3A_49 = arith.constant 0 : index
      %swap3A_50 = arith.constant 0 : index
      %swap3A_51 = vector.load %arg4[%swap3A_49, %swap3A_50] : memref<1x1xf32, #tpu.memory_space<vmem>>, vector<1x1xf32>
      tpu.vector_store %arg4[%swap3A_49, %swap3A_50], %broadcast_in_dim3A_48 {strides = array<i32>} : memref<1x1xf32, #tpu.memory_space<vmem>>, vector<1x1xf32>,
      %transpose3A = tpu.transpose %get3A_4, [1, 0] : vector<32x512xf32> -> vector<512x32xf32>
      %swap3A_52 = arith.constant 0 : index
      %swap3A_53 = arith.constant 0 : index
      %swap3A_54 = vector.load %arg5[%swap3A_52, %swap3A_53] : memref<512x32xf32, #tpu.memory_space<vmem>>, vector<512x32xf32>
      tpu.vector_store %arg5[%swap3A_52, %swap3A_53], %transpose3A {strides = array<i32>} : memref<512x32xf32, #tpu.memory_space<vmem>>, vector<512x32xf32>,
    } else {
    }
    %get3A_35 = arith.constant 0 : index
    %get3A_36 = arith.constant 0 : index
    %get3A_37 = vector.load %arg4[%get3A_35, %get3A_36] : memref<1x1xf32, #tpu.memory_space<vmem>>, vector<1x1xf32>
    %add3A_38 = arith.addf %get3A_37, %dot_general3A_30 : vector<1x1xf32>
    %swap3A_39 = arith.constant 0 : index
    %swap3A_40 = arith.constant 0 : index
    %swap3A_41 = vector.load %arg4[%swap3A_39, %swap3A_40] : memref<1x1xf32, #tpu.memory_space<vmem>>, vector<1x1xf32>
    tpu.vector_store %arg4[%swap3A_39, %swap3A_40], %add3A_38 {strides = array<i32>} : memref<1x1xf32, #tpu.memory_space<vmem>>, vector<1x1xf32>,
    %eq3A_42 = arith.constant 31 : i32
    %eq3A_43 = arith.cmpi eq, %arg0, %eq3A_42 : i32
    %convert_element_type3A_44 = arith.extui %eq3A_43 : i1 to i32
    %cond3A_45 = arith.constant 0 : i32
    %cond3A_46 = arith.cmpi ne, %convert_element_type3A_44, %cond3A_45 : i32
    scf.if %cond3A_46 {
      %get3A_47 = arith.constant 0 : index
      %get3A_48 = arith.constant 0 : index
      %get3A_49 = vector.load %arg4[%get3A_47, %get3A_48] : memref<1x1xf32, #tpu.memory_space<vmem>>, vector<1x1xf32>
      %mul3A_50 = arith.constant 1.49011612E-7 : f32
      %mul3A_51 = vector.broadcast %mul3A_50 : f32 to vector<1x1xf32>
      %mul3A_52 = arith.mulf %get3A_49, %mul3A_51 : vector<1x1xf32>
      %swap3A_53 = arith.constant 0 : index
      %swap3A_54 = arith.constant 0 : index
      %swap3A_55 = vector.load %arg4[%swap3A_53, %swap3A_54] : memref<1x1xf32, #tpu.memory_space<vmem>>, vector<1x1xf32>
      tpu.vector_store %arg4[%swap3A_53, %swap3A_54], %mul3A_52 {strides = array<i32>} : memref<1x1xf32, #tpu.memory_space<vmem>>, vector<1x1xf32>,
    } else {
    }
    return
  }
  func.func @transform_0(%arg0: i32) -> (i32, i32) {
    %add3A = arith.constant 0 : i32
    %add3A_0 = arith.addi %add3A, %arg0 : i32
    %c0_i32 = arith.constant 0 : i32
    %c0_i32_1 = arith.constant 0 : i32
    return %add3A_0, %c0_i32 : i32, i32
  }
  func.func @transform_1(%arg0: i32) -> (i32, i32) {
    %c0_i32 = arith.constant 0 : i32
    %c0_i32_0 = arith.constant 0 : i32
    %c0_i32_1 = arith.constant 0 : i32
    return %c0_i32, %c0_i32_0 : i32, i32
  }
  func.func @transform_2(%arg0: i32) -> (i32, i32) {
    %c0_i32 = arith.constant 0 : i32
    %c0_i32_0 = arith.constant 0 : i32
    return %arg0, %c0_i32 : i32, i32
  }
  func.func @transform_3(%arg0: i32) -> (i32, i32) {
    %c0_i32 = arith.constant 0 : i32
    %c0_i32_0 = arith.constant 0 : i32
    %c0_i32_1 = arith.constant 0 : i32
    return %c0_i32, %c0_i32_0 : i32, i32
  }
  func.func @transform_4(%arg0: i32) -> (i32, i32) {
    %c0_i32 = arith.constant 0 : i32
    %c0_i32_0 = arith.constant 0 : i32
    %c0_i32_1 = arith.constant 0 : i32
    return %c0_i32, %c0_i32_0 : i32, i32
  }
}

module attributes {stable_mosaic.version = 14 : i64} {
  func.func @_argmin_body(%arg0: i32, %arg1: memref<4096x32xf32, #tpu.memory_space<vmem>>, %arg2: memref<32x512xf32, #tpu.memory_space<vmem>>, %arg3: memref<16x256xi32, #tpu.memory_space<vmem>>, %arg4: memref<1x1xf32, #tpu.memory_space<vmem>>, %arg5: memref<512x32xf32, #tpu.memory_space<vmem>>) attributes {dimension_semantics = [#tpu.dimension_semantics<arbitrary>], iteration_bounds = array<i64: 32>, scalar_prefetch = 0 : i64, scratch_operands = 0 : i64, tpu.core_type = #tpu.core_type<tc>, window_params = [{transform_indices = @transform_0, window_bounds = array<i64: 4096, 32>}, {pipeline_mode = #tpu.pipeline_mode<synchronous>, transform_indices = @transform_1, window_bounds = array<i64: 32, 512>}, {transform_indices = @transform_2, window_bounds = array<i64: 16, 256>}, {pipeline_mode = #tpu.pipeline_mode<synchronous>, transform_indices = @transform_3, window_bounds = array<i64: 1, 1>}, {pipeline_mode = #tpu.pipeline_mode<synchronous>, transform_indices = @transform_4, window_bounds = array<i64: 512, 32>}]} {
    %get3A = arith.constant 0 : index
    %get3A_0 = arith.constant 0 : index
    %get3A_1 = vector.load %arg1[%get3A, %get3A_0] : memref<4096x32xf32, #tpu.memory_space<vmem>>, vector<4096x32xf32>
    %get3A_2 = arith.constant 0 : index
    %get3A_3 = arith.constant 0 : index
    %get3A_4 = vector.load %arg2[%get3A_2, %get3A_3] : memref<32x512xf32, #tpu.memory_space<vmem>>, vector<32x512xf32>
    %mul3A = arith.mulf %get3A_1, %get3A_1 : vector<4096x32xf32>
    %reduce_sum3A = arith.constant dense<0.000000e+00> : vector<4096xf32>
    %reduce_sum3A_5 = vector.multi_reduction <add>, %mul3A, %reduce_sum3A [1] : vector<4096x32xf32> to vector<4096xf32>
    %broadcast_in_dim3A = vector.shape_cast %reduce_sum3A_5 : vector<4096xf32> to vector<4096x1xf32>
    %mul3A_6 = arith.mulf %get3A_4, %get3A_4 : vector<32x512xf32>
    %reduce_sum3A_7 = arith.constant dense<0.000000e+00> : vector<512xf32>
    %reduce_sum3A_8 = vector.multi_reduction <add>, %mul3A_6, %reduce_sum3A_7 [0] : vector<32x512xf32> to vector<512xf32>
    %broadcast_in_dim3A_9 = vector.shape_cast %reduce_sum3A_8 : vector<512xf32> to vector<1x512xf32>
    %dot_general3A = arith.constant dense<0.000000e+00> : vector<4096x512xf32>
    %dot_general3A_10 = tpu.matmul %get3A_1, %get3A_4, %dot_general3A {dimension_numbers = #tpu.dot_dimension_numbers<[1], [0], [0], [1], [0, 0, 1, 1], [], []>, transpose_lhs_hint = false} : vector<4096x32xf32>, vector<32x512xf32>, vector<4096x512xf32> -> vector<4096x512xf32>
    %mul3A_11 = arith.constant 2.000000e+00 : f32
    %mul3A_12 = vector.broadcast %mul3A_11 : f32 to vector<4096x512xf32>
    %mul3A_13 = arith.mulf %mul3A_12, %dot_general3A_10 : vector<4096x512xf32>
    %sub3A = vector.broadcast %broadcast_in_dim3A : vector<4096x1xf32> to vector<4096x512xf32>
    %sub3A_14 = arith.subf %sub3A, %mul3A_13 : vector<4096x512xf32>
    %add3A = vector.broadcast %broadcast_in_dim3A_9 : vector<1x512xf32> to vector<4096x512xf32>
    %add3A_15 = arith.addf %sub3A_14, %add3A : vector<4096x512xf32>
    %reduce_min3A = arith.constant dense<0x7F800000> : vector<4096xf32>
    %reduce_min3A_16 = vector.multi_reduction <minimumf>, %add3A_15, %reduce_min3A [1] : vector<4096x512xf32> to vector<4096xf32>
    %broadcast_in_dim3A_17 = vector.shape_cast %reduce_min3A_16 : vector<4096xf32> to vector<4096x1xf32>
    %iota3A = tpu.iota {dimensions = array<i32: 1>} : vector<1x512xi32>
    %convert_element_type3A = arith.sitofp %iota3A : vector<1x512xi32> to vector<1x512xf32>
    %eq3A = vector.broadcast %broadcast_in_dim3A_17 : vector<4096x1xf32> to vector<4096x512xf32>
    %eq3A_18 = arith.cmpf oeq, %add3A_15, %eq3A : vector<4096x512xf32>
    %jit3A = arith.constant 5.120000e+02 : f32
    %broadcast_in_dim3A_19 = vector.shape_cast %convert_element_type3A : vector<1x512xf32> to vector<1x512xf32>
    %broadcast_in_dim3A_20 = vector.broadcast %broadcast_in_dim3A_19 : vector<1x512xf32> to vector<4096x512xf32>
    %broadcast_in_dim3A_21 = vector.broadcast %jit3A : f32 to vector<4096x512xf32>
    %select_n3A = arith.select %eq3A_18, %broadcast_in_dim3A_20, %broadcast_in_dim3A_21 : vector<4096x512xi1>, vector<4096x512xf32>
    %reduce_min3A_22 = arith.constant dense<0x7F800000> : vector<4096xf32>
    %reduce_min3A_23 = vector.multi_reduction <minimumf>, %select_n3A, %reduce_min3A_22 [1] : vector<4096x512xf32> to vector<4096xf32>
    %convert_element_type3A_24 = arith.fptosi %reduce_min3A_23 : vector<4096xf32> to vector<4096xi32>
    %reshape3A = vector.shape_cast %convert_element_type3A_24 : vector<4096xi32> to vector<16x256xi32>
    %swap3A = arith.constant 0 : index
    %swap3A_25 = arith.constant 0 : index
    %swap3A_26 = vector.load %arg3[%swap3A, %swap3A_25] : memref<16x256xi32, #tpu.memory_space<vmem>>, vector<16x256xi32>
    tpu.vector_store %arg3[%swap3A, %swap3A_25], %reshape3A {strides = array<i32>} : memref<16x256xi32, #tpu.memory_space<vmem>>, vector<16x256xi32>,
    %broadcast_in_dim3A_27 = arith.constant 1.000000e+00 : f32
    %broadcast_in_dim3A_28 = vector.broadcast %broadcast_in_dim3A_27 : f32 to vector<1x4096xf32>
    %dot_general3A_29 = arith.constant dense<0.000000e+00> : vector<1x1xf32>
    %dot_general3A_30 = tpu.matmul %broadcast_in_dim3A_28, %broadcast_in_dim3A_17, %dot_general3A_29 {dimension_numbers = #tpu.dot_dimension_numbers<[1], [0], [0], [1], [0, 0, 1, 1], [], []>, transpose_lhs_hint = false} : vector<1x4096xf32>, vector<4096x1xf32>, vector<1x1xf32> -> vector<1x1xf32>
    %eq3A_31 = arith.constant 0 : i32
    %eq3A_32 = arith.cmpi eq, %arg0, %eq3A_31 : i32
    %convert_element_type3A_33 = arith.extui %eq3A_32 : i1 to i32
    %cond3A = arith.constant 0 : i32
    %cond3A_34 = arith.cmpi ne, %convert_element_type3A_33, %cond3A : i32
    scf.if %cond3A_34 {
      %broadcast_in_dim3A_47 = arith.constant 0.000000e+00 : f32
      %broadcast_in_dim3A_48 = vector.broadcast %broadcast_in_dim3A_47 : f32 to vector<1x1xf32>
      %swap3A_49 = arith.constant 0 : index
      %swap3A_50 = arith.constant 0 : index
      %swap3A_51 = vector.load %arg4[%swap3A_49, %swap3A_50] : memref<1x1xf32, #tpu.memory_space<vmem>>, vector<1x1xf32>
      tpu.vector_store %arg4[%swap3A_49, %swap3A_50], %broadcast_in_dim3A_48 {strides = array<i32>} : memref<1x1xf32, #tpu.memory_space<vmem>>, vector<1x1xf32>,
      %transpose3A = tpu.transpose %get3A_4, [1, 0] : vector<32x512xf32> -> vector<512x32xf32>
      %swap3A_52 = arith.constant 0 : index
      %swap3A_53 = arith.constant 0 : index
      %swap3A_54 = vector.load %arg5[%swap3A_52, %swap3A_53] : memref<512x32xf32, #tpu.memory_space<vmem>>, vector<512x32xf32>
      tpu.vector_store %arg5[%swap3A_52, %swap3A_53], %transpose3A {strides = array<i32>} : memref<512x32xf32, #tpu.memory_space<vmem>>, vector<512x32xf32>,
    } else {
    }
    %get3A_35 = arith.constant 0 : index
    %get3A_36 = arith.constant 0 : index
    %get3A_37 = vector.load %arg4[%get3A_35, %get3A_36] : memref<1x1xf32, #tpu.memory_space<vmem>>, vector<1x1xf32>
    %add3A_38 = arith.addf %get3A_37, %dot_general3A_30 : vector<1x1xf32>
    %swap3A_39 = arith.constant 0 : index
    %swap3A_40 = arith.constant 0 : index
    %swap3A_41 = vector.load %arg4[%swap3A_39, %swap3A_40] : memref<1x1xf32, #tpu.memory_space<vmem>>, vector<1x1xf32>
    tpu.vector_store %arg4[%swap3A_39, %swap3A_40], %add3A_38 {strides = array<i32>} : memref<1x1xf32, #tpu.memory_space<vmem>>, vector<1x1xf32>,
    %eq3A_42 = arith.constant 31 : i32
    %eq3A_43 = arith.cmpi eq, %arg0, %eq3A_42 : i32
    %convert_element_type3A_44 = arith.extui %eq3A_43 : i1 to i32
    %cond3A_45 = arith.constant 0 : i32
    %cond3A_46 = arith.cmpi ne, %convert_element_type3A_44, %cond3A_45 : i32
    scf.if %cond3A_46 {
      %get3A_47 = arith.constant 0 : index
      %get3A_48 = arith.constant 0 : index
      %get3A_49 = vector.load %arg4[%get3A_47, %get3A_48] : memref<1x1xf32, #tpu.memory_space<vmem>>, vector<1x1xf32>
      %mul3A_50 = arith.constant 1.49011612E-7 : f32
      %mul3A_51 = vector.broadcast %mul3A_50 : f32 to vector<1x1xf32>
      %mul3A_52 = arith.mulf %get3A_49, %mul3A_51 : vector<1x1xf32>
      %swap3A_53 = arith.constant 0 : index
      %swap3A_54 = arith.constant 0 : index
      %swap3A_55 = vector.load %arg4[%swap3A_53, %swap3A_54] : memref<1x1xf32, #tpu.memory_space<vmem>>, vector<1x1xf32>
      tpu.vector_store %arg4[%swap3A_53, %swap3A_54], %mul3A_52 {strides = array<i32>} : memref<1x1xf32, #tpu.memory_space<vmem>>, vector<1x1xf32>,
    } else {
    }
    return
  }
  func.func @transform_0(%arg0: i32) -> (i32, i32) {
    %add3A = arith.constant 32 : i32
    %add3A_0 = arith.addi %add3A, %arg0 : i32
    %c0_i32 = arith.constant 0 : i32
    %c0_i32_1 = arith.constant 0 : i32
    return %add3A_0, %c0_i32 : i32, i32
  }
  func.func @transform_1(%arg0: i32) -> (i32, i32) {
    %c0_i32 = arith.constant 0 : i32
    %c0_i32_0 = arith.constant 0 : i32
    %c0_i32_1 = arith.constant 0 : i32
    return %c0_i32, %c0_i32_0 : i32, i32
  }
  func.func @transform_2(%arg0: i32) -> (i32, i32) {
    %c0_i32 = arith.constant 0 : i32
    %c0_i32_0 = arith.constant 0 : i32
    return %arg0, %c0_i32 : i32, i32
  }
  func.func @transform_3(%arg0: i32) -> (i32, i32) {
    %c0_i32 = arith.constant 0 : i32
    %c0_i32_0 = arith.constant 0 : i32
    %c0_i32_1 = arith.constant 0 : i32
    return %c0_i32, %c0_i32_0 : i32, i32
  }
  func.func @transform_4(%arg0: i32) -> (i32, i32) {
    %c0_i32 = arith.constant 0 : i32
    %c0_i32_0 = arith.constant 0 : i32
    %c0_i32_1 = arith.constant 0 : i32
    return %c0_i32, %c0_i32_0 : i32, i32
  }
}

</mosaic_0001>

<sc_bundles>
// kernel: kernel.6.cloned.1.call-start
scs
__scs_entry_jumppad:
0x0: {  	(pc) =	sbr.rel $0x88, $3  }
0x1: {  	(tag) =	ssettag $0x0;
	lr =	simm.s32 $0x1  }
0x2: {  	[smem:$0x3F9F] =	sst lr;
	_ =	strace $0xD0000000  }
0x3: {  	_ = 	snop  }
0x4: {  	_ = 	snop  }
0x5: {  	_ = 	snop  }
0x6: {  	_ = 	snop  }
0x7: {  	_ = 	snop  }
__scs_overlays_trampoline_lowered:
0x8: {  	[smem:$0x3FAE] =	sst s0  }
0x9: {  	[smem:$0x3FAF] =	sst s1  }
0xa: {  	[smem:$0x3FB0] =	sst s2  }
0xb: {  	[smem:$0x3FB1] =	sst s3  }
0xc: {  	[smem:$0x3FB2] =	sst s4  }
0xd: {  	[smem:$0x3FB3] =	sst s5  }
0xe: {  	[smem:$0x3FB4] =	sst s6  }
0xf: {  	[smem:$0x3FB5] =	sst s7  }
0x10: {  	[smem:$0x3FB6] =	sst s8  }
0x11: {  	[smem:$0x3FB7] =	sst s9;
	s0 =	simm.s32 @!p0 $0x0  }
0x12: {  	s1 =	sld [smem:$0x3F9D];
	s0 =	simm.s32 @p0 $0x1  }
0x13: {  	[smem:$0x3FB8] =	sst s0;
	s0 =	simm.s32 @!p1 $0x0  }
0x14: {  	s2 =	sld [smem:$0x3F9C];
	s0 =	simm.s32 @p1 $0x1  }
0x15: {  	[smem:$0x3FB9] =	sst s0;
	s0 =	simm.s32 @!p2 $0x0  }
0x16: {  	s3 =	sld [smem:$0x3FDB];
	s0 =	simm.s32 @p2 $0x1  }
0x17: {  	s4 =	simm.s32 $0x1BF5;
	[smem:$0x3FBB] =	sst s0  }
0x18: {  	s0 =	sld [smem:$0x3F9E];
	_ =	swait.ge [sflag:s4], $0x0  }
0x19: {  	s7 =	sld [smem:$0x3F9F]  }
0x1a: {  	s8 =	sadd.s32 $0xFFFFE003, lr  }
0x1b: {  	s9 =	sadd.s32 $0xFFFFFEF7, lr;
	s5 =	simm.s32 $0xFFFFFFFF;
	p2 =	slt.u32 s8, $0xFFFFF086  }
0x1c: {  	p1 =	slt.u32 s9, $0xF7A;
	s5 =	simm.s32 @!p2 $0x0  }
0x1d: {  	s5 =	simm.s32 @p1 $0x1;
	p0 =	seq.s32 s7, s2  }
0x1e: {  	s7 =	smul.u32 @!p0 $0xF7A, s2;
	p2 =	seq.s32 @!p0 s5, $0x0  }
0x1f: {  	s9 =	smul.u32 $0xF7A, s1;
	s8 =	simm.s32 @!p0 $0x1BF5;
	p2 =	por !p2, p0  }
0x20: {  	[sflag:s8] =	ssyncset.s32 @!p0 $0xFFFFF086;
	s6 =	sadd.s32 @!p0 s3, s7;
	s7 =	simm.s32 @!p0 $0x108  }
0x21: {  	s3 =	sadd.s32 s3, s9;
	s6 =	sadd.s32 @!p0 $0x88, s6;
	s7 =	simm.s32 @p2 $0x1082  }
0x22: {  	[simem:s7], [sflag:s8] =	dma.local @!p0 [hbm:s6], $0xF7A  }
0x23: {  	s9 =	sor.u32 $0xD0000000, s2;
	s6 =	simm.s32 $0x108;
	_ =	swait.ge @!p0 [sflag:s8], $0x0  }
0x24: {  	s3 =	sadd.s32 $0x88, s3;
	s6 =	simm.s32 @!p1 $0x1082;
	[sflag:s4] =	ssyncset.s32 $0xFFFFF086  }
0x25: {  	[simem:s6], [sflag:s4] =	dma.local [hbm:s3], $0xF7A  }
0x26: {  	[smem:$0x3F9F] =	sst s1;
	(tag) =	ssettag s2;
	_ =	strace s9  }
0x27: {  	s1 =	sld [smem:$0x3FAF]  }
0x28: {  	s2 =	sld [smem:$0x3FB0]  }
0x29: {  	s4 =	sld [smem:$0x3FB2]  }
0x2a: {  	p0 =	seq.s32 s5, $0x0;
	s5 =	sld [smem:$0x3FB3]  }
0x2b: {  	s6 =	sld [smem:$0x3FB4]  }
0x2c: {  	s7 =	sld [smem:$0x3FB5]  }
0x2d: {  	s3 =	simm.s32 $0x108;
	s8 =	sld [smem:$0x3FB6]  }
0x2e: {  	s3 =	simm.s32 @!p0 $0x1082;
	s9 =	sld [smem:$0x3FB7]  }
0x2f: {  	lr =	sadd.s32 s0, s3;
	s0 =	sld [smem:$0x3FAE]  }
0x30: {  	s3 =	sld [smem:$0x3FB1]  }
0x31: {  	[smem:$0x3FBA] =	sst s10  }
0x32: {  	s10 =	sld [smem:$0x3FB8];
	_ =	sdelay $0x3  }
0x33: {  	p0 =	seq.s32 s10, $0x1;
	s10 =	sld [smem:$0x3FBA];
	_ =	sdelay $0x3  }
0x34: {  	[smem:$0x3FBA] =	sst s10  }
0x35: {  	s10 =	sld [smem:$0x3FB9];
	_ =	sdelay $0x3  }
0x36: {  	p1 =	seq.s32 s10, $0x1;
	s10 =	sld [smem:$0x3FBA];
	_ =	sdelay $0x3  }
0x37: {  	[smem:$0x3FBA] =	sst s10  }
0x38: {  	s10 =	sld [smem:$0x3FBB]  }
0x39: {  	_ = 	snop;
	(pc) =	sbr.ind lr, $3  }
0x3a: {  	_ = 	snop  }
0x3b: {  	_ = 	snop  }
0x3c: {  	p2 =	seq.s32 s10, $0x1;
	s10 =	sld [smem:$0x3FBA]  }
0x3d: {  	_ =	shalt  }
0x3e: {  	_ =	shalt  }
0x3f: {  	_ =	shalt  }
0x40: {  	_ =	shalt  }
0x41: {  	_ =	shalt  }
0x42: {  	_ =	shalt  }
0x43: {  	_ =	shalt  }
0x44: {  	_ =	shalt  }
0x45: {  	_ =	shalt  }
0x46: {  	_ =	shalt  }
0x47: {  	_ =	shalt  }
0x48: {  	_ =	shalt  }
0x49: {  	_ =	shalt  }
0x4a: {  	_ =	shalt  }
0x4b: {  	_ =	shalt  }
0x4c: {  	_ =	shalt  }
0x4d: {  	_ =	shalt  }
0x4e: {  	_ =	shalt  }
0x4f: {  	_ =	shalt  }
0x50: {  	_ =	shalt  }
0x51: {  	_ =	shalt  }
0x52: {  	_ =	shalt  }
0x53: {  	_ =	shalt  }
0x54: {  	_ =	shalt  }
0x55: {  	_ =	shalt  }
0x56: {  	_ =	shalt  }
0x57: {  	_ =	shalt  }
0x58: {  	_ =	shalt  }
0x59: {  	_ =	shalt  }
0x5a: {  	_ =	shalt  }
0x5b: {  	_ =	shalt  }
0x5c: {  	_ =	shalt  }
0x5d: {  	_ =	shalt  }
0x5e: {  	_ =	shalt  }
0x5f: {  	_ =	shalt  }
0x60: {  	_ =	shalt  }
0x61: {  	_ =	shalt  }
0x62: {  	_ =	shalt  }
0x63: {  	_ =	shalt  }
0x64: {  	_ =	shalt  }
0x65: {  	_ =	shalt  }
0x66: {  	_ =	shalt  }
0x67: {  	_ =	shalt  }
0x68: {  	_ =	shalt  }
0x69: {  	_ =	shalt  }
0x6a: {  	_ =	shalt  }
0x6b: {  	_ =	shalt  }
0x6c: {  	_ =	shalt  }
0x6d: {  	_ =	shalt  }
0x6e: {  	_ =	shalt  }
0x6f: {  	_ =	shalt  }
0x70: {  	_ =	shalt  }
0x71: {  	_ =	shalt  }
0x72: {  	_ =	shalt  }
0x73: {  	_ =	shalt  }
0x74: {  	_ =	shalt  }
0x75: {  	_ =	shalt  }
0x76: {  	_ =	shalt  }
0x77: {  	_ =	shalt  }
0x78: {  	_ =	shalt  }
0x79: {  	_ =	shalt  }
0x7a: {  	_ =	shalt  }
0x7b: {  	_ =	shalt  }
0x7c: {  	_ =	shalt  }
0x7d: {  	_ =	shalt  }
0x7e: {  	_ =	shalt  }
0x7f: {  	_ =	shalt  }
0x80: {  	_ =	shalt  }
0x81: {  	_ =	shalt  }
0x82: {  	_ =	shalt  }
0x83: {  	_ =	shalt  }
0x84: {  	_ =	shalt  }
0x85: {  	_ =	shalt  }
0x86: {  	_ =	shalt  }
0x87: {  	_ =	shalt  }
.Lfunc_end0:
.L_simem_size_0:
called_computation_lowered:
.L_overlay_start_0:
0x88: {  	s2 =	sld [smem:$0x3FD9]  }
0x89: {  	s3 =	sld [smem:$0x3FFE];
	_ =	sdelay $0x1  }
0x8a: {  	s1 =	srdreg.scid  }
0x8b: {  	s0 =	sand.u32 $0x1, s1  }
0x8c: {  	s15 =	sshll.u32 s0, $0xA;
	s2 =	sadd.s32 s3, s2  }
0x8d: {  	s2 =	sadd.s32 s2, s15  }
0x8e: {  	[smem:$0x3FC6] =	sst s2  }
0x8f: {  	_ = 	snop  }
0x90: {  	s2 =	sld [smem:$0x3FD0];
	_ =	sdelay $0x2  }
0x91: {  	s16 =	simm.s32 $0xB;
	s4 =	simm.s32 $0x10  }
0x92: {  	[smem:s4], [sflag:s16] =	dma.local [hbm:s2], $0x1  }
0x93: {  	_ =	swait.eq [sflag:s16], $0x1  }
0x94: {  	[sflag:s16] =	ssyncset.done $0x0  }
0x95: {  	[sflag:s16] =	ssyncadd.s32 $0xFFFFFFFF  }
0x96: {  	s17 =	sld [smem:$0x10];
	(tm) =	ssettm $0x1  }
0x97: {  	s18 =	sld [smem:$0x3FFB];
	_ =	sdelay $0x3  }
0x98: {  	_ =	strace s18  }
0x99: {  	s2 =	sld [smem:$0x3FFC];
	_ =	sdelay $0x3  }
0x9a: {  	_ =	strace s2  }
0x9b: {  	s2 =	sld [smem:$0x3FFD];
	_ =	sdelay $0x3  }
0x9c: {  	_ =	strace s2  }
0x9d: {  	_ =	strace $0x8FFFFFFF  }
0x9e: {  	s19 =	sld [smem:$0x3FDB];
	_ =	sdelay $0x1  }
0x9f: {  	s20 =	simm.s32 $_scs_section_size  }
0xa0: {  	s5 =	simm.s32 $_size__tile_overlayer_lowered;
	s6 =	simm.s32 $_tile_overlayer_lowered  }
0xa1: {  	s7 =	simm.s32 $0x1BFF;
	s21 =	sshll.u32 s6, $0x1;
	s4 =	sadd.s32 s20, s19  }
0xa2: {  	s22 =	simm.s32 $0x0;
	s5 =	sshll.u32 s5, $0x1;
	s6 =	sadd.s32 s21, s4  }
0xa3: {  	[timem:s22], [sflag:s7] =	dma.local [hbm:s6], s5  }
0xa4: {  	_ =	swait.ge [sflag:s7], s5  }
0xa5: {  	s5 =	ssub.s32 $0x0, s5;
	[sflag:s7] =	ssyncset.done $0x0  }
0xa6: {  	[sflag:s7] =	ssyncadd.s32 s5;
	_ =	sdelay $0x1  }
0xa7: {  	s23 =	simm.s32 $0x1B8B  }
0xa8: {  	_ =	swait.ge [sflag:s23], $0x1  }
0xa9: {  	[sflag:s23] =	ssyncset.done $0x0  }
0xaa: {  	[sflag:s23] =	ssyncadd.s32 $0xFFFFFFFF  }
0xab: {  	s5 =	sld [smem:$0x0]  }
0xac: {  	s6 =	sand.u32 $0xFFFFFFFE, s1  }
0xad: {  	p0 =	sne.s32 s1, s6  }
0xae: {  	s6 =	sshll.u32 @p0 s6, $0xE  }
0xaf: {  	s6 =	sadd.s32 @p0 $0x11B8D, s6;
	s7 =	sshll.u32 @p0 s5, $0x11  }
0xb0: {  	s6 =	sor.u32 @p0 s7, s6  }
0xb1: {  	[sflag:s6] =	ssyncadd.remote.s32 @p0 $0x1;
	_ =	sdelay $0x1  }
0xb2: {  	s6 =	simm.s32 @p0 $0x1B8D  }
0xb3: {  	_ =	swait.eq @p0 [sflag:s6], $0x1  }
0xb4: {  	[sflag:s6] =	ssyncadd.s32 @p0 $0xFFFFFFFF  }
0xb5: {  	s7 =	sshll.u32 @!p0 s1, $0xE  }
0xb6: {  	s7 =	sor.u32 @!p0 $0x4000, s7;
	s6 =	simm.s32 @!p0 $0x1B8D  }
0xb7: {  	s5 =	sshll.u32 @!p0 s5, $0x11;
	s7 =	sadd.s32 @!p0 $0x11B8D, s7;
	_ =	swait.eq @!p0 [sflag:s6], $0x1  }
0xb8: {  	s5 =	sor.u32 @!p0 s5, s7;
	[sflag:s6] =	ssyncadd.s32 @!p0 $0xFFFFFFFF  }
0xb9: {  	s25 =	simm.s32 $0x1B8E;
	s24 =	sld [smem:$0x3FFE];
	[sflag:s5] =	ssyncadd.remote.s32 @!p0 $0x1  }
0xba: {  	s26 =	simm.s32 $execute0_lowered;
	[smem:$0x3FD2] =	sst s25  }
0xbb: {  	s6 =	sshll.u32 s26, $0x1;
	_ =	strace $0x80000049;
	[dreg:$0x1] =	wrdreg $0xFFFFFFFF  }
0xbc: {  	s28 =	simm.s32 $_size_execute0_lowered;
	s4 =	sadd.s32 s4, s6;
	[dreg:$0x0] =	wrdreg $0x0  }
0xbd: {  	s6 =	sshll.u32 s28, $0x1;
	[dreg:$0x2] =	wrdreg s4  }
0xbe: {  	[dreg:$0x3] =	wrdreg s6  }
0xbf: {  	[dreg:$0x4] =	wrdreg $0xC0  }
0xc0: {  	_ =	task [dreg:s22], $0x5FFFF  }
0xc1: {  	[dreg:$0x1] =	wrdreg $0xFFFFFFFF  }
0xc2: {  	[dreg:$0x0] =	wrdreg $0x60  }
0xc3: {  	[dreg:$0x2] =	wrdreg s24  }
0xc4: {  	[dreg:$0x3] =	wrdreg s17  }
0xc5: {  	[dreg:$0x4] =	wrdreg $0x9  }
0xc6: {  	_ =	task.clear_ibuf [dreg:s22], $0x5FFFF;
	_ =	strace $0x90000049  }
0xc7: {  	s29 =	simm.s32 $0x9;
	_ =	strace $0x8000004B  }
0xc8: {  	_ =	swait.ge [sflag:s29], $0x1  }
0xc9: {  	[sflag:s29] =	ssyncadd.s32 $0xFFFFFFFF  }
0xca: {  	_ =	strace $0x9000004B  }
0xcb: {  	_ =	sfence  }
0xcc: {  	s30 =	sld [smem:$0x0];
	_ =	sdelay $0x2  }
0xcd: {  	s31 =	sshll.u32 s1, $0xD;
	s1 =	sshrl.u32 s1, $0x2  }
0xce: {  	s4 =	sand.u32 $0x4000, s31;
	s1 =	sadd.s32 s1, s30  }
0xcf: {  	s0 =	sor.u32 s4, s0;
	s1 =	sshll.u32 s1, $0x11  }
0xd0: {  	s0 =	sor.u32 s1, s0  }
0xd1: {  	s0 =	sadd.s32 $0x8F2B, s0  }
0xd2: {  	[sflag:s0] =	ssyncadd.remote.s32 $0x1  }
0xd3: {  	_ =	sfence.sel $0xFFFF  }
0xd4: {  	[dreg:$0x0] =	wrdreg $0xFFFFFFFF;
	(pc) =	sbr.abs _section_cstart, $3  }
0xd5: {  	[dreg:$0x1] =	wrdreg $0xFFFFFFFF  }
0xd6: {  	_ =	task.clear_ibuf [dreg:s22], $0x2FFFF;
	_ =	strace $0x9FFFFFFF  }
0xd7: {  	(tm) =	ssettm $0x7FFFFFFF  }
tec
execute0_lowered:
.L_overlay_start_1:
0x0: {  	(tag) =	ssettag $0x1  }
0x1: {  	s0 =	rddreg [dreg:$0x0];
	s1 =	srdreg.scid  }
0x2: {  	s2 =	stileid.u32;
	s3 =	rddreg [dreg:$0x1]  }
0x3: {  	s26 =	simm.s32 $0x5;
	s9 =	simm.s32 $0x100;
	s24 =	simm.s32 $0x200  }
0x4: {  	s15 =	simm.s32 $0x3000;
	s25 =	simm.s32 $0x300;
	s16 =	simm.s32 $0x5000  }
0x5: {  	s30 =	simm.s32 $0x500;
	s11 =	simm.s32 $0xB000;
	s31 =	simm.s32 $0x600  }
0x6: {  	s13 =	simm.s32 $0xD000;
	s29 =	simm.s32 $0x700;
	s14 =	simm.s32 $0xF000  }
0x7: {  	s10 =	simm.s32 $0x1;
	s23 =	simm.s32 $0x800;
	s28 =	simm.s32 $0xB00  }
0x8: {  	p0 =	por $0x0, $0x0;
	s8 =	simm.s32 $0x2;
	s7 =	simm.s32 $0x4  }
0x9: {  	s1 =	sand.u32 $0x1, s1;
	s4 =	sshll.u32 s2, $0x1;
	s2 =	simm.s32 $0x0  }
0xa: {  	s4 =	sor.u32 s1, s4;
	[smem:$0x7FF] =	sst s2;
	s1 =	ssub.s32 $0x2, s1  }
0xb: {  	s5 =	sshll.u32 s4, $0x9;
	_ =	strace $0x8000004A;
	s6 =	sshll.u32 s4, $0xE  }
0xc: {  	s4 =	sadd.s32 $0xE00, s0;
	s19 =	sshrl.u32 s1, $0x1;
	[dreg:$0x7] =	wrdreg s24  }
0xd: {  	[dreg:$0x8] =	wrdreg s25;
	s24 =	simm.s32 $0x900;
	s25 =	simm.s32 $0xA00  }
0xe: {  	s5 =	sadd.s32 s5, s0;
	s12 =	sadd.s32 s3, s6;
	s1 =	ssub.s32 s1, s19  }
0xf: {  	s3 =	simm.s32 $0x9000;
	s17 =	sadd.s32 $0x85600, s5;
	s22 =	smax.u32 s1, $0x1  }
0x10: {  	s18 =	sadd.s32 $0x1000, s12;
	[dreg:$0x3] =	wrdreg s17;
	p1 =	sne.s32 s22, $0x1  }
.Ltmp0:
0x11: {  	s20 =	sadd.s32 $0x2000, s12;
	[dreg:$0x4] =	wrdreg s18;
	(pc) =	sbr.rel @!p1 .LBB2_1-.Ltmp0, $4  }
0x12: {  	s6 =	simm.s32 $0x3;
	s21 =	sadd.s32 $0x3000, s12;
	[dreg:$0x5] =	wrdreg s20  }
0x13: {  	s19 =	simm.s32 $0xC00;
	s5 =	simm.s32 $0x1000;
	[dreg:$0x6] =	wrdreg s21  }
0x14: {  	s17 =	simm.s32 $0x7000;
	s18 =	sadd.s32 $0xFFFFFFFF, s22;
	s20 =	simm.s32 $0xD00  }
0x15: {  	s21 =	simm.s32 $0xE00;
	s22 =	simm.s32 $0xF00;
	s0 =	rddreg [dreg:$0x3]  }
0x16: {  	[tilespmem:s2], [sflag:$0x5] =	stream.linear.gather [hbm4b:s0+s2], $0x1000, $0x38;
	[tilespmem:$0x11000] =	vst v63  }
0x17: {  	_ =	swait.ge [sflag:s26], $0x1000  }
0x18: {  	[sflag:s26] =	ssyncset.done $0x0  }
0x19: {  	[sflag:s26] =	ssyncadd.s32 $0xFFFFF000  }
0x1a: {  	[tilespmem:s5], [sflag:$0x1] =	stream.indirect.gather [hbm4b:s4+s9], $0x20, s2, s9, $0xb8;
	[tilespmem:$0x11000] =	vst v63  }
0x1b: {  	_ = 	snop  }
0x1c: {  	[tilespmem:s15], [sflag:$0x1] =	stream.indirect.gather [hbm4b:s4+s9], $0x20, s9, s9, $0xb8;
	[tilespmem:$0x11000] =	vst v63  }
0x1d: {  	s0 =	rddreg [dreg:$0x7]  }
0x1e: {  	[tilespmem:s16], [sflag:$0x1] =	stream.indirect.gather [hbm4b:s4+s9], $0x20, s0, s9, $0xb8;
	[tilespmem:$0x11000] =	vst v63  }
0x1f: {  	s1 =	rddreg [dreg:$0x8]  }
0x20: {  	[tilespmem:s17], [sflag:$0x1] =	stream.indirect.gather [hbm4b:s4+s9], $0x20, s1, s9, $0xb8;
	[tilespmem:$0x11000] =	vst v63  }
0x21: {  	s1 =	simm.s32 $0x400  }
0x22: {  	[tilespmem:s3], [sflag:$0x2] =	stream.indirect.gather [hbm4b:s4+s9], $0x20, s1, s9, $0xb8;
	[tilespmem:$0x11000] =	vst v63  }
0x23: {  	_ = 	snop  }
0x24: {  	[tilespmem:s11], [sflag:$0x2] =	stream.indirect.gather [hbm4b:s4+s9], $0x20, s30, s9, $0xb8;
	[tilespmem:$0x11000] =	vst v63  }
0x25: {  	_ = 	snop  }
0x26: {  	[tilespmem:s13], [sflag:$0x2] =	stream.indirect.gather [hbm4b:s4+s9], $0x20, s31, s9, $0xb8;
	[tilespmem:$0x11000] =	vst v63  }
0x27: {  	_ = 	snop  }
0x28: {  	[tilespmem:s14], [sflag:$0x2] =	stream.indirect.gather [hbm4b:s4+s9], $0x20, s29, s9, $0xb8;
	[tilespmem:$0x11000] =	vst v63  }
0x29: {  	_ =	swait.ge [sflag:s10], $0x2000  }
0x2a: {  	[sflag:s10] =	ssyncset.done $0x0  }
0x2b: {  	[sflag:s10] =	ssyncadd.s32 $0xFFFFE000  }
0x2c: {  	_ =	swait.ge [sflag:s10], $0x2000  }
0x2d: {  	[sflag:s10] =	ssyncset.done $0x0  }
0x2e: {  	[sflag:s10] =	ssyncadd.s32 $0xFFFFE000  }
0x2f: {  	_ =	swait.ge [sflag:s10], $0x2000  }
0x30: {  	[sflag:s10] =	ssyncset.done $0x0  }
0x31: {  	[sflag:s10] =	ssyncadd.s32 $0xFFFFE000  }
0x32: {  	_ =	swait.ge [sflag:s10], $0x2000  }
0x33: {  	[sflag:s10] =	ssyncset.done $0x0  }
0x34: {  	[sflag:s10] =	ssyncadd.s32 $0xFFFFE000  }
0x35: {  	[hbm4b:s12+s2] =	stream.linear.scatter [tilespmem:s5], [sflag:$0x3], $0x8000, $0x38;
	[tilespmem:$0x11000] =	vst v63  }
0x36: {  	_ =	swait.ge [sflag:s6], $0x8000  }
0x37: {  	[sflag:s6] =	ssyncset.done $0x0  }
0x38: {  	[sflag:s6] =	ssyncadd.s32 $0xFFFF8000  }
0x39: {  	[tilespmem:s5], [sflag:$0x1] =	stream.indirect.gather [hbm4b:s4+s9], $0x20, s23, s9, $0xb8;
	[tilespmem:$0x11000] =	vst v63  }
0x3a: {  	_ = 	snop  }
0x3b: {  	[tilespmem:s15], [sflag:$0x1] =	stream.indirect.gather [hbm4b:s4+s9], $0x20, s24, s9, $0xb8;
	[tilespmem:$0x11000] =	vst v63  }
0x3c: {  	_ = 	snop  }
0x3d: {  	[tilespmem:s16], [sflag:$0x1] =	stream.indirect.gather [hbm4b:s4+s9], $0x20, s25, s9, $0xb8;
	[tilespmem:$0x11000] =	vst v63  }
0x3e: {  	_ = 	snop  }
0x3f: {  	[tilespmem:s17], [sflag:$0x1] =	stream.indirect.gather [hbm4b:s4+s9], $0x20, s28, s9, $0xb8;
	[tilespmem:$0x11000] =	vst v63  }
0x40: {  	_ =	swait.ge [sflag:s8], $0x2000  }
0x41: {  	[sflag:s8] =	ssyncset.done $0x0  }
0x42: {  	[sflag:s8] =	ssyncadd.s32 $0xFFFFE000  }
0x43: {  	_ =	swait.ge [sflag:s8], $0x2000  }
0x44: {  	[sflag:s8] =	ssyncset.done $0x0  }
0x45: {  	[sflag:s8] =	ssyncadd.s32 $0xFFFFE000  }
0x46: {  	_ =	swait.ge [sflag:s8], $0x2000  }
0x47: {  	[sflag:s8] =	ssyncset.done $0x0  }
0x48: {  	[sflag:s8] =	ssyncadd.s32 $0xFFFFE000  }
0x49: {  	_ =	swait.ge [sflag:s8], $0x2000  }
0x4a: {  	[sflag:s8] =	ssyncset.done $0x0  }
0x4b: {  	s1 =	rddreg [dreg:$0x4];
	[sflag:s8] =	ssyncadd.s32 $0xFFFFE000  }
0x4c: {  	[hbm4b:s1+s2] =	stream.linear.scatter [tilespmem:s3], [sflag:$0x4], $0x8000, $0x38;
	[tilespmem:$0x11000] =	vst v63  }
0x4d: {  	_ =	swait.ge [sflag:s7], $0x8000  }
0x4e: {  	[sflag:s7] =	ssyncset.done $0x0  }
0x4f: {  	[sflag:s7] =	ssyncadd.s32 $0xFFFF8000  }
0x50: {  	[tilespmem:s3], [sflag:$0x2] =	stream.indirect.gather [hbm4b:s4+s9], $0x20, s19, s9, $0xb8;
	[tilespmem:$0x11000] =	vst v63  }
0x51: {  	_ = 	snop  }
0x52: {  	[tilespmem:s11], [sflag:$0x2] =	stream.indirect.gather [hbm4b:s4+s9], $0x20, s20, s9, $0xb8;
	[tilespmem:$0x11000] =	vst v63  }
0x53: {  	_ = 	snop  }
0x54: {  	[tilespmem:s13], [sflag:$0x2] =	stream.indirect.gather [hbm4b:s4+s9], $0x20, s21, s9, $0xb8;
	[tilespmem:$0x11000] =	vst v63  }
0x55: {  	_ = 	snop  }
0x56: {  	[tilespmem:s14], [sflag:$0x2] =	stream.indirect.gather [hbm4b:s4+s9], $0x20, s22, s9, $0xb8;
	[tilespmem:$0x11000] =	vst v63  }
0x57: {  	_ =	swait.ge [sflag:s10], $0x2000  }
0x58: {  	[sflag:s10] =	ssyncset.done $0x0  }
0x59: {  	[sflag:s10] =	ssyncadd.s32 $0xFFFFE000  }
0x5a: {  	_ =	swait.ge [sflag:s10], $0x2000  }
0x5b: {  	[sflag:s10] =	ssyncset.done $0x0  }
0x5c: {  	[sflag:s10] =	ssyncadd.s32 $0xFFFFE000  }
0x5d: {  	_ =	swait.ge [sflag:s10], $0x2000  }
0x5e: {  	[sflag:s10] =	ssyncset.done $0x0  }
0x5f: {  	[sflag:s10] =	ssyncadd.s32 $0xFFFFE000  }
0x60: {  	_ =	swait.ge [sflag:s10], $0x2000  }
0x61: {  	[sflag:s10] =	ssyncset.done $0x0  }
0x62: {  	s1 =	rddreg [dreg:$0x5];
	[sflag:s10] =	ssyncadd.s32 $0xFFFFE000  }
0x63: {  	[hbm4b:s1+s2] =	stream.linear.scatter [tilespmem:s5], [sflag:$0x3], $0x8000, $0x38;
	[tilespmem:$0x11000] =	vst v63  }
0x64: {  	_ =	swait.ge [sflag:s8], $0x2000  }
0x65: {  	[sflag:s8] =	ssyncset.done $0x0  }
0x66: {  	[sflag:s8] =	ssyncadd.s32 $0xFFFFE000  }
0x67: {  	_ =	swait.ge [sflag:s8], $0x2000  }
0x68: {  	[sflag:s8] =	ssyncset.done $0x0  }
0x69: {  	[sflag:s8] =	ssyncadd.s32 $0xFFFFE000  }
0x6a: {  	_ =	swait.ge [sflag:s8], $0x2000  }
0x6b: {  	[sflag:s8] =	ssyncset.done $0x0  }
0x6c: {  	[sflag:s8] =	ssyncadd.s32 $0xFFFFE000  }
0x6d: {  	_ =	swait.ge [sflag:s8], $0x2000  }
0x6e: {  	[sflag:s8] =	ssyncset.done $0x0  }
0x6f: {  	p1 =	sne.s32 s18, $0x1;
	s1 =	rddreg [dreg:$0x6];
	[sflag:s8] =	ssyncadd.s32 $0xFFFFE000  }
0x70: {  	[hbm4b:s1+s2] =	stream.linear.scatter [tilespmem:s3], [sflag:$0x4], $0x8000, $0x38;
	[tilespmem:$0x11000] =	vst v63  }
.Ltmp1:
0x71: {  	_ =	swait.ge [sflag:s6], $0x8000;
	(pc) =	sbr.rel @!p1 .LBB2_3-.Ltmp1, $4  }
0x72: {  	[sflag:s6] =	ssyncset.done $0x0  }
0x73: {  	[sflag:s6] =	ssyncadd.s32 $0xFFFF8000  }
0x74: {  	p0 =	por $0x1, $0x1;
	_ =	swait.ge [sflag:s7], $0x8000  }
0x75: {  	s1 =	sadd.s32 $0xFFFFFFFF, s18;
	s0 =	rddreg [dreg:$0x3];
	[sflag:s7] =	ssyncset.done $0x0  }
.LBB2_4:
0x76: {  	[sflag:s7] =	ssyncadd.s32 $0xFFFF8000  }
0x77: {  	[tilespmem:s2], [sflag:$0x5] =	stream.linear.gather [hbm4b:s0+s2], $0x1000, $0x38;
	[tilespmem:$0x11000] =	vst v63  }
0x78: {  	_ =	swait.ge [sflag:s26], $0x1000  }
0x79: {  	[sflag:s26] =	ssyncset.done $0x0  }
0x7a: {  	[sflag:s26] =	ssyncadd.s32 $0xFFFFF000  }
0x7b: {  	[tilespmem:s5], [sflag:$0x1] =	stream.indirect.gather [hbm4b:s4+s9], $0x20, s2, s9, $0xb8;
	[tilespmem:$0x11000] =	vst v63  }
0x7c: {  	_ = 	snop  }
0x7d: {  	[tilespmem:s15], [sflag:$0x1] =	stream.indirect.gather [hbm4b:s4+s9], $0x20, s9, s9, $0xb8;
	[tilespmem:$0x11000] =	vst v63  }
0x7e: {  	s0 =	rddreg [dreg:$0x7]  }
0x7f: {  	[tilespmem:s16], [sflag:$0x1] =	stream.indirect.gather [hbm4b:s4+s9], $0x20, s0, s9, $0xb8;
	[tilespmem:$0x11000] =	vst v63  }
0x80: {  	s18 =	rddreg [dreg:$0x8]  }
0x81: {  	[tilespmem:s17], [sflag:$0x1] =	stream.indirect.gather [hbm4b:s4+s9], $0x20, s18, s9, $0xb8;
	[tilespmem:$0x11000] =	vst v63  }
0x82: {  	s18 =	simm.s32 $0x400  }
0x83: {  	[tilespmem:s3], [sflag:$0x2] =	stream.indirect.gather [hbm4b:s4+s9], $0x20, s18, s9, $0xb8;
	[tilespmem:$0x11000] =	vst v63  }
0x84: {  	_ = 	snop  }
0x85: {  	[tilespmem:s11], [sflag:$0x2] =	stream.indirect.gather [hbm4b:s4+s9], $0x20, s30, s9, $0xb8;
	[tilespmem:$0x11000] =	vst v63  }
0x86: {  	_ = 	snop  }
0x87: {  	[tilespmem:s13], [sflag:$0x2] =	stream.indirect.gather [hbm4b:s4+s9], $0x20, s31, s9, $0xb8;
	[tilespmem:$0x11000] =	vst v63  }
0x88: {  	_ = 	snop  }
0x89: {  	[tilespmem:s14], [sflag:$0x2] =	stream.indirect.gather [hbm4b:s4+s9], $0x20, s29, s9, $0xb8;
	[tilespmem:$0x11000] =	vst v63  }
0x8a: {  	_ =	swait.ge [sflag:s10], $0x2000  }
0x8b: {  	[sflag:s10] =	ssyncset.done $0x0  }
0x8c: {  	[sflag:s10] =	ssyncadd.s32 $0xFFFFE000  }
0x8d: {  	_ =	swait.ge [sflag:s10], $0x2000  }
0x8e: {  	[sflag:s10] =	ssyncset.done $0x0  }
0x8f: {  	[sflag:s10] =	ssyncadd.s32 $0xFFFFE000  }
0x90: {  	_ =	swait.ge [sflag:s10], $0x2000  }
0x91: {  	[sflag:s10] =	ssyncset.done $0x0  }
0x92: {  	[sflag:s10] =	ssyncadd.s32 $0xFFFFE000  }
0x93: {  	_ =	swait.ge [sflag:s10], $0x2000  }
0x94: {  	[sflag:s10] =	ssyncset.done $0x0  }
0x95: {  	[sflag:s10] =	ssyncadd.s32 $0xFFFFE000  }
0x96: {  	[hbm4b:s12+s2] =	stream.linear.scatter [tilespmem:s5], [sflag:$0x3], $0x8000, $0x38;
	[tilespmem:$0x11000] =	vst v63  }
0x97: {  	_ =	swait.ge [sflag:s6], $0x8000  }
0x98: {  	[sflag:s6] =	ssyncset.done $0x0  }
0x99: {  	[sflag:s6] =	ssyncadd.s32 $0xFFFF8000  }
0x9a: {  	[tilespmem:s5], [sflag:$0x1] =	stream.indirect.gather [hbm4b:s4+s9], $0x20, s23, s9, $0xb8;
	[tilespmem:$0x11000] =	vst v63  }
0x9b: {  	_ = 	snop  }
0x9c: {  	[tilespmem:s15], [sflag:$0x1] =	stream.indirect.gather [hbm4b:s4+s9], $0x20, s24, s9, $0xb8;
	[tilespmem:$0x11000] =	vst v63  }
0x9d: {  	_ = 	snop  }
0x9e: {  	[tilespmem:s16], [sflag:$0x1] =	stream.indirect.gather [hbm4b:s4+s9], $0x20, s25, s9, $0xb8;
	[tilespmem:$0x11000] =	vst v63  }
0x9f: {  	_ = 	snop  }
0xa0: {  	[tilespmem:s17], [sflag:$0x1] =	stream.indirect.gather [hbm4b:s4+s9], $0x20, s28, s9, $0xb8;
	[tilespmem:$0x11000] =	vst v63  }
0xa1: {  	_ =	swait.ge [sflag:s8], $0x2000  }
0xa2: {  	[sflag:s8] =	ssyncset.done $0x0  }
0xa3: {  	[sflag:s8] =	ssyncadd.s32 $0xFFFFE000  }
0xa4: {  	_ =	swait.ge [sflag:s8], $0x2000  }
0xa5: {  	[sflag:s8] =	ssyncset.done $0x0  }
0xa6: {  	[sflag:s8] =	ssyncadd.s32 $0xFFFFE000  }
0xa7: {  	_ =	swait.ge [sflag:s8], $0x2000  }
0xa8: {  	[sflag:s8] =	ssyncset.done $0x0  }
0xa9: {  	[sflag:s8] =	ssyncadd.s32 $0xFFFFE000  }
0xaa: {  	_ =	swait.ge [sflag:s8], $0x2000  }
0xab: {  	[sflag:s8] =	ssyncset.done $0x0  }
0xac: {  	s18 =	rddreg [dreg:$0x4];
	[sflag:s8] =	ssyncadd.s32 $0xFFFFE000  }
0xad: {  	[hbm4b:s18+s2] =	stream.linear.scatter [tilespmem:s3], [sflag:$0x4], $0x8000, $0x38;
	[tilespmem:$0x11000] =	vst v63  }
0xae: {  	_ =	swait.ge [sflag:s7], $0x8000  }
0xaf: {  	[sflag:s7] =	ssyncset.done $0x0  }
0xb0: {  	[sflag:s7] =	ssyncadd.s32 $0xFFFF8000  }
0xb1: {  	[tilespmem:s3], [sflag:$0x2] =	stream.indirect.gather [hbm4b:s4+s9], $0x20, s19, s9, $0xb8;
	[tilespmem:$0x11000] =	vst v63  }
0xb2: {  	_ = 	snop  }
0xb3: {  	[tilespmem:s11], [sflag:$0x2] =	stream.indirect.gather [hbm4b:s4+s9], $0x20, s20, s9, $0xb8;
	[tilespmem:$0x11000] =	vst v63  }
0xb4: {  	_ = 	snop  }
0xb5: {  	[tilespmem:s13], [sflag:$0x2] =	stream.indirect.gather [hbm4b:s4+s9], $0x20, s21, s9, $0xb8;
	[tilespmem:$0x11000] =	vst v63  }
0xb6: {  	_ = 	snop  }
0xb7: {  	[tilespmem:s14], [sflag:$0x2] =	stream.indirect.gather [hbm4b:s4+s9], $0x20, s22, s9, $0xb8;
	[tilespmem:$0x11000] =	vst v63  }
0xb8: {  	_ =	swait.ge [sflag:s10], $0x2000  }
0xb9: {  	[sflag:s10] =	ssyncset.done $0x0  }
0xba: {  	[sflag:s10] =	ssyncadd.s32 $0xFFFFE000  }
0xbb: {  	_ =	swait.ge [sflag:s10], $0x2000  }
0xbc: {  	[sflag:s10] =	ssyncset.done $0x0  }
0xbd: {  	[sflag:s10] =	ssyncadd.s32 $0xFFFFE000  }
0xbe: {  	_ =	swait.ge [sflag:s10], $0x2000  }
0xbf: {  	[sflag:s10] =	ssyncset.done $0x0  }
0xc0: {  	[sflag:s10] =	ssyncadd.s32 $0xFFFFE000  }
0xc1: {  	_ =	swait.ge [sflag:s10], $0x2000  }
0xc2: {  	[sflag:s10] =	ssyncset.done $0x0  }
0xc3: {  	s18 =	rddreg [dreg:$0x5];
	[sflag:s10] =	ssyncadd.s32 $0xFFFFE000  }
0xc4: {  	[hbm4b:s18+s2] =	stream.linear.scatter [tilespmem:s5], [sflag:$0x3], $0x8000, $0x38;
	[tilespmem:$0x11000] =	vst v63  }
0xc5: {  	_ =	swait.ge [sflag:s8], $0x2000  }
0xc6: {  	[sflag:s8] =	ssyncset.done $0x0  }
0xc7: {  	[sflag:s8] =	ssyncadd.s32 $0xFFFFE000  }
0xc8: {  	_ =	swait.ge [sflag:s8], $0x2000  }
0xc9: {  	[sflag:s8] =	ssyncset.done $0x0  }
0xca: {  	[sflag:s8] =	ssyncadd.s32 $0xFFFFE000  }
0xcb: {  	_ =	swait.ge [sflag:s8], $0x2000  }
0xcc: {  	[sflag:s8] =	ssyncset.done $0x0  }
0xcd: {  	[sflag:s8] =	ssyncadd.s32 $0xFFFFE000  }
0xce: {  	_ =	swait.ge [sflag:s8], $0x2000  }
0xcf: {  	[sflag:s8] =	ssyncset.done $0x0  }
0xd0: {  	p1 =	sne.s32 s1, $0x1;
	s18 =	rddreg [dreg:$0x6];
	[sflag:s8] =	ssyncadd.s32 $0xFFFFE000  }
0xd1: {  	[hbm4b:s18+s2] =	stream.linear.scatter [tilespmem:s3], [sflag:$0x4], $0x8000, $0x38;
	[tilespmem:$0x11000] =	vst v63  }
.Ltmp2:
0xd2: {  	_ =	swait.ge [sflag:s6], $0x8000;
	(pc) =	sbr.rel @p1 .LBB2_4-.Ltmp2, $4  }
0xd3: {  	[sflag:s6] =	ssyncset.done $0x0  }
0xd4: {  	[sflag:s6] =	ssyncadd.s32 $0xFFFF8000  }
0xd5: {  	_ =	swait.ge [sflag:s7], $0x8000  }
0xd6: {  	s1 =	sadd.s32 $0xFFFFFFFF, s1;
	s0 =	rddreg [dreg:$0x3];
	[sflag:s7] =	ssyncset.done $0x0  }
0xd7: {  	s18 =	simm.s32 $0x700;
	s31 =	simm.s32 $0x600;
	s30 =	simm.s32 $0x500  }
0xd8: {  	s29 =	simm.s32 $0x400;
	s28 =	simm.s32 $0xB00;
	s25 =	simm.s32 $0xA00  }
0xd9: {  	s24 =	simm.s32 $0x900;
	s23 =	simm.s32 $0x800;
	s22 =	simm.s32 $0xF00  }
0xda: {  	s21 =	simm.s32 $0xE00;
	s20 =	simm.s32 $0xD00;
	s19 =	simm.s32 $0xC00  }
.LBB2_6:
0xdb: {  	[sflag:s7] =	ssyncadd.s32 @p0 $0xFFFF8000  }
0xdc: {  	[tilespmem:s2], [sflag:$0x5] =	stream.linear.gather [hbm4b:s0+s2], $0x1000, $0x38;
	[tilespmem:$0x11000] =	vst v63  }
0xdd: {  	_ =	swait.ge [sflag:s26], $0x1000  }
0xde: {  	[sflag:s26] =	ssyncset.done $0x0  }
0xdf: {  	[sflag:s26] =	ssyncadd.s32 $0xFFFFF000  }
0xe0: {  	[tilespmem:s5], [sflag:$0x1] =	stream.indirect.gather [hbm4b:s4+s9], $0x20, s2, s9, $0xb8;
	[tilespmem:$0x11000] =	vst v63  }
0xe1: {  	_ = 	snop  }
0xe2: {  	[tilespmem:s15], [sflag:$0x1] =	stream.indirect.gather [hbm4b:s4+s9], $0x20, s9, s9, $0xb8;
	[tilespmem:$0x11000] =	vst v63  }
0xe3: {  	s26 =	rddreg [dreg:$0x7]  }
0xe4: {  	[tilespmem:s16], [sflag:$0x1] =	stream.indirect.gather [hbm4b:s4+s9], $0x20, s26, s9, $0xb8;
	[tilespmem:$0x11000] =	vst v63  }
0xe5: {  	s1 =	rddreg [dreg:$0x8]  }
0xe6: {  	[tilespmem:s17], [sflag:$0x1] =	stream.indirect.gather [hbm4b:s4+s9], $0x20, s1, s9, $0xb8;
	[tilespmem:$0x11000] =	vst v63  }
0xe7: {  	_ = 	snop  }
0xe8: {  	[tilespmem:s3], [sflag:$0x2] =	stream.indirect.gather [hbm4b:s4+s9], $0x20, s29, s9, $0xb8;
	[tilespmem:$0x11000] =	vst v63  }
0xe9: {  	_ = 	snop  }
0xea: {  	[tilespmem:s11], [sflag:$0x2] =	stream.indirect.gather [hbm4b:s4+s9], $0x20, s30, s9, $0xb8;
	[tilespmem:$0x11000] =	vst v63  }
0xeb: {  	_ = 	snop  }
0xec: {  	[tilespmem:s13], [sflag:$0x2] =	stream.indirect.gather [hbm4b:s4+s9], $0x20, s31, s9, $0xb8;
	[tilespmem:$0x11000] =	vst v63  }
0xed: {  	_ = 	snop  }
0xee: {  	[tilespmem:s14], [sflag:$0x2] =	stream.indirect.gather [hbm4b:s4+s9], $0x20, s18, s9, $0xb8;
	[tilespmem:$0x11000] =	vst v63  }
0xef: {  	_ =	swait.ge [sflag:s10], $0x2000  }
0xf0: {  	[sflag:s10] =	ssyncset.done $0x0  }
0xf1: {  	[sflag:s10] =	ssyncadd.s32 $0xFFFFE000  }
0xf2: {  	_ =	swait.ge [sflag:s10], $0x2000  }
0xf3: {  	[sflag:s10] =	ssyncset.done $0x0  }
0xf4: {  	[sflag:s10] =	ssyncadd.s32 $0xFFFFE000  }
0xf5: {  	_ =	swait.ge [sflag:s10], $0x2000  }
0xf6: {  	[sflag:s10] =	ssyncset.done $0x0  }
0xf7: {  	[sflag:s10] =	ssyncadd.s32 $0xFFFFE000  }
0xf8: {  	_ =	swait.ge [sflag:s10], $0x2000  }
0xf9: {  	[sflag:s10] =	ssyncset.done $0x0  }
0xfa: {  	[sflag:s10] =	ssyncadd.s32 $0xFFFFE000  }
0xfb: {  	[hbm4b:s12+s2] =	stream.linear.scatter [tilespmem:s5], [sflag:$0x3], $0x8000, $0x38;
	[tilespmem:$0x11000] =	vst v63  }
0xfc: {  	_ =	swait.ge [sflag:s6], $0x8000  }
0xfd: {  	[sflag:s6] =	ssyncset.done $0x0  }
0xfe: {  	[sflag:s6] =	ssyncadd.s32 $0xFFFF8000  }
0xff: {  	[tilespmem:s5], [sflag:$0x1] =	stream.indirect.gather [hbm4b:s4+s9], $0x20, s23, s9, $0xb8;
	[tilespmem:$0x11000] =	vst v63  }
0x100: {  	_ = 	snop  }
0x101: {  	[tilespmem:s15], [sflag:$0x1] =	stream.indirect.gather [hbm4b:s4+s9], $0x20, s24, s9, $0xb8;
	[tilespmem:$0x11000] =	vst v63  }
0x102: {  	_ = 	snop  }
0x103: {  	[tilespmem:s16], [sflag:$0x1] =	stream.indirect.gather [hbm4b:s4+s9], $0x20, s25, s9, $0xb8;
	[tilespmem:$0x11000] =	vst v63  }
0x104: {  	_ = 	snop  }
0x105: {  	[tilespmem:s17], [sflag:$0x1] =	stream.indirect.gather [hbm4b:s4+s9], $0x20, s28, s9, $0xb8;
	[tilespmem:$0x11000] =	vst v63  }
0x106: {  	_ =	swait.ge [sflag:s8], $0x2000  }
0x107: {  	[sflag:s8] =	ssyncset.done $0x0  }
0x108: {  	[sflag:s8] =	ssyncadd.s32 $0xFFFFE000  }
0x109: {  	_ =	swait.ge [sflag:s8], $0x2000  }
0x10a: {  	[sflag:s8] =	ssyncset.done $0x0  }
0x10b: {  	[sflag:s8] =	ssyncadd.s32 $0xFFFFE000  }
0x10c: {  	_ =	swait.ge [sflag:s8], $0x2000  }
0x10d: {  	[sflag:s8] =	ssyncset.done $0x0  }
0x10e: {  	[sflag:s8] =	ssyncadd.s32 $0xFFFFE000  }
0x10f: {  	_ =	swait.ge [sflag:s8], $0x2000  }
0x110: {  	[sflag:s8] =	ssyncset.done $0x0  }
0x111: {  	s28 =	rddreg [dreg:$0x4];
	[sflag:s8] =	ssyncadd.s32 $0xFFFFE000  }
0x112: {  	[hbm4b:s28+s2] =	stream.linear.scatter [tilespmem:s3], [sflag:$0x4], $0x8000, $0x38;
	[tilespmem:$0x11000] =	vst v63  }
0x113: {  	_ =	swait.ge [sflag:s7], $0x8000  }
0x114: {  	[sflag:s7] =	ssyncset.done $0x0  }
0x115: {  	[sflag:s7] =	ssyncadd.s32 $0xFFFF8000  }
0x116: {  	[tilespmem:s3], [sflag:$0x2] =	stream.indirect.gather [hbm4b:s4+s9], $0x20, s19, s9, $0xb8;
	[tilespmem:$0x11000] =	vst v63  }
0x117: {  	_ = 	snop  }
0x118: {  	[tilespmem:s11], [sflag:$0x2] =	stream.indirect.gather [hbm4b:s4+s9], $0x20, s20, s9, $0xb8;
	[tilespmem:$0x11000] =	vst v63  }
0x119: {  	_ = 	snop  }
0x11a: {  	[tilespmem:s13], [sflag:$0x2] =	stream.indirect.gather [hbm4b:s4+s9], $0x20, s21, s9, $0xb8;
	[tilespmem:$0x11000] =	vst v63  }
0x11b: {  	_ = 	snop  }
0x11c: {  	[tilespmem:s14], [sflag:$0x2] =	stream.indirect.gather [hbm4b:s4+s9], $0x20, s22, s9, $0xb8;
	[tilespmem:$0x11000] =	vst v63  }
0x11d: {  	_ =	swait.ge [sflag:s10], $0x2000  }
0x11e: {  	[sflag:s10] =	ssyncset.done $0x0  }
0x11f: {  	[sflag:s10] =	ssyncadd.s32 $0xFFFFE000  }
0x120: {  	_ =	swait.ge [sflag:s10], $0x2000  }
0x121: {  	[sflag:s10] =	ssyncset.done $0x0  }
0x122: {  	[sflag:s10] =	ssyncadd.s32 $0xFFFFE000  }
0x123: {  	_ =	swait.ge [sflag:s10], $0x2000  }
0x124: {  	[sflag:s10] =	ssyncset.done $0x0  }
0x125: {  	[sflag:s10] =	ssyncadd.s32 $0xFFFFE000  }
0x126: {  	_ =	swait.ge [sflag:s10], $0x2000  }
0x127: {  	[sflag:s10] =	ssyncset.done $0x0  }
0x128: {  	s29 =	rddreg [dreg:$0x5];
	[sflag:s10] =	ssyncadd.s32 $0xFFFFE000  }
0x129: {  	[hbm4b:s29+s2] =	stream.linear.scatter [tilespmem:s5], [sflag:$0x3], $0x8000, $0x38;
	[tilespmem:$0x11000] =	vst v63  }
0x12a: {  	_ =	swait.ge [sflag:s8], $0x2000  }
0x12b: {  	[sflag:s8] =	ssyncset.done $0x0  }
0x12c: {  	[sflag:s8] =	ssyncadd.s32 $0xFFFFE000  }
0x12d: {  	_ =	swait.ge [sflag:s8], $0x2000  }
0x12e: {  	[sflag:s8] =	ssyncset.done $0x0  }
0x12f: {  	[sflag:s8] =	ssyncadd.s32 $0xFFFFE000  }
0x130: {  	_ =	swait.ge [sflag:s8], $0x2000  }
0x131: {  	[sflag:s8] =	ssyncset.done $0x0  }
0x132: {  	[sflag:s8] =	ssyncadd.s32 $0xFFFFE000  }
0x133: {  	_ =	swait.ge [sflag:s8], $0x2000  }
0x134: {  	[sflag:s8] =	ssyncset.done $0x0  }
0x135: {  	s30 =	rddreg [dreg:$0x6];
	[sflag:s8] =	ssyncadd.s32 $0xFFFFE000  }
0x136: {  	[hbm4b:s30+s2] =	stream.linear.scatter [tilespmem:s3], [sflag:$0x4], $0x8000, $0x38;
	[tilespmem:$0x11000] =	vst v63  }
0x137: {  	_ =	swait.ge [sflag:s6], $0x8000  }
0x138: {  	[sflag:s6] =	ssyncset.done $0x0  }
0x139: {  	[sflag:s6] =	ssyncadd.s32 $0xFFFF8000  }
0x13a: {  	_ =	swait.ge [sflag:s7], $0x8000  }
0x13b: {  	[sflag:s7] =	ssyncset.done $0x0  }
0x13c: {  	[sflag:s7] =	ssyncadd.s32 $0xFFFF8000  }
0x13d: {  	_ =	sfence.sel $0x180000  }
0x13e: {  	[bflag:$0x0] =	sbarrier.arrive $0xFFFF  }
0x13f: {  	_ =	strace $0x9000004A  }
0x140: {  	s31 =	stileid.u32;
	[bflag:$0x2] =	sbarrier.arrive $0xFFFF  }
0x141: {  	p0 =	sne.s32 s31, $0x0;
	s0 =	rddreg [dreg:$0x2]  }
0x142: {  	s0 =	sadd.s32 @!p0 $0x100000, s0  }
0x143: {  	[sflag:s0] =	ssyncadd.tile.s32 @!p0 $0x1;
	_ =	shalt  }
.LBB2_1:
.Ltmp3:
0x144: {  	(pc) =	sbr.rel .LBB2_6-.Ltmp3, $4  }
0x145: {  	s18 =	simm.s32 $0x700;
	s31 =	simm.s32 $0x600;
	s30 =	simm.s32 $0x500  }
0x146: {  	s29 =	simm.s32 $0x400;
	s28 =	simm.s32 $0xB00;
	s25 =	simm.s32 $0xA00  }
0x147: {  	s24 =	simm.s32 $0x900;
	s23 =	simm.s32 $0x800;
	s22 =	simm.s32 $0xF00  }
0x148: {  	s21 =	simm.s32 $0xE00;
	s20 =	simm.s32 $0xD00;
	s19 =	simm.s32 $0xC00  }
.LBB2_3:
.Ltmp4:
0x149: {  	(pc) =	sbr.rel .LBB2_6-.Ltmp4, $4  }
0x14a: {  	s18 =	simm.s32 $0x700;
	s31 =	simm.s32 $0x600;
	s30 =	simm.s32 $0x500  }
0x14b: {  	s29 =	simm.s32 $0x400;
	s28 =	simm.s32 $0xB00;
	s25 =	simm.s32 $0xA00  }
0x14c: {  	s24 =	simm.s32 $0x900;
	s23 =	simm.s32 $0x800;
	s22 =	simm.s32 $0xF00  }
0x14d: {  	s21 =	simm.s32 $0xE00;
	s20 =	simm.s32 $0xD00;
	s19 =	simm.s32 $0xC00  }
.Lfunc_end2:
_tile_overlayer_lowered:
.L_overlay_start_2:
0x14e: {  	(tag) =	ssettag $0x2  }
0x14f: {  	s0 =	rddreg [dreg:$0x0];
	s2 =	stileid.u32  }
0x150: {  	s1 =	rddreg [dreg:$0x1];
	p0 =	sne.s32 s2, $0x0  }
0x151: {  	s3 =	rddreg [dreg:$0x2];
	[bflag:$0x3] =	sbarrier.arrive $0xFFFF;
	s2 =	simm.s32 @!p0 $0x1C05  }
0x152: {  	[timem:s3], [sflag:s2] =	dma.local @!p0 [hbm:s0], s1  }
0x153: {  	s0 =	simm.s32 @!p0 $0x5  }
0x154: {  	_ =	swait.ge @!p0 [sflag:s0], s1  }
0x155: {  	s1 =	ssub.s32 @!p0 $0x0, s1;
	[sflag:s0] =	ssyncset.done @!p0 $0x0  }
0x156: {  	[sflag:s0] =	ssyncadd.s32 @!p0 s1  }
0x157: {  	[bflag:$0x3] =	sbarrier.arrive $0xFFFF  }
0x158: {  	_ =	shalt  }

// kernel: kernel.9.cloned.1.call-start
scs
__scs_entry_jumppad:
0x0: {  	(pc) =	sbr.rel $0x88, $3  }
0x1: {  	(tag) =	ssettag $0x0;
	lr =	simm.s32 $0x1  }
0x2: {  	[smem:$0x3F9F] =	sst lr;
	_ =	strace $0xD0000000  }
0x3: {  	_ = 	snop  }
0x4: {  	_ = 	snop  }
0x5: {  	_ = 	snop  }
0x6: {  	_ = 	snop  }
0x7: {  	_ = 	snop  }
__scs_overlays_trampoline_lowered:
0x8: {  	[smem:$0x3FAE] =	sst s0  }
0x9: {  	[smem:$0x3FAF] =	sst s1  }
0xa: {  	[smem:$0x3FB0] =	sst s2  }
0xb: {  	[smem:$0x3FB1] =	sst s3  }
0xc: {  	[smem:$0x3FB2] =	sst s4  }
0xd: {  	[smem:$0x3FB3] =	sst s5  }
0xe: {  	[smem:$0x3FB4] =	sst s6  }
0xf: {  	[smem:$0x3FB5] =	sst s7  }
0x10: {  	[smem:$0x3FB6] =	sst s8  }
0x11: {  	[smem:$0x3FB7] =	sst s9;
	s0 =	simm.s32 @!p0 $0x0  }
0x12: {  	s1 =	sld [smem:$0x3F9D];
	s0 =	simm.s32 @p0 $0x1  }
0x13: {  	[smem:$0x3FB8] =	sst s0;
	s0 =	simm.s32 @!p1 $0x0  }
0x14: {  	s2 =	sld [smem:$0x3F9C];
	s0 =	simm.s32 @p1 $0x1  }
0x15: {  	[smem:$0x3FB9] =	sst s0;
	s0 =	simm.s32 @!p2 $0x0  }
0x16: {  	s3 =	sld [smem:$0x3FDB];
	s0 =	simm.s32 @p2 $0x1  }
0x17: {  	s4 =	simm.s32 $0x1BF5;
	[smem:$0x3FBB] =	sst s0  }
0x18: {  	s0 =	sld [smem:$0x3F9E];
	_ =	swait.ge [sflag:s4], $0x0  }
0x19: {  	s7 =	sld [smem:$0x3F9F]  }
0x1a: {  	s8 =	sadd.s32 $0xFFFFE003, lr  }
0x1b: {  	s9 =	sadd.s32 $0xFFFFFEF7, lr;
	s5 =	simm.s32 $0xFFFFFFFF;
	p2 =	slt.u32 s8, $0xFFFFF086  }
0x1c: {  	p1 =	slt.u32 s9, $0xF7A;
	s5 =	simm.s32 @!p2 $0x0  }
0x1d: {  	s5 =	simm.s32 @p1 $0x1;
	p0 =	seq.s32 s7, s2  }
0x1e: {  	s7 =	smul.u32 @!p0 $0xF7A, s2;
	p2 =	seq.s32 @!p0 s5, $0x0  }
0x1f: {  	s9 =	smul.u32 $0xF7A, s1;
	s8 =	simm.s32 @!p0 $0x1BF5;
	p2 =	por !p2, p0  }
0x20: {  	[sflag:s8] =	ssyncset.s32 @!p0 $0xFFFFF086;
	s6 =	sadd.s32 @!p0 s3, s7;
	s7 =	simm.s32 @!p0 $0x108  }
0x21: {  	s3 =	sadd.s32 s3, s9;
	s6 =	sadd.s32 @!p0 $0x88, s6;
	s7 =	simm.s32 @p2 $0x1082  }
0x22: {  	[simem:s7], [sflag:s8] =	dma.local @!p0 [hbm:s6], $0xF7A  }
0x23: {  	s9 =	sor.u32 $0xD0000000, s2;
	s6 =	simm.s32 $0x108;
	_ =	swait.ge @!p0 [sflag:s8], $0x0  }
0x24: {  	s3 =	sadd.s32 $0x88, s3;
	s6 =	simm.s32 @!p1 $0x1082;
	[sflag:s4] =	ssyncset.s32 $0xFFFFF086  }
0x25: {  	[simem:s6], [sflag:s4] =	dma.local [hbm:s3], $0xF7A  }
0x26: {  	[smem:$0x3F9F] =	sst s1;
	(tag) =	ssettag s2;
	_ =	strace s9  }
0x27: {  	s1 =	sld [smem:$0x3FAF]  }
0x28: {  	s2 =	sld [smem:$0x3FB0]  }
0x29: {  	s4 =	sld [smem:$0x3FB2]  }
0x2a: {  	p0 =	seq.s32 s5, $0x0;
	s5 =	sld [smem:$0x3FB3]  }
0x2b: {  	s6 =	sld [smem:$0x3FB4]  }
0x2c: {  	s7 =	sld [smem:$0x3FB5]  }
0x2d: {  	s3 =	simm.s32 $0x108;
	s8 =	sld [smem:$0x3FB6]  }
0x2e: {  	s3 =	simm.s32 @!p0 $0x1082;
	s9 =	sld [smem:$0x3FB7]  }
0x2f: {  	lr =	sadd.s32 s0, s3;
	s0 =	sld [smem:$0x3FAE]  }
0x30: {  	s3 =	sld [smem:$0x3FB1]  }
0x31: {  	[smem:$0x3FBA] =	sst s10  }
0x32: {  	s10 =	sld [smem:$0x3FB8];
	_ =	sdelay $0x3  }
0x33: {  	p0 =	seq.s32 s10, $0x1;
	s10 =	sld [smem:$0x3FBA];
	_ =	sdelay $0x3  }
0x34: {  	[smem:$0x3FBA] =	sst s10  }
0x35: {  	s10 =	sld [smem:$0x3FB9];
	_ =	sdelay $0x3  }
0x36: {  	p1 =	seq.s32 s10, $0x1;
	s10 =	sld [smem:$0x3FBA];
	_ =	sdelay $0x3  }
0x37: {  	[smem:$0x3FBA] =	sst s10  }
0x38: {  	s10 =	sld [smem:$0x3FBB]  }
0x39: {  	_ = 	snop;
	(pc) =	sbr.ind lr, $3  }
0x3a: {  	_ = 	snop  }
0x3b: {  	_ = 	snop  }
0x3c: {  	p2 =	seq.s32 s10, $0x1;
	s10 =	sld [smem:$0x3FBA]  }
0x3d: {  	_ =	shalt  }
0x3e: {  	_ =	shalt  }
0x3f: {  	_ =	shalt  }
0x40: {  	_ =	shalt  }
0x41: {  	_ =	shalt  }
0x42: {  	_ =	shalt  }
0x43: {  	_ =	shalt  }
0x44: {  	_ =	shalt  }
0x45: {  	_ =	shalt  }
0x46: {  	_ =	shalt  }
0x47: {  	_ =	shalt  }
0x48: {  	_ =	shalt  }
0x49: {  	_ =	shalt  }
0x4a: {  	_ =	shalt  }
0x4b: {  	_ =	shalt  }
0x4c: {  	_ =	shalt  }
0x4d: {  	_ =	shalt  }
0x4e: {  	_ =	shalt  }
0x4f: {  	_ =	shalt  }
0x50: {  	_ =	shalt  }
0x51: {  	_ =	shalt  }
0x52: {  	_ =	shalt  }
0x53: {  	_ =	shalt  }
0x54: {  	_ =	shalt  }
0x55: {  	_ =	shalt  }
0x56: {  	_ =	shalt  }
0x57: {  	_ =	shalt  }
0x58: {  	_ =	shalt  }
0x59: {  	_ =	shalt  }
0x5a: {  	_ =	shalt  }
0x5b: {  	_ =	shalt  }
0x5c: {  	_ =	shalt  }
0x5d: {  	_ =	shalt  }
0x5e: {  	_ =	shalt  }
0x5f: {  	_ =	shalt  }
0x60: {  	_ =	shalt  }
0x61: {  	_ =	shalt  }
0x62: {  	_ =	shalt  }
0x63: {  	_ =	shalt  }
0x64: {  	_ =	shalt  }
0x65: {  	_ =	shalt  }
0x66: {  	_ =	shalt  }
0x67: {  	_ =	shalt  }
0x68: {  	_ =	shalt  }
0x69: {  	_ =	shalt  }
0x6a: {  	_ =	shalt  }
0x6b: {  	_ =	shalt  }
0x6c: {  	_ =	shalt  }
0x6d: {  	_ =	shalt  }
0x6e: {  	_ =	shalt  }
0x6f: {  	_ =	shalt  }
0x70: {  	_ =	shalt  }
0x71: {  	_ =	shalt  }
0x72: {  	_ =	shalt  }
0x73: {  	_ =	shalt  }
0x74: {  	_ =	shalt  }
0x75: {  	_ =	shalt  }
0x76: {  	_ =	shalt  }
0x77: {  	_ =	shalt  }
0x78: {  	_ =	shalt  }
0x79: {  	_ =	shalt  }
0x7a: {  	_ =	shalt  }
0x7b: {  	_ =	shalt  }
0x7c: {  	_ =	shalt  }
0x7d: {  	_ =	shalt  }
0x7e: {  	_ =	shalt  }
0x7f: {  	_ =	shalt  }
0x80: {  	_ =	shalt  }
0x81: {  	_ =	shalt  }
0x82: {  	_ =	shalt  }
0x83: {  	_ =	shalt  }
0x84: {  	_ =	shalt  }
0x85: {  	_ =	shalt  }
0x86: {  	_ =	shalt  }
0x87: {  	_ =	shalt  }
.Lfunc_end0:
.L_simem_size_0:
called_computation.1_lowered:
.L_overlay_start_0:
0x88: {  	s2 =	sld [smem:$0x3FD9]  }
0x89: {  	s3 =	sld [smem:$0x3FFE];
	_ =	sdelay $0x1  }
0x8a: {  	s1 =	srdreg.scid  }
0x8b: {  	s0 =	sand.u32 $0x1, s1  }
0x8c: {  	s16 =	sshll.u32 s0, $0xA;
	s2 =	sadd.s32 s3, s2  }
0x8d: {  	s2 =	sadd.s32 s2, s16  }
0x8e: {  	[smem:$0x3FC6] =	sst s2  }
0x8f: {  	_ = 	snop  }
0x90: {  	(tm) =	ssettm $0x1  }
0x91: {  	s17 =	sld [smem:$0x3FFB];
	_ =	sdelay $0x3  }
0x92: {  	_ =	strace s17  }
0x93: {  	s2 =	sld [smem:$0x3FFC];
	_ =	sdelay $0x3  }
0x94: {  	_ =	strace s2  }
0x95: {  	s2 =	sld [smem:$0x3FFD];
	_ =	sdelay $0x3  }
0x96: {  	_ =	strace s2  }
0x97: {  	_ =	strace $0x8FFFFFFF  }
0x98: {  	s18 =	sld [smem:$0x3FDB];
	_ =	sdelay $0x1  }
0x99: {  	s19 =	simm.s32 $_scs_section_size  }
0x9a: {  	s4 =	simm.s32 $_size__tile_overlayer_lowered;
	s5 =	simm.s32 $_tile_overlayer_lowered  }
0x9b: {  	s22 =	simm.s32 $0x1BFF;
	s21 =	sshll.u32 s5, $0x1;
	s2 =	sadd.s32 s19, s18  }
0x9c: {  	s6 =	simm.s32 $0x0;
	s20 =	sshll.u32 s4, $0x1;
	s4 =	sadd.s32 s21, s2  }
0x9d: {  	[timem:s6], [sflag:s22] =	dma.local [hbm:s4], s20  }
0x9e: {  	_ =	swait.ge [sflag:s22], s20  }
0x9f: {  	s3 =	ssub.s32 $0x0, s20;
	[sflag:s22] =	ssyncset.done $0x0  }
0xa0: {  	[sflag:s22] =	ssyncadd.s32 s3;
	_ =	sdelay $0x1  }
0xa1: {  	s23 =	simm.s32 $0x1B8B  }
0xa2: {  	_ =	swait.ge [sflag:s23], $0x1  }
0xa3: {  	[sflag:s23] =	ssyncset.done $0x0  }
0xa4: {  	s25 =	simm.s32 $0x1B8E;
	s24 =	sld [smem:$0x3FFE];
	[sflag:s23] =	ssyncadd.s32 $0xFFFFFFFF  }
0xa5: {  	s26 =	simm.s32 $execute0_lowered;
	[smem:$0x3FD2] =	sst s25  }
0xa6: {  	s4 =	sshll.u32 s26, $0x1;
	_ =	strace $0x80000046;
	[dreg:$0x1] =	wrdreg $0xFFFFFFFF  }
0xa7: {  	s28 =	simm.s32 $_size_execute0_lowered;
	s2 =	sadd.s32 s2, s4;
	[dreg:$0x0] =	wrdreg $0x0  }
0xa8: {  	s4 =	sshll.u32 s28, $0x1;
	[dreg:$0x2] =	wrdreg s2  }
0xa9: {  	[dreg:$0x3] =	wrdreg s4  }
0xaa: {  	[dreg:$0x4] =	wrdreg $0xC0  }
0xab: {  	_ =	task [dreg:s6], $0x5FFFF  }
0xac: {  	[dreg:$0x1] =	wrdreg $0xFFFFFFFF  }
0xad: {  	[dreg:$0x0] =	wrdreg $0x60  }
0xae: {  	[dreg:$0x2] =	wrdreg s24  }
0xaf: {  	[dreg:$0x3] =	wrdreg $0xA  }
0xb0: {  	_ =	task.clear_ibuf [dreg:s6], $0x4FFFF;
	_ =	strace $0x90000046  }
0xb1: {  	s29 =	simm.s32 $0xA;
	_ =	strace $0x80000048  }
0xb2: {  	_ =	swait.ge [sflag:s29], $0x1  }
0xb3: {  	[sflag:s29] =	ssyncadd.s32 $0xFFFFFFFF  }
0xb4: {  	_ =	strace $0x90000048  }
0xb5: {  	_ =	sfence  }
0xb6: {  	s30 =	sld [smem:$0x0];
	_ =	sdelay $0x2  }
0xb7: {  	s31 =	sshll.u32 s1, $0xD;
	s1 =	sshrl.u32 s1, $0x2  }
0xb8: {  	s3 =	sand.u32 $0x4000, s31;
	s1 =	sadd.s32 s1, s30  }
0xb9: {  	s0 =	sor.u32 s3, s0;
	s1 =	sshll.u32 s1, $0x11  }
0xba: {  	s0 =	sor.u32 s1, s0  }
0xbb: {  	s0 =	sadd.s32 $0x8F2B, s0  }
0xbc: {  	[sflag:s0] =	ssyncadd.remote.s32 $0x1  }
0xbd: {  	_ =	sfence.sel $0xFFFF  }
0xbe: {  	[dreg:$0x0] =	wrdreg $0xFFFFFFFF;
	(pc) =	sbr.abs _section_cstart, $3  }
0xbf: {  	[dreg:$0x1] =	wrdreg $0xFFFFFFFF  }
0xc0: {  	_ =	task.clear_ibuf [dreg:s6], $0x2FFFF;
	_ =	strace $0x9FFFFFFF  }
0xc1: {  	(tm) =	ssettm $0x7FFFFFFF  }
tec
execute0_lowered:
.L_overlay_start_1:
0x0: {  	(tag) =	ssettag $0x1  }
0x1: {  	s0 =	srdreg.scid;
	s1 =	stileid.u32  }
0x2: {  	s3 =	rddreg [dreg:$0x0];
	s2 =	simm.s32 $0x0;
	s9 =	simm.s32 $0x100  }
0x3: {  	s26 =	simm.s32 $0x200;
	s14 =	simm.s32 $0x3000;
	s15 =	simm.s32 $0x5000  }
0x4: {  	s16 =	simm.s32 $0x7000;
	s28 =	simm.s32 $0x400;
	s29 =	simm.s32 $0x500  }
0x5: {  	s11 =	simm.s32 $0xB000;
	s30 =	simm.s32 $0x600;
	s12 =	simm.s32 $0xD000  }
0x6: {  	s31 =	simm.s32 $0x700;
	s13 =	simm.s32 $0xF000;
	s10 =	simm.s32 $0x1  }
0x7: {  	s21 =	simm.s32 $0x800;
	s22 =	simm.s32 $0x900;
	p0 =	por $0x0, $0x0  }
0x8: {  	s8 =	simm.s32 $0x2;
	s6 =	simm.s32 $0x4;
	s17 =	simm.s32 $0xC00  }
0x9: {  	s18 =	simm.s32 $0xD00;
	s19 =	simm.s32 $0xE00;
	s20 =	simm.s32 $0xF00  }
0xa: {  	s0 =	sand.u32 $0x1, s0;
	s1 =	sshll.u32 s1, $0x1;
	[smem:$0x7FF] =	sst s2  }
0xb: {  	s7 =	sadd.s32 $0xE00, s3;
	s1 =	sor.u32 s0, s1;
	_ =	strace $0x80000047  }
0xc: {  	s0 =	ssub.s32 $0x2, s0;
	[dreg:$0x7] =	wrdreg s26;
	s4 =	sshll.u32 s1, $0x9  }
0xd: {  	s1 =	sshll.u32 s1, $0xE;
	s5 =	sshrl.u32 s0, $0x1;
	s4 =	sadd.s32 s4, s3  }
0xe: {  	s1 =	sadd.s32 s1, s3;
	s0 =	ssub.s32 s0, s5;
	s4 =	sadd.s32 $0x1600, s4  }
0xf: {  	s23 =	sadd.s32 $0x5600, s1;
	s0 =	smax.u32 s0, $0x1;
	[dreg:$0x2] =	wrdreg s4  }
0x10: {  	s24 =	sadd.s32 $0x6600, s1;
	[dreg:$0x3] =	wrdreg s23;
	p1 =	sne.s32 s0, $0x1  }
.Ltmp0:
0x11: {  	s25 =	sadd.s32 $0x7600, s1;
	[dreg:$0x4] =	wrdreg s24;
	(pc) =	sbr.rel @!p1 .LBB2_3-.Ltmp0, $4  }
0x12: {  	s26 =	simm.s32 $0x300;
	s1 =	sadd.s32 $0x8600, s1;
	[dreg:$0x5] =	wrdreg s25  }
0x13: {  	s5 =	simm.s32 $0x1000;
	s3 =	simm.s32 $0x9000;
	[dreg:$0x6] =	wrdreg s1  }
0x14: {  	s25 =	simm.s32 $0x5;
	s4 =	simm.s32 $0x3;
	s23 =	simm.s32 $0xA00  }
0x15: {  	s24 =	simm.s32 $0xB00;
	s1 =	sadd.s32 $0xFFFFFFFF, s0;
	s0 =	rddreg [dreg:$0x2]  }
0x16: {  	[tilespmem:s2], [sflag:$0x5] =	stream.linear.gather [hbm4b:s0+s2], $0x1000, $0x38;
	[tilespmem:$0x11000] =	vst v63  }
0x17: {  	_ =	swait.ge [sflag:s25], $0x1000  }
0x18: {  	[sflag:s25] =	ssyncset.done $0x0  }
0x19: {  	[sflag:s25] =	ssyncadd.s32 $0xFFFFF000  }
0x1a: {  	[tilespmem:s5], [sflag:$0x1] =	stream.indirect.gather [hbm4b:s7+s9], $0x20, s2, s9, $0xb8;
	[tilespmem:$0x11000] =	vst v63  }
0x1b: {  	_ = 	snop  }
0x1c: {  	[tilespmem:s14], [sflag:$0x1] =	stream.indirect.gather [hbm4b:s7+s9], $0x20, s9, s9, $0xb8;
	[tilespmem:$0x11000] =	vst v63  }
0x1d: {  	s0 =	rddreg [dreg:$0x7]  }
0x1e: {  	[tilespmem:s15], [sflag:$0x1] =	stream.indirect.gather [hbm4b:s7+s9], $0x20, s0, s9, $0xb8;
	[tilespmem:$0x11000] =	vst v63  }
0x1f: {  	_ = 	snop  }
0x20: {  	[tilespmem:s16], [sflag:$0x1] =	stream.indirect.gather [hbm4b:s7+s9], $0x20, s26, s9, $0xb8;
	[tilespmem:$0x11000] =	vst v63  }
0x21: {  	_ = 	snop  }
0x22: {  	[tilespmem:s3], [sflag:$0x2] =	stream.indirect.gather [hbm4b:s7+s9], $0x20, s28, s9, $0xb8;
	[tilespmem:$0x11000] =	vst v63  }
0x23: {  	_ = 	snop  }
0x24: {  	[tilespmem:s11], [sflag:$0x2] =	stream.indirect.gather [hbm4b:s7+s9], $0x20, s29, s9, $0xb8;
	[tilespmem:$0x11000] =	vst v63  }
0x25: {  	_ = 	snop  }
0x26: {  	[tilespmem:s12], [sflag:$0x2] =	stream.indirect.gather [hbm4b:s7+s9], $0x20, s30, s9, $0xb8;
	[tilespmem:$0x11000] =	vst v63  }
0x27: {  	_ = 	snop  }
0x28: {  	[tilespmem:s13], [sflag:$0x2] =	stream.indirect.gather [hbm4b:s7+s9], $0x20, s31, s9, $0xb8;
	[tilespmem:$0x11000] =	vst v63  }
0x29: {  	_ =	swait.ge [sflag:s10], $0x2000  }
0x2a: {  	[sflag:s10] =	ssyncset.done $0x0  }
0x2b: {  	[sflag:s10] =	ssyncadd.s32 $0xFFFFE000  }
0x2c: {  	_ =	swait.ge [sflag:s10], $0x2000  }
0x2d: {  	[sflag:s10] =	ssyncset.done $0x0  }
0x2e: {  	[sflag:s10] =	ssyncadd.s32 $0xFFFFE000  }
0x2f: {  	_ =	swait.ge [sflag:s10], $0x2000  }
0x30: {  	[sflag:s10] =	ssyncset.done $0x0  }
0x31: {  	[sflag:s10] =	ssyncadd.s32 $0xFFFFE000  }
0x32: {  	_ =	swait.ge [sflag:s10], $0x2000  }
0x33: {  	[sflag:s10] =	ssyncset.done $0x0  }
0x34: {  	s0 =	rddreg [dreg:$0x3];
	[sflag:s10] =	ssyncadd.s32 $0xFFFFE000  }
0x35: {  	[hbm4b:s0+s2] =	stream.linear.scatter [tilespmem:s5], [sflag:$0x3], $0x8000, $0x38;
	[tilespmem:$0x11000] =	vst v63  }
0x36: {  	_ =	swait.ge [sflag:s4], $0x8000  }
0x37: {  	[sflag:s4] =	ssyncset.done $0x0  }
0x38: {  	[sflag:s4] =	ssyncadd.s32 $0xFFFF8000  }
0x39: {  	[tilespmem:s5], [sflag:$0x1] =	stream.indirect.gather [hbm4b:s7+s9], $0x20, s21, s9, $0xb8;
	[tilespmem:$0x11000] =	vst v63  }
0x3a: {  	_ = 	snop  }
0x3b: {  	[tilespmem:s14], [sflag:$0x1] =	stream.indirect.gather [hbm4b:s7+s9], $0x20, s22, s9, $0xb8;
	[tilespmem:$0x11000] =	vst v63  }
0x3c: {  	_ = 	snop  }
0x3d: {  	[tilespmem:s15], [sflag:$0x1] =	stream.indirect.gather [hbm4b:s7+s9], $0x20, s23, s9, $0xb8;
	[tilespmem:$0x11000] =	vst v63  }
0x3e: {  	_ = 	snop  }
0x3f: {  	[tilespmem:s16], [sflag:$0x1] =	stream.indirect.gather [hbm4b:s7+s9], $0x20, s24, s9, $0xb8;
	[tilespmem:$0x11000] =	vst v63  }
0x40: {  	_ =	swait.ge [sflag:s8], $0x2000  }
0x41: {  	[sflag:s8] =	ssyncset.done $0x0  }
0x42: {  	[sflag:s8] =	ssyncadd.s32 $0xFFFFE000  }
0x43: {  	_ =	swait.ge [sflag:s8], $0x2000  }
0x44: {  	[sflag:s8] =	ssyncset.done $0x0  }
0x45: {  	[sflag:s8] =	ssyncadd.s32 $0xFFFFE000  }
0x46: {  	_ =	swait.ge [sflag:s8], $0x2000  }
0x47: {  	[sflag:s8] =	ssyncset.done $0x0  }
0x48: {  	[sflag:s8] =	ssyncadd.s32 $0xFFFFE000  }
0x49: {  	_ =	swait.ge [sflag:s8], $0x2000  }
0x4a: {  	[sflag:s8] =	ssyncset.done $0x0  }
0x4b: {  	s0 =	rddreg [dreg:$0x4];
	[sflag:s8] =	ssyncadd.s32 $0xFFFFE000  }
0x4c: {  	[hbm4b:s0+s2] =	stream.linear.scatter [tilespmem:s3], [sflag:$0x4], $0x8000, $0x38;
	[tilespmem:$0x11000] =	vst v63  }
0x4d: {  	_ =	swait.ge [sflag:s6], $0x8000  }
0x4e: {  	[sflag:s6] =	ssyncset.done $0x0  }
0x4f: {  	[sflag:s6] =	ssyncadd.s32 $0xFFFF8000  }
0x50: {  	[tilespmem:s3], [sflag:$0x2] =	stream.indirect.gather [hbm4b:s7+s9], $0x20, s17, s9, $0xb8;
	[tilespmem:$0x11000] =	vst v63  }
0x51: {  	_ = 	snop  }
0x52: {  	[tilespmem:s11], [sflag:$0x2] =	stream.indirect.gather [hbm4b:s7+s9], $0x20, s18, s9, $0xb8;
	[tilespmem:$0x11000] =	vst v63  }
0x53: {  	_ = 	snop  }
0x54: {  	[tilespmem:s12], [sflag:$0x2] =	stream.indirect.gather [hbm4b:s7+s9], $0x20, s19, s9, $0xb8;
	[tilespmem:$0x11000] =	vst v63  }
0x55: {  	_ = 	snop  }
0x56: {  	[tilespmem:s13], [sflag:$0x2] =	stream.indirect.gather [hbm4b:s7+s9], $0x20, s20, s9, $0xb8;
	[tilespmem:$0x11000] =	vst v63  }
0x57: {  	_ =	swait.ge [sflag:s10], $0x2000  }
0x58: {  	[sflag:s10] =	ssyncset.done $0x0  }
0x59: {  	[sflag:s10] =	ssyncadd.s32 $0xFFFFE000  }
0x5a: {  	_ =	swait.ge [sflag:s10], $0x2000  }
0x5b: {  	[sflag:s10] =	ssyncset.done $0x0  }
0x5c: {  	[sflag:s10] =	ssyncadd.s32 $0xFFFFE000  }
0x5d: {  	_ =	swait.ge [sflag:s10], $0x2000  }
0x5e: {  	[sflag:s10] =	ssyncset.done $0x0  }
0x5f: {  	[sflag:s10] =	ssyncadd.s32 $0xFFFFE000  }
0x60: {  	_ =	swait.ge [sflag:s10], $0x2000  }
0x61: {  	[sflag:s10] =	ssyncset.done $0x0  }
0x62: {  	s0 =	rddreg [dreg:$0x5];
	[sflag:s10] =	ssyncadd.s32 $0xFFFFE000  }
0x63: {  	[hbm4b:s0+s2] =	stream.linear.scatter [tilespmem:s5], [sflag:$0x3], $0x8000, $0x38;
	[tilespmem:$0x11000] =	vst v63  }
0x64: {  	_ =	swait.ge [sflag:s8], $0x2000  }
0x65: {  	[sflag:s8] =	ssyncset.done $0x0  }
0x66: {  	[sflag:s8] =	ssyncadd.s32 $0xFFFFE000  }
0x67: {  	_ =	swait.ge [sflag:s8], $0x2000  }
0x68: {  	[sflag:s8] =	ssyncset.done $0x0  }
0x69: {  	[sflag:s8] =	ssyncadd.s32 $0xFFFFE000  }
0x6a: {  	_ =	swait.ge [sflag:s8], $0x2000  }
0x6b: {  	[sflag:s8] =	ssyncset.done $0x0  }
0x6c: {  	[sflag:s8] =	ssyncadd.s32 $0xFFFFE000  }
0x6d: {  	_ =	swait.ge [sflag:s8], $0x2000  }
0x6e: {  	[sflag:s8] =	ssyncset.done $0x0  }
0x6f: {  	p1 =	sne.s32 s1, $0x1;
	s0 =	rddreg [dreg:$0x6];
	[sflag:s8] =	ssyncadd.s32 $0xFFFFE000  }
0x70: {  	[hbm4b:s0+s2] =	stream.linear.scatter [tilespmem:s3], [sflag:$0x4], $0x8000, $0x38;
	[tilespmem:$0x11000] =	vst v63  }
.Ltmp1:
0x71: {  	_ =	swait.ge [sflag:s4], $0x8000;
	(pc) =	sbr.rel @!p1 .LBB2_3-.Ltmp1, $4  }
0x72: {  	[sflag:s4] =	ssyncset.done $0x0  }
0x73: {  	[sflag:s4] =	ssyncadd.s32 $0xFFFF8000  }
0x74: {  	s1 =	sadd.s32 $0xFFFFFFFF, s1;
	_ =	swait.ge [sflag:s6], $0x8000  }
0x75: {  	p0 =	por $0x1, $0x1;
	s0 =	rddreg [dreg:$0x2];
	[sflag:s6] =	ssyncset.done $0x0  }
.LBB2_2:
0x76: {  	[sflag:s6] =	ssyncadd.s32 $0xFFFF8000  }
0x77: {  	[tilespmem:s2], [sflag:$0x5] =	stream.linear.gather [hbm4b:s0+s2], $0x1000, $0x38;
	[tilespmem:$0x11000] =	vst v63  }
0x78: {  	_ =	swait.ge [sflag:s25], $0x1000  }
0x79: {  	[sflag:s25] =	ssyncset.done $0x0  }
0x7a: {  	[sflag:s25] =	ssyncadd.s32 $0xFFFFF000  }
0x7b: {  	[tilespmem:s5], [sflag:$0x1] =	stream.indirect.gather [hbm4b:s7+s9], $0x20, s2, s9, $0xb8;
	[tilespmem:$0x11000] =	vst v63  }
0x7c: {  	_ = 	snop  }
0x7d: {  	[tilespmem:s14], [sflag:$0x1] =	stream.indirect.gather [hbm4b:s7+s9], $0x20, s9, s9, $0xb8;
	[tilespmem:$0x11000] =	vst v63  }
0x7e: {  	s0 =	rddreg [dreg:$0x7]  }
0x7f: {  	[tilespmem:s15], [sflag:$0x1] =	stream.indirect.gather [hbm4b:s7+s9], $0x20, s0, s9, $0xb8;
	[tilespmem:$0x11000] =	vst v63  }
0x80: {  	_ = 	snop  }
0x81: {  	[tilespmem:s16], [sflag:$0x1] =	stream.indirect.gather [hbm4b:s7+s9], $0x20, s26, s9, $0xb8;
	[tilespmem:$0x11000] =	vst v63  }
0x82: {  	_ = 	snop  }
0x83: {  	[tilespmem:s3], [sflag:$0x2] =	stream.indirect.gather [hbm4b:s7+s9], $0x20, s28, s9, $0xb8;
	[tilespmem:$0x11000] =	vst v63  }
0x84: {  	_ = 	snop  }
0x85: {  	[tilespmem:s11], [sflag:$0x2] =	stream.indirect.gather [hbm4b:s7+s9], $0x20, s29, s9, $0xb8;
	[tilespmem:$0x11000] =	vst v63  }
0x86: {  	_ = 	snop  }
0x87: {  	[tilespmem:s12], [sflag:$0x2] =	stream.indirect.gather [hbm4b:s7+s9], $0x20, s30, s9, $0xb8;
	[tilespmem:$0x11000] =	vst v63  }
0x88: {  	_ = 	snop  }
0x89: {  	[tilespmem:s13], [sflag:$0x2] =	stream.indirect.gather [hbm4b:s7+s9], $0x20, s31, s9, $0xb8;
	[tilespmem:$0x11000] =	vst v63  }
0x8a: {  	_ =	swait.ge [sflag:s10], $0x2000  }
0x8b: {  	[sflag:s10] =	ssyncset.done $0x0  }
0x8c: {  	[sflag:s10] =	ssyncadd.s32 $0xFFFFE000  }
0x8d: {  	_ =	swait.ge [sflag:s10], $0x2000  }
0x8e: {  	[sflag:s10] =	ssyncset.done $0x0  }
0x8f: {  	[sflag:s10] =	ssyncadd.s32 $0xFFFFE000  }
0x90: {  	_ =	swait.ge [sflag:s10], $0x2000  }
0x91: {  	[sflag:s10] =	ssyncset.done $0x0  }
0x92: {  	[sflag:s10] =	ssyncadd.s32 $0xFFFFE000  }
0x93: {  	_ =	swait.ge [sflag:s10], $0x2000  }
0x94: {  	[sflag:s10] =	ssyncset.done $0x0  }
0x95: {  	s0 =	rddreg [dreg:$0x3];
	[sflag:s10] =	ssyncadd.s32 $0xFFFFE000  }
0x96: {  	[hbm4b:s0+s2] =	stream.linear.scatter [tilespmem:s5], [sflag:$0x3], $0x8000, $0x38;
	[tilespmem:$0x11000] =	vst v63  }
0x97: {  	_ =	swait.ge [sflag:s4], $0x8000  }
0x98: {  	[sflag:s4] =	ssyncset.done $0x0  }
0x99: {  	[sflag:s4] =	ssyncadd.s32 $0xFFFF8000  }
0x9a: {  	[tilespmem:s5], [sflag:$0x1] =	stream.indirect.gather [hbm4b:s7+s9], $0x20, s21, s9, $0xb8;
	[tilespmem:$0x11000] =	vst v63  }
0x9b: {  	_ = 	snop  }
0x9c: {  	[tilespmem:s14], [sflag:$0x1] =	stream.indirect.gather [hbm4b:s7+s9], $0x20, s22, s9, $0xb8;
	[tilespmem:$0x11000] =	vst v63  }
0x9d: {  	_ = 	snop  }
0x9e: {  	[tilespmem:s15], [sflag:$0x1] =	stream.indirect.gather [hbm4b:s7+s9], $0x20, s23, s9, $0xb8;
	[tilespmem:$0x11000] =	vst v63  }
0x9f: {  	_ = 	snop  }
0xa0: {  	[tilespmem:s16], [sflag:$0x1] =	stream.indirect.gather [hbm4b:s7+s9], $0x20, s24, s9, $0xb8;
	[tilespmem:$0x11000] =	vst v63  }
0xa1: {  	_ =	swait.ge [sflag:s8], $0x2000  }
0xa2: {  	[sflag:s8] =	ssyncset.done $0x0  }
0xa3: {  	[sflag:s8] =	ssyncadd.s32 $0xFFFFE000  }
0xa4: {  	_ =	swait.ge [sflag:s8], $0x2000  }
0xa5: {  	[sflag:s8] =	ssyncset.done $0x0  }
0xa6: {  	[sflag:s8] =	ssyncadd.s32 $0xFFFFE000  }
0xa7: {  	_ =	swait.ge [sflag:s8], $0x2000  }
0xa8: {  	[sflag:s8] =	ssyncset.done $0x0  }
0xa9: {  	[sflag:s8] =	ssyncadd.s32 $0xFFFFE000  }
0xaa: {  	_ =	swait.ge [sflag:s8], $0x2000  }
0xab: {  	[sflag:s8] =	ssyncset.done $0x0  }
0xac: {  	s0 =	rddreg [dreg:$0x4];
	[sflag:s8] =	ssyncadd.s32 $0xFFFFE000  }
0xad: {  	[hbm4b:s0+s2] =	stream.linear.scatter [tilespmem:s3], [sflag:$0x4], $0x8000, $0x38;
	[tilespmem:$0x11000] =	vst v63  }
0xae: {  	_ =	swait.ge [sflag:s6], $0x8000  }
0xaf: {  	[sflag:s6] =	ssyncset.done $0x0  }
0xb0: {  	[sflag:s6] =	ssyncadd.s32 $0xFFFF8000  }
0xb1: {  	[tilespmem:s3], [sflag:$0x2] =	stream.indirect.gather [hbm4b:s7+s9], $0x20, s17, s9, $0xb8;
	[tilespmem:$0x11000] =	vst v63  }
0xb2: {  	_ = 	snop  }
0xb3: {  	[tilespmem:s11], [sflag:$0x2] =	stream.indirect.gather [hbm4b:s7+s9], $0x20, s18, s9, $0xb8;
	[tilespmem:$0x11000] =	vst v63  }
0xb4: {  	_ = 	snop  }
0xb5: {  	[tilespmem:s12], [sflag:$0x2] =	stream.indirect.gather [hbm4b:s7+s9], $0x20, s19, s9, $0xb8;
	[tilespmem:$0x11000] =	vst v63  }
0xb6: {  	_ = 	snop  }
0xb7: {  	[tilespmem:s13], [sflag:$0x2] =	stream.indirect.gather [hbm4b:s7+s9], $0x20, s20, s9, $0xb8;
	[tilespmem:$0x11000] =	vst v63  }
0xb8: {  	_ =	swait.ge [sflag:s10], $0x2000  }
0xb9: {  	[sflag:s10] =	ssyncset.done $0x0  }
0xba: {  	[sflag:s10] =	ssyncadd.s32 $0xFFFFE000  }
0xbb: {  	_ =	swait.ge [sflag:s10], $0x2000  }
0xbc: {  	[sflag:s10] =	ssyncset.done $0x0  }
0xbd: {  	[sflag:s10] =	ssyncadd.s32 $0xFFFFE000  }
0xbe: {  	_ =	swait.ge [sflag:s10], $0x2000  }
0xbf: {  	[sflag:s10] =	ssyncset.done $0x0  }
0xc0: {  	[sflag:s10] =	ssyncadd.s32 $0xFFFFE000  }
0xc1: {  	_ =	swait.ge [sflag:s10], $0x2000  }
0xc2: {  	[sflag:s10] =	ssyncset.done $0x0  }
0xc3: {  	s0 =	rddreg [dreg:$0x5];
	[sflag:s10] =	ssyncadd.s32 $0xFFFFE000  }
0xc4: {  	[hbm4b:s0+s2] =	stream.linear.scatter [tilespmem:s5], [sflag:$0x3], $0x8000, $0x38;
	[tilespmem:$0x11000] =	vst v63  }
0xc5: {  	_ =	swait.ge [sflag:s8], $0x2000  }
0xc6: {  	[sflag:s8] =	ssyncset.done $0x0  }
0xc7: {  	[sflag:s8] =	ssyncadd.s32 $0xFFFFE000  }
0xc8: {  	_ =	swait.ge [sflag:s8], $0x2000  }
0xc9: {  	[sflag:s8] =	ssyncset.done $0x0  }
0xca: {  	[sflag:s8] =	ssyncadd.s32 $0xFFFFE000  }
0xcb: {  	_ =	swait.ge [sflag:s8], $0x2000  }
0xcc: {  	[sflag:s8] =	ssyncset.done $0x0  }
0xcd: {  	[sflag:s8] =	ssyncadd.s32 $0xFFFFE000  }
0xce: {  	_ =	swait.ge [sflag:s8], $0x2000  }
0xcf: {  	[sflag:s8] =	ssyncset.done $0x0  }
0xd0: {  	p1 =	sne.s32 s1, $0x1;
	s0 =	rddreg [dreg:$0x6];
	[sflag:s8] =	ssyncadd.s32 $0xFFFFE000  }
0xd1: {  	[hbm4b:s0+s2] =	stream.linear.scatter [tilespmem:s3], [sflag:$0x4], $0x8000, $0x38;
	[tilespmem:$0x11000] =	vst v63  }
.Ltmp2:
0xd2: {  	_ =	swait.ge [sflag:s4], $0x8000;
	(pc) =	sbr.rel @p1 .LBB2_2-.Ltmp2, $4  }
0xd3: {  	[sflag:s4] =	ssyncset.done $0x0  }
0xd4: {  	[sflag:s4] =	ssyncadd.s32 $0xFFFF8000  }
0xd5: {  	_ =	swait.ge [sflag:s6], $0x8000  }
0xd6: {  	s1 =	sadd.s32 $0xFFFFFFFF, s1;
	s0 =	rddreg [dreg:$0x2];
	[sflag:s6] =	ssyncset.done $0x0  }
.LBB2_3:
0xd7: {  	[sflag:s6] =	ssyncadd.s32 @p0 $0xFFFF8000  }
0xd8: {  	[tilespmem:s2], [sflag:$0x5] =	stream.linear.gather [hbm4b:s0+s2], $0x1000, $0x38;
	[tilespmem:$0x11000] =	vst v63  }
0xd9: {  	_ =	swait.ge [sflag:s25], $0x1000  }
0xda: {  	[sflag:s25] =	ssyncset.done $0x0  }
0xdb: {  	[sflag:s25] =	ssyncadd.s32 $0xFFFFF000  }
0xdc: {  	[tilespmem:s5], [sflag:$0x1] =	stream.indirect.gather [hbm4b:s7+s9], $0x20, s2, s9, $0xb8;
	[tilespmem:$0x11000] =	vst v63  }
0xdd: {  	_ = 	snop  }
0xde: {  	[tilespmem:s14], [sflag:$0x1] =	stream.indirect.gather [hbm4b:s7+s9], $0x20, s9, s9, $0xb8;
	[tilespmem:$0x11000] =	vst v63  }
0xdf: {  	s25 =	rddreg [dreg:$0x7]  }
0xe0: {  	[tilespmem:s15], [sflag:$0x1] =	stream.indirect.gather [hbm4b:s7+s9], $0x20, s25, s9, $0xb8;
	[tilespmem:$0x11000] =	vst v63  }
0xe1: {  	_ = 	snop  }
0xe2: {  	[tilespmem:s16], [sflag:$0x1] =	stream.indirect.gather [hbm4b:s7+s9], $0x20, s26, s9, $0xb8;
	[tilespmem:$0x11000] =	vst v63  }
0xe3: {  	_ = 	snop  }
0xe4: {  	[tilespmem:s3], [sflag:$0x2] =	stream.indirect.gather [hbm4b:s7+s9], $0x20, s28, s9, $0xb8;
	[tilespmem:$0x11000] =	vst v63  }
0xe5: {  	_ = 	snop  }
0xe6: {  	[tilespmem:s11], [sflag:$0x2] =	stream.indirect.gather [hbm4b:s7+s9], $0x20, s29, s9, $0xb8;
	[tilespmem:$0x11000] =	vst v63  }
0xe7: {  	_ = 	snop  }
0xe8: {  	[tilespmem:s12], [sflag:$0x2] =	stream.indirect.gather [hbm4b:s7+s9], $0x20, s30, s9, $0xb8;
	[tilespmem:$0x11000] =	vst v63  }
0xe9: {  	_ = 	snop  }
0xea: {  	[tilespmem:s13], [sflag:$0x2] =	stream.indirect.gather [hbm4b:s7+s9], $0x20, s31, s9, $0xb8;
	[tilespmem:$0x11000] =	vst v63  }
0xeb: {  	_ =	swait.ge [sflag:s10], $0x2000  }
0xec: {  	[sflag:s10] =	ssyncset.done $0x0  }
0xed: {  	[sflag:s10] =	ssyncadd.s32 $0xFFFFE000  }
0xee: {  	_ =	swait.ge [sflag:s10], $0x2000  }
0xef: {  	[sflag:s10] =	ssyncset.done $0x0  }
0xf0: {  	[sflag:s10] =	ssyncadd.s32 $0xFFFFE000  }
0xf1: {  	_ =	swait.ge [sflag:s10], $0x2000  }
0xf2: {  	[sflag:s10] =	ssyncset.done $0x0  }
0xf3: {  	[sflag:s10] =	ssyncadd.s32 $0xFFFFE000  }
0xf4: {  	_ =	swait.ge [sflag:s10], $0x2000  }
0xf5: {  	[sflag:s10] =	ssyncset.done $0x0  }
0xf6: {  	s26 =	rddreg [dreg:$0x3];
	[sflag:s10] =	ssyncadd.s32 $0xFFFFE000  }
0xf7: {  	[hbm4b:s26+s2] =	stream.linear.scatter [tilespmem:s5], [sflag:$0x3], $0x8000, $0x38;
	[tilespmem:$0x11000] =	vst v63  }
0xf8: {  	_ =	swait.ge [sflag:s4], $0x8000  }
0xf9: {  	[sflag:s4] =	ssyncset.done $0x0  }
0xfa: {  	[sflag:s4] =	ssyncadd.s32 $0xFFFF8000  }
0xfb: {  	[tilespmem:s5], [sflag:$0x1] =	stream.indirect.gather [hbm4b:s7+s9], $0x20, s21, s9, $0xb8;
	[tilespmem:$0x11000] =	vst v63  }
0xfc: {  	_ = 	snop  }
0xfd: {  	[tilespmem:s14], [sflag:$0x1] =	stream.indirect.gather [hbm4b:s7+s9], $0x20, s22, s9, $0xb8;
	[tilespmem:$0x11000] =	vst v63  }
0xfe: {  	_ = 	snop  }
0xff: {  	[tilespmem:s15], [sflag:$0x1] =	stream.indirect.gather [hbm4b:s7+s9], $0x20, s23, s9, $0xb8;
	[tilespmem:$0x11000] =	vst v63  }
0x100: {  	_ = 	snop  }
0x101: {  	[tilespmem:s16], [sflag:$0x1] =	stream.indirect.gather [hbm4b:s7+s9], $0x20, s24, s9, $0xb8;
	[tilespmem:$0x11000] =	vst v63  }
0x102: {  	_ =	swait.ge [sflag:s8], $0x2000  }
0x103: {  	[sflag:s8] =	ssyncset.done $0x0  }
0x104: {  	[sflag:s8] =	ssyncadd.s32 $0xFFFFE000  }
0x105: {  	_ =	swait.ge [sflag:s8], $0x2000  }
0x106: {  	[sflag:s8] =	ssyncset.done $0x0  }
0x107: {  	[sflag:s8] =	ssyncadd.s32 $0xFFFFE000  }
0x108: {  	_ =	swait.ge [sflag:s8], $0x2000  }
0x109: {  	[sflag:s8] =	ssyncset.done $0x0  }
0x10a: {  	[sflag:s8] =	ssyncadd.s32 $0xFFFFE000  }
0x10b: {  	_ =	swait.ge [sflag:s8], $0x2000  }
0x10c: {  	[sflag:s8] =	ssyncset.done $0x0  }
0x10d: {  	s28 =	rddreg [dreg:$0x4];
	[sflag:s8] =	ssyncadd.s32 $0xFFFFE000  }
0x10e: {  	[hbm4b:s28+s2] =	stream.linear.scatter [tilespmem:s3], [sflag:$0x4], $0x8000, $0x38;
	[tilespmem:$0x11000] =	vst v63  }
0x10f: {  	_ =	swait.ge [sflag:s6], $0x8000  }
0x110: {  	[sflag:s6] =	ssyncset.done $0x0  }
0x111: {  	[sflag:s6] =	ssyncadd.s32 $0xFFFF8000  }
0x112: {  	[tilespmem:s3], [sflag:$0x2] =	stream.indirect.gather [hbm4b:s7+s9], $0x20, s17, s9, $0xb8;
	[tilespmem:$0x11000] =	vst v63  }
0x113: {  	_ = 	snop  }
0x114: {  	[tilespmem:s11], [sflag:$0x2] =	stream.indirect.gather [hbm4b:s7+s9], $0x20, s18, s9, $0xb8;
	[tilespmem:$0x11000] =	vst v63  }
0x115: {  	_ = 	snop  }
0x116: {  	[tilespmem:s12], [sflag:$0x2] =	stream.indirect.gather [hbm4b:s7+s9], $0x20, s19, s9, $0xb8;
	[tilespmem:$0x11000] =	vst v63  }
0x117: {  	_ = 	snop  }
0x118: {  	[tilespmem:s13], [sflag:$0x2] =	stream.indirect.gather [hbm4b:s7+s9], $0x20, s20, s9, $0xb8;
	[tilespmem:$0x11000] =	vst v63  }
0x119: {  	_ =	swait.ge [sflag:s10], $0x2000  }
0x11a: {  	[sflag:s10] =	ssyncset.done $0x0  }
0x11b: {  	[sflag:s10] =	ssyncadd.s32 $0xFFFFE000  }
0x11c: {  	_ =	swait.ge [sflag:s10], $0x2000  }
0x11d: {  	[sflag:s10] =	ssyncset.done $0x0  }
0x11e: {  	[sflag:s10] =	ssyncadd.s32 $0xFFFFE000  }
0x11f: {  	_ =	swait.ge [sflag:s10], $0x2000  }
0x120: {  	[sflag:s10] =	ssyncset.done $0x0  }
0x121: {  	[sflag:s10] =	ssyncadd.s32 $0xFFFFE000  }
0x122: {  	_ =	swait.ge [sflag:s10], $0x2000  }
0x123: {  	[sflag:s10] =	ssyncset.done $0x0  }
0x124: {  	s29 =	rddreg [dreg:$0x5];
	[sflag:s10] =	ssyncadd.s32 $0xFFFFE000  }
0x125: {  	[hbm4b:s29+s2] =	stream.linear.scatter [tilespmem:s5], [sflag:$0x3], $0x8000, $0x38;
	[tilespmem:$0x11000] =	vst v63  }
0x126: {  	_ =	swait.ge [sflag:s8], $0x2000  }
0x127: {  	[sflag:s8] =	ssyncset.done $0x0  }
0x128: {  	[sflag:s8] =	ssyncadd.s32 $0xFFFFE000  }
0x129: {  	_ =	swait.ge [sflag:s8], $0x2000  }
0x12a: {  	[sflag:s8] =	ssyncset.done $0x0  }
0x12b: {  	[sflag:s8] =	ssyncadd.s32 $0xFFFFE000  }
0x12c: {  	_ =	swait.ge [sflag:s8], $0x2000  }
0x12d: {  	[sflag:s8] =	ssyncset.done $0x0  }
0x12e: {  	[sflag:s8] =	ssyncadd.s32 $0xFFFFE000  }
0x12f: {  	_ =	swait.ge [sflag:s8], $0x2000  }
0x130: {  	[sflag:s8] =	ssyncset.done $0x0  }
0x131: {  	s30 =	rddreg [dreg:$0x6];
	[sflag:s8] =	ssyncadd.s32 $0xFFFFE000  }
0x132: {  	[hbm4b:s30+s2] =	stream.linear.scatter [tilespmem:s3], [sflag:$0x4], $0x8000, $0x38;
	[tilespmem:$0x11000] =	vst v63  }
0x133: {  	_ =	swait.ge [sflag:s4], $0x8000  }
0x134: {  	[sflag:s4] =	ssyncset.done $0x0  }
0x135: {  	[sflag:s4] =	ssyncadd.s32 $0xFFFF8000  }
0x136: {  	_ =	swait.ge [sflag:s6], $0x8000  }
0x137: {  	[sflag:s6] =	ssyncset.done $0x0  }
0x138: {  	[sflag:s6] =	ssyncadd.s32 $0xFFFF8000  }
0x139: {  	_ =	sfence.sel $0x180000  }
0x13a: {  	[bflag:$0x0] =	sbarrier.arrive $0xFFFF  }
0x13b: {  	_ =	strace $0x90000047  }
0x13c: {  	s31 =	stileid.u32;
	[bflag:$0x2] =	sbarrier.arrive $0xFFFF  }
0x13d: {  	p0 =	sne.s32 s31, $0x0;
	s0 =	rddreg [dreg:$0x1]  }
0x13e: {  	s0 =	sadd.s32 @!p0 $0x100000, s0  }
0x13f: {  	[sflag:s0] =	ssyncadd.tile.s32 @!p0 $0x1;
	_ =	shalt  }
.Lfunc_end2:
_tile_overlayer_lowered:
.L_overlay_start_2:
0x140: {  	(tag) =	ssettag $0x2  }
0x141: {  	s0 =	rddreg [dreg:$0x0];
	s2 =	stileid.u32  }
0x142: {  	s1 =	rddreg [dreg:$0x1];
	p0 =	sne.s32 s2, $0x0  }
0x143: {  	s3 =	rddreg [dreg:$0x2];
	[bflag:$0x3] =	sbarrier.arrive $0xFFFF;
	s2 =	simm.s32 @!p0 $0x1C05  }
0x144: {  	[timem:s3], [sflag:s2] =	dma.local @!p0 [hbm:s0], s1  }
0x145: {  	s0 =	simm.s32 @!p0 $0x5  }
0x146: {  	_ =	swait.ge @!p0 [sflag:s0], s1  }
0x147: {  	s1 =	ssub.s32 @!p0 $0x0, s1;
	[sflag:s0] =	ssyncset.done @!p0 $0x0  }
0x148: {  	[sflag:s0] =	ssyncadd.s32 @!p0 s1  }
0x149: {  	[bflag:$0x3] =	sbarrier.arrive $0xFFFF  }
0x14a: {  	_ =	shalt  }

</sc_bundles>
